<compile_context>
chip_gen: v7x
topology: tpu7x:2x2x1
jax: 0.10.2.dev20260603
libtpu: 0.0.44.dev20260713+nightly
codegen_flags: <defaults>
</compile_context>

<pallas_src>
import functools

import jax
import jax.numpy as jnp
from jax import lax
from jax.experimental import pallas as pl
from jax.experimental.pallas import tpu as pltpu
from jax.experimental.pallas import tpu_sc as plsc

B = 16384
D = 64
L = 16
NC = 2
NS = 16
NW = NC * NS
RPW = B // NW
CH = 128
NCHUNK = RPW // CH


def _sc_body(e1_hbm, rel_hbm, e2_hbm, er_hbm, ei_hbm, rr_hbm, ri_hbm,
             out_hbm,
             e1_v, rel_v, e2_v,
             a_r0, a_i0, r_r0, r_i0, b_r0, b_i0,
             a_r1, a_i1, r_r1, r_i1, b_r1, b_i1,
             s_v, out_v, sem0, sem1):
    wid = lax.axis_index("s") * NC + lax.axis_index("c")
    row0 = wid * RPW

    pltpu.sync_copy(e1_hbm.at[pl.ds(row0, RPW)], e1_v)
    pltpu.sync_copy(rel_hbm.at[pl.ds(row0, RPW)], rel_v)
    pltpu.sync_copy(e2_hbm.at[pl.ds(row0, RPW)], e2_v)

    bufs = [
        (a_r0, a_i0, r_r0, r_i0, b_r0, b_i0, sem0),
        (a_r1, a_i1, r_r1, r_i1, b_r1, b_i1, sem1),
    ]

    def start(c, buf):
        a_r, a_i, r_r, r_i, b_r, b_i, sem = buf
        sl = pl.ds(c * CH, CH)
        return [
            pltpu.async_copy(er_hbm.at[e1_v.at[sl]], a_r, sem),
            pltpu.async_copy(ei_hbm.at[e1_v.at[sl]], a_i, sem),
            pltpu.async_copy(rr_hbm.at[rel_v.at[sl]], r_r, sem),
            pltpu.async_copy(ri_hbm.at[rel_v.at[sl]], r_i, sem),
            pltpu.async_copy(er_hbm.at[e2_v.at[sl]], b_r, sem),
            pltpu.async_copy(ei_hbm.at[e2_v.at[sl]], b_i, sem),
        ]

    def compute(c, buf):
        a_r, a_i, r_r, r_i, b_r, b_i, _ = buf

        def group_body(g, carry2):
            def row_body(r, carry3):
                row = g * L + r
                acc = jnp.zeros((L,), jnp.float32)
                for k in range(D // L):
                    sl = pl.ds(k * L, L)
                    ar = a_r[row, sl]
                    ai = a_i[row, sl]
                    rr = r_r[row, sl]
                    ri = r_i[row, sl]
                    br = b_r[row, sl]
                    bi = b_i[row, sl]
                    acc = acc + br * (ar * rr - ai * ri) + bi * (ar * ri + ai * rr)
                s_v[pl.ds(pl.multiple_of(r * L, L), L)] = acc
                return carry3

            lax.fori_loop(0, L, row_body, 0)
            lane = lax.iota(jnp.int32, L)
            tot = jnp.zeros((L,), jnp.float32)
            for j in range(L):
                tot = tot + plsc.load_gather(s_v, [lane * L + j])
            res = 1.0 / (1.0 + jnp.exp(-tot))
            off = pl.multiple_of(c * CH + g * L, L)
            out_v[pl.ds(off, L)] = res
            return carry2

        lax.fori_loop(0, CH // L, group_body, 0)

    cps = start(0, bufs[0])
    for c in range(NCHUNK):
        nxt = None
        if c + 1 < NCHUNK:
            nxt = start(c + 1, bufs[(c + 1) % 2])
        for cp in cps:
            cp.wait()
        compute(c, bufs[c % 2])
        cps = nxt

    pltpu.sync_copy(out_v, out_hbm.at[pl.ds(row0, RPW)])


@jax.jit
def _scores(e1_idx, rel_idx, e2_idx, ent_real, ent_img, rel_real, rel_img):
    mesh = plsc.VectorSubcoreMesh(core_axis_name="c", subcore_axis_name="s")
    fn = pl.kernel(
        _sc_body,
        mesh=mesh,
        compiler_params=pltpu.CompilerParams(
            needs_layout_passes=False, use_tc_tiling_on_sc=False
        ),
        out_type=jax.ShapeDtypeStruct((B,), jnp.float32),
        scratch_types=(
            [pltpu.VMEM((RPW,), jnp.int32)] * 3
            + [pltpu.VMEM((CH, D), jnp.float32)] * 12
            + [
                pltpu.VMEM((L * L,), jnp.float32),
                pltpu.VMEM((RPW,), jnp.float32),
                pltpu.SemaphoreType.DMA,
                pltpu.SemaphoreType.DMA,
            ]
        ),
    )
    return fn(e1_idx, rel_idx, e2_idx, ent_real, ent_img, rel_real, rel_img)


def kernel(e1_idx, rel_idx, e2_idx, ent_real, ent_img, rel_real, rel_img):
    e1 = e1_idx.astype(jnp.int32)
    rel = rel_idx.astype(jnp.int32)
    e2 = e2_idx.astype(jnp.int32)
    out = _scores(e1, rel, e2, ent_real, ent_img, rel_real, rel_img)
    return (out, jnp.float32(0.0))

# --- scband reference (transcript-rebuilt; emitter-appended) ---
"""Pipeline reference for scband-compl-ex-18468359373474 (READ-ONLY COPY).

The authoritative reference and input builder live on the scoring server;
editing this copy changes nothing except your own understanding.
"""

import jax, jax.numpy as jnp
import numpy as np

B = 16384
NE = 1000000
NR = 1000
D = 64

def setup_inputs(seed: int = 0) -> dict:
    key = jax.random.key(seed)
    k1, k2, k3, k4, k5, k6, k7 = jax.random.split(key, 7)
    return {
        "e1_idx": jax.random.randint(k1, (B,), 0, NE, dtype=jnp.int64) if jax.config.jax_enable_x64 else jax.random.randint(k1, (B,), 0, NE, dtype=jnp.int32),
        "rel_idx": jax.random.randint(k2, (B,), 0, NR, dtype=jnp.int32),
        "e2_idx": jax.random.randint(k3, (B,), 0, NE, dtype=jnp.int32),
        "ent_real": jax.random.normal(k4, (NE, D), dtype=jnp.float32) * 0.05,
        "ent_img": jax.random.normal(k5, (NE, D), dtype=jnp.float32) * 0.05,
        "rel_real": jax.random.normal(k6, (NR, D), dtype=jnp.float32) * 0.05,
        "rel_img": jax.random.normal(k7, (NR, D), dtype=jnp.float32) * 0.05,
    }

def reference(e1_idx, rel_idx, e2_idx, ent_real, ent_img, rel_real, rel_img):
    # Embedding gathers (lit_mode='none', batch_norm=False, dropout inactive in eval)
    e1_emb_real = jnp.take(ent_real, e1_idx, axis=0)
    e1_emb_img = jnp.take(ent_img, e1_idx, axis=0)
    r_emb_real = jnp.take(rel_real, rel_idx, axis=0)
    r_emb_img = jnp.take(rel_img, rel_idx, axis=0)
    e2_emb_real = jnp.take(ent_real, e2_idx, axis=0)
    e2_emb_img = jnp.take(ent_img, e2_idx, axis=0)
    real_real_real = jnp.sum(e1_emb_real * r_emb_real * e2_emb_real, axis=1)
    real_img_img = jnp.sum(e1_emb_real * r_emb_img * e2_emb_img, axis=1)
    img_real_img = jnp.sum(e1_emb_img * r_emb_real * e2_emb_img, axis=1)
    img_img_real = jnp.sum(e1_emb_img * r_emb_img * e2_emb_real, axis=1)
    out = jax.nn.sigmoid(real_real_real + real_img_img + img_real_img - img_img_real)
    out = jnp.ravel(out)
    reg = jnp.float32(0.0)  # reg_weight == 0
    return (out, reg)

if __name__ == "__main__":
    import jax
    _d = setup_inputs()
    print(jax.jit(kernel)(*tuple(_d.values())))

</pallas_src>

<mosaic_0001>
#map = affine_map<(d0, d1) -> (0)>
#map1 = affine_map<(d0, d1) -> (0, 0)>
module attributes {stable_mosaic.version = 14 : i64} {
  func.func @_sc_body(%arg0: i32, %arg1: i32, %arg2: memref<16384xi32, #tpu.memory_space<hbm>>, %arg3: memref<16384xi32, #tpu.memory_space<hbm>>, %arg4: memref<16384xi32, #tpu.memory_space<hbm>>, %arg5: memref<1000000x64xf32, #tpu.memory_space<hbm>>, %arg6: memref<1000000x64xf32, #tpu.memory_space<hbm>>, %arg7: memref<1000x64xf32, #tpu.memory_space<hbm>>, %arg8: memref<1000x64xf32, #tpu.memory_space<hbm>>, %arg9: memref<16384xf32, #tpu.memory_space<hbm>>, %arg10: memref<512xi32, #tpu.memory_space<vmem>>, %arg11: memref<512xi32, #tpu.memory_space<vmem>>, %arg12: memref<512xi32, #tpu.memory_space<vmem>>, %arg13: memref<128x64xf32, #tpu.memory_space<vmem>>, %arg14: memref<128x64xf32, #tpu.memory_space<vmem>>, %arg15: memref<128x64xf32, #tpu.memory_space<vmem>>, %arg16: memref<128x64xf32, #tpu.memory_space<vmem>>, %arg17: memref<128x64xf32, #tpu.memory_space<vmem>>, %arg18: memref<128x64xf32, #tpu.memory_space<vmem>>, %arg19: memref<128x64xf32, #tpu.memory_space<vmem>>, %arg20: memref<128x64xf32, #tpu.memory_space<vmem>>, %arg21: memref<128x64xf32, #tpu.memory_space<vmem>>, %arg22: memref<128x64xf32, #tpu.memory_space<vmem>>, %arg23: memref<128x64xf32, #tpu.memory_space<vmem>>, %arg24: memref<128x64xf32, #tpu.memory_space<vmem>>, %arg25: memref<256xf32, #tpu.memory_space<vmem>>, %arg26: memref<512xf32, #tpu.memory_space<vmem>>, %arg27: memref<!tpu.dma_semaphore, #tpu.memory_space<semaphore_mem>>, %arg28: memref<!tpu.dma_semaphore, #tpu.memory_space<semaphore_mem>>) attributes {dimension_semantics = [#tpu.dimension_semantics<core_parallel>, #tpu.dimension_semantics<subcore_parallel>], iteration_bounds = array<i64: 2, 16>, scalar_prefetch = 0 : i64, scratch_operands = 19 : i64, tpu.core_type = #tpu.core_type<sc_vector_subcore>, window_params = [{transform_indices = #map}, {transform_indices = #map}, {transform_indices = #map}, {transform_indices = #map1}, {transform_indices = #map1}, {transform_indices = #map1}, {transform_indices = #map1}, {transform_indices = #map}]} {
    %mul3A = arith.constant 2 : i32
    %mul3A_0 = arith.muli %arg1, %mul3A : i32
    %add3A = arith.addi %mul3A_0, %arg0 : i32
    %mul3A_1 = arith.constant 512 : i32
    %mul3A_2 = arith.muli %add3A, %mul3A_1 : i32
    "tpu.region"() ({
      %run_scoped3A = tpu.sem_alloc : memref<!tpu.dma_semaphore, #tpu.memory_space<semaphore_mem>>
      %dma_start3A_264 = tpu.memref_slice %arg2[%mul3A_2] : memref<16384xi32, #tpu.memory_space<hbm>> -> memref<512xi32, #tpu.memory_space<hbm>>
      %dma_start3A_265 = tpu.memref_slice %arg2[%mul3A_2] : memref<16384xi32, #tpu.memory_space<hbm>> -> memref<512xi32, #tpu.memory_space<hbm>>
      tpu.enqueue_dma source(%dma_start3A_265 : memref<512xi32, #tpu.memory_space<hbm>>) target(%arg10 : memref<512xi32, #tpu.memory_space<vmem>>) target_semaphore(%run_scoped3A : memref<!tpu.dma_semaphore, #tpu.memory_space<semaphore_mem>>)
      %dma_wait3A_266 = tpu.memref_slice %arg2[%mul3A_2] : memref<16384xi32, #tpu.memory_space<hbm>> -> memref<512xi32, #tpu.memory_space<hbm>>
      %dma_wait3A_267 = tpu.memref_slice %arg2[%mul3A_2] : memref<16384xi32, #tpu.memory_space<hbm>> -> memref<512xi32, #tpu.memory_space<hbm>>
      tpu.wait_dma2 semaphore(%run_scoped3A : memref<!tpu.dma_semaphore, #tpu.memory_space<semaphore_mem>>) src(%dma_wait3A_267 : memref<512xi32, #tpu.memory_space<hbm>>) dst(%arg10 : memref<512xi32, #tpu.memory_space<vmem>>)
      tpu.yield
    }) : () -> ()
    "tpu.region"() ({
      %run_scoped3A = tpu.sem_alloc : memref<!tpu.dma_semaphore, #tpu.memory_space<semaphore_mem>>
      %dma_start3A_264 = tpu.memref_slice %arg3[%mul3A_2] : memref<16384xi32, #tpu.memory_space<hbm>> -> memref<512xi32, #tpu.memory_space<hbm>>
      %dma_start3A_265 = tpu.memref_slice %arg3[%mul3A_2] : memref<16384xi32, #tpu.memory_space<hbm>> -> memref<512xi32, #tpu.memory_space<hbm>>
      tpu.enqueue_dma source(%dma_start3A_265 : memref<512xi32, #tpu.memory_space<hbm>>) target(%arg11 : memref<512xi32, #tpu.memory_space<vmem>>) target_semaphore(%run_scoped3A : memref<!tpu.dma_semaphore, #tpu.memory_space<semaphore_mem>>)
      %dma_wait3A_266 = tpu.memref_slice %arg3[%mul3A_2] : memref<16384xi32, #tpu.memory_space<hbm>> -> memref<512xi32, #tpu.memory_space<hbm>>
      %dma_wait3A_267 = tpu.memref_slice %arg3[%mul3A_2] : memref<16384xi32, #tpu.memory_space<hbm>> -> memref<512xi32, #tpu.memory_space<hbm>>
      tpu.wait_dma2 semaphore(%run_scoped3A : memref<!tpu.dma_semaphore, #tpu.memory_space<semaphore_mem>>) src(%dma_wait3A_267 : memref<512xi32, #tpu.memory_space<hbm>>) dst(%arg11 : memref<512xi32, #tpu.memory_space<vmem>>)
      tpu.yield
    }) : () -> ()
    "tpu.region"() ({
      %run_scoped3A = tpu.sem_alloc : memref<!tpu.dma_semaphore, #tpu.memory_space<semaphore_mem>>
      %dma_start3A_264 = tpu.memref_slice %arg4[%mul3A_2] : memref<16384xi32, #tpu.memory_space<hbm>> -> memref<512xi32, #tpu.memory_space<hbm>>
      %dma_start3A_265 = tpu.memref_slice %arg4[%mul3A_2] : memref<16384xi32, #tpu.memory_space<hbm>> -> memref<512xi32, #tpu.memory_space<hbm>>
      tpu.enqueue_dma source(%dma_start3A_265 : memref<512xi32, #tpu.memory_space<hbm>>) target(%arg12 : memref<512xi32, #tpu.memory_space<vmem>>) target_semaphore(%run_scoped3A : memref<!tpu.dma_semaphore, #tpu.memory_space<semaphore_mem>>)
      %dma_wait3A_266 = tpu.memref_slice %arg4[%mul3A_2] : memref<16384xi32, #tpu.memory_space<hbm>> -> memref<512xi32, #tpu.memory_space<hbm>>
      %dma_wait3A_267 = tpu.memref_slice %arg4[%mul3A_2] : memref<16384xi32, #tpu.memory_space<hbm>> -> memref<512xi32, #tpu.memory_space<hbm>>
      tpu.wait_dma2 semaphore(%run_scoped3A : memref<!tpu.dma_semaphore, #tpu.memory_space<semaphore_mem>>) src(%dma_wait3A_267 : memref<512xi32, #tpu.memory_space<hbm>>) dst(%arg12 : memref<512xi32, #tpu.memory_space<vmem>>)
      tpu.yield
    }) : () -> ()
    %dma_start3A = arith.constant 0 : i32
    %dma_start3A_3 = tpu.memref_slice %arg10[%dma_start3A] : memref<512xi32, #tpu.memory_space<vmem>> -> memref<128xi32, #tpu.memory_space<vmem>>
    %dma_start3A_4 = arith.constant 0 : i32
    %dma_start3A_5 = arith.constant 0 : i32
    %dma_start3A_6 = tpu.memref_slice %arg5[%dma_start3A_4, %dma_start3A_5] : memref<1000000x64xf32, #tpu.memory_space<hbm>> -> memref<1000000x64xf32, #tpu.memory_space<hbm>>
    tpu.enqueue_indirect_dma source(%dma_start3A_6 : memref<1000000x64xf32, #tpu.memory_space<hbm>>) target(%arg13 : memref<128x64xf32, #tpu.memory_space<vmem>>) offsets(%dma_start3A_3 : memref<128xi32, #tpu.memory_space<vmem>>) semaphore(%arg27 : memref<!tpu.dma_semaphore, #tpu.memory_space<semaphore_mem>>)
    %dma_start3A_7 = arith.constant 0 : i32
    %dma_start3A_8 = tpu.memref_slice %arg10[%dma_start3A_7] : memref<512xi32, #tpu.memory_space<vmem>> -> memref<128xi32, #tpu.memory_space<vmem>>
    %dma_start3A_9 = arith.constant 0 : i32
    %dma_start3A_10 = arith.constant 0 : i32
    %dma_start3A_11 = tpu.memref_slice %arg6[%dma_start3A_9, %dma_start3A_10] : memref<1000000x64xf32, #tpu.memory_space<hbm>> -> memref<1000000x64xf32, #tpu.memory_space<hbm>>
    tpu.enqueue_indirect_dma source(%dma_start3A_11 : memref<1000000x64xf32, #tpu.memory_space<hbm>>) target(%arg14 : memref<128x64xf32, #tpu.memory_space<vmem>>) offsets(%dma_start3A_8 : memref<128xi32, #tpu.memory_space<vmem>>) semaphore(%arg27 : memref<!tpu.dma_semaphore, #tpu.memory_space<semaphore_mem>>)
    %dma_start3A_12 = arith.constant 0 : i32
    %dma_start3A_13 = tpu.memref_slice %arg11[%dma_start3A_12] : memref<512xi32, #tpu.memory_space<vmem>> -> memref<128xi32, #tpu.memory_space<vmem>>
    %dma_start3A_14 = arith.constant 0 : i32
    %dma_start3A_15 = arith.constant 0 : i32
    %dma_start3A_16 = tpu.memref_slice %arg7[%dma_start3A_14, %dma_start3A_15] : memref<1000x64xf32, #tpu.memory_space<hbm>> -> memref<1000x64xf32, #tpu.memory_space<hbm>>
    tpu.enqueue_indirect_dma source(%dma_start3A_16 : memref<1000x64xf32, #tpu.memory_space<hbm>>) target(%arg15 : memref<128x64xf32, #tpu.memory_space<vmem>>) offsets(%dma_start3A_13 : memref<128xi32, #tpu.memory_space<vmem>>) semaphore(%arg27 : memref<!tpu.dma_semaphore, #tpu.memory_space<semaphore_mem>>)
    %dma_start3A_17 = arith.constant 0 : i32
    %dma_start3A_18 = tpu.memref_slice %arg11[%dma_start3A_17] : memref<512xi32, #tpu.memory_space<vmem>> -> memref<128xi32, #tpu.memory_space<vmem>>
    %dma_start3A_19 = arith.constant 0 : i32
    %dma_start3A_20 = arith.constant 0 : i32
    %dma_start3A_21 = tpu.memref_slice %arg8[%dma_start3A_19, %dma_start3A_20] : memref<1000x64xf32, #tpu.memory_space<hbm>> -> memref<1000x64xf32, #tpu.memory_space<hbm>>
    tpu.enqueue_indirect_dma source(%dma_start3A_21 : memref<1000x64xf32, #tpu.memory_space<hbm>>) target(%arg16 : memref<128x64xf32, #tpu.memory_space<vmem>>) offsets(%dma_start3A_18 : memref<128xi32, #tpu.memory_space<vmem>>) semaphore(%arg27 : memref<!tpu.dma_semaphore, #tpu.memory_space<semaphore_mem>>)
    %dma_start3A_22 = arith.constant 0 : i32
    %dma_start3A_23 = tpu.memref_slice %arg12[%dma_start3A_22] : memref<512xi32, #tpu.memory_space<vmem>> -> memref<128xi32, #tpu.memory_space<vmem>>
    %dma_start3A_24 = arith.constant 0 : i32
    %dma_start3A_25 = arith.constant 0 : i32
    %dma_start3A_26 = tpu.memref_slice %arg5[%dma_start3A_24, %dma_start3A_25] : memref<1000000x64xf32, #tpu.memory_space<hbm>> -> memref<1000000x64xf32, #tpu.memory_space<hbm>>
    tpu.enqueue_indirect_dma source(%dma_start3A_26 : memref<1000000x64xf32, #tpu.memory_space<hbm>>) target(%arg17 : memref<128x64xf32, #tpu.memory_space<vmem>>) offsets(%dma_start3A_23 : memref<128xi32, #tpu.memory_space<vmem>>) semaphore(%arg27 : memref<!tpu.dma_semaphore, #tpu.memory_space<semaphore_mem>>)
    %dma_start3A_27 = arith.constant 0 : i32
    %dma_start3A_28 = tpu.memref_slice %arg12[%dma_start3A_27] : memref<512xi32, #tpu.memory_space<vmem>> -> memref<128xi32, #tpu.memory_space<vmem>>
    %dma_start3A_29 = arith.constant 0 : i32
    %dma_start3A_30 = arith.constant 0 : i32
    %dma_start3A_31 = tpu.memref_slice %arg6[%dma_start3A_29, %dma_start3A_30] : memref<1000000x64xf32, #tpu.memory_space<hbm>> -> memref<1000000x64xf32, #tpu.memory_space<hbm>>
    tpu.enqueue_indirect_dma source(%dma_start3A_31 : memref<1000000x64xf32, #tpu.memory_space<hbm>>) target(%arg18 : memref<128x64xf32, #tpu.memory_space<vmem>>) offsets(%dma_start3A_28 : memref<128xi32, #tpu.memory_space<vmem>>) semaphore(%arg27 : memref<!tpu.dma_semaphore, #tpu.memory_space<semaphore_mem>>)
    %dma_start3A_32 = arith.constant 128 : i32
    %dma_start3A_33 = tpu.memref_slice %arg10[%dma_start3A_32] : memref<512xi32, #tpu.memory_space<vmem>> -> memref<128xi32, #tpu.memory_space<vmem>>
    %dma_start3A_34 = arith.constant 0 : i32
    %dma_start3A_35 = arith.constant 0 : i32
    %dma_start3A_36 = tpu.memref_slice %arg5[%dma_start3A_34, %dma_start3A_35] : memref<1000000x64xf32, #tpu.memory_space<hbm>> -> memref<1000000x64xf32, #tpu.memory_space<hbm>>
    tpu.enqueue_indirect_dma source(%dma_start3A_36 : memref<1000000x64xf32, #tpu.memory_space<hbm>>) target(%arg19 : memref<128x64xf32, #tpu.memory_space<vmem>>) offsets(%dma_start3A_33 : memref<128xi32, #tpu.memory_space<vmem>>) semaphore(%arg28 : memref<!tpu.dma_semaphore, #tpu.memory_space<semaphore_mem>>)
    %dma_start3A_37 = arith.constant 128 : i32
    %dma_start3A_38 = tpu.memref_slice %arg10[%dma_start3A_37] : memref<512xi32, #tpu.memory_space<vmem>> -> memref<128xi32, #tpu.memory_space<vmem>>
    %dma_start3A_39 = arith.constant 0 : i32
    %dma_start3A_40 = arith.constant 0 : i32
    %dma_start3A_41 = tpu.memref_slice %arg6[%dma_start3A_39, %dma_start3A_40] : memref<1000000x64xf32, #tpu.memory_space<hbm>> -> memref<1000000x64xf32, #tpu.memory_space<hbm>>
    tpu.enqueue_indirect_dma source(%dma_start3A_41 : memref<1000000x64xf32, #tpu.memory_space<hbm>>) target(%arg20 : memref<128x64xf32, #tpu.memory_space<vmem>>) offsets(%dma_start3A_38 : memref<128xi32, #tpu.memory_space<vmem>>) semaphore(%arg28 : memref<!tpu.dma_semaphore, #tpu.memory_space<semaphore_mem>>)
    %dma_start3A_42 = arith.constant 128 : i32
    %dma_start3A_43 = tpu.memref_slice %arg11[%dma_start3A_42] : memref<512xi32, #tpu.memory_space<vmem>> -> memref<128xi32, #tpu.memory_space<vmem>>
    %dma_start3A_44 = arith.constant 0 : i32
    %dma_start3A_45 = arith.constant 0 : i32
    %dma_start3A_46 = tpu.memref_slice %arg7[%dma_start3A_44, %dma_start3A_45] : memref<1000x64xf32, #tpu.memory_space<hbm>> -> memref<1000x64xf32, #tpu.memory_space<hbm>>
    tpu.enqueue_indirect_dma source(%dma_start3A_46 : memref<1000x64xf32, #tpu.memory_space<hbm>>) target(%arg21 : memref<128x64xf32, #tpu.memory_space<vmem>>) offsets(%dma_start3A_43 : memref<128xi32, #tpu.memory_space<vmem>>) semaphore(%arg28 : memref<!tpu.dma_semaphore, #tpu.memory_space<semaphore_mem>>)
    %dma_start3A_47 = arith.constant 128 : i32
    %dma_start3A_48 = tpu.memref_slice %arg11[%dma_start3A_47] : memref<512xi32, #tpu.memory_space<vmem>> -> memref<128xi32, #tpu.memory_space<vmem>>
    %dma_start3A_49 = arith.constant 0 : i32
    %dma_start3A_50 = arith.constant 0 : i32
    %dma_start3A_51 = tpu.memref_slice %arg8[%dma_start3A_49, %dma_start3A_50] : memref<1000x64xf32, #tpu.memory_space<hbm>> -> memref<1000x64xf32, #tpu.memory_space<hbm>>
    tpu.enqueue_indirect_dma source(%dma_start3A_51 : memref<1000x64xf32, #tpu.memory_space<hbm>>) target(%arg22 : memref<128x64xf32, #tpu.memory_space<vmem>>) offsets(%dma_start3A_48 : memref<128xi32, #tpu.memory_space<vmem>>) semaphore(%arg28 : memref<!tpu.dma_semaphore, #tpu.memory_space<semaphore_mem>>)
    %dma_start3A_52 = arith.constant 128 : i32
    %dma_start3A_53 = tpu.memref_slice %arg12[%dma_start3A_52] : memref<512xi32, #tpu.memory_space<vmem>> -> memref<128xi32, #tpu.memory_space<vmem>>
    %dma_start3A_54 = arith.constant 0 : i32
    %dma_start3A_55 = arith.constant 0 : i32
    %dma_start3A_56 = tpu.memref_slice %arg5[%dma_start3A_54, %dma_start3A_55] : memref<1000000x64xf32, #tpu.memory_space<hbm>> -> memref<1000000x64xf32, #tpu.memory_space<hbm>>
    tpu.enqueue_indirect_dma source(%dma_start3A_56 : memref<1000000x64xf32, #tpu.memory_space<hbm>>) target(%arg23 : memref<128x64xf32, #tpu.memory_space<vmem>>) offsets(%dma_start3A_53 : memref<128xi32, #tpu.memory_space<vmem>>) semaphore(%arg28 : memref<!tpu.dma_semaphore, #tpu.memory_space<semaphore_mem>>)
    %dma_start3A_57 = arith.constant 128 : i32
    %dma_start3A_58 = tpu.memref_slice %arg12[%dma_start3A_57] : memref<512xi32, #tpu.memory_space<vmem>> -> memref<128xi32, #tpu.memory_space<vmem>>
    %dma_start3A_59 = arith.constant 0 : i32
    %dma_start3A_60 = arith.constant 0 : i32
    %dma_start3A_61 = tpu.memref_slice %arg6[%dma_start3A_59, %dma_start3A_60] : memref<1000000x64xf32, #tpu.memory_space<hbm>> -> memref<1000000x64xf32, #tpu.memory_space<hbm>>
    tpu.enqueue_indirect_dma source(%dma_start3A_61 : memref<1000000x64xf32, #tpu.memory_space<hbm>>) target(%arg24 : memref<128x64xf32, #tpu.memory_space<vmem>>) offsets(%dma_start3A_58 : memref<128xi32, #tpu.memory_space<vmem>>) semaphore(%arg28 : memref<!tpu.dma_semaphore, #tpu.memory_space<semaphore_mem>>)
    %dma_wait3A = arith.constant 0 : i32
    %dma_wait3A_62 = tpu.memref_slice %arg10[%dma_wait3A] : memref<512xi32, #tpu.memory_space<vmem>> -> memref<128xi32, #tpu.memory_space<vmem>>
    %dma_wait3A_63 = arith.constant 0 : i32
    %dma_wait3A_64 = arith.constant 0 : i32
    %dma_wait3A_65 = tpu.memref_slice %arg5[%dma_wait3A_63, %dma_wait3A_64] : memref<1000000x64xf32, #tpu.memory_space<hbm>> -> memref<1000000x64xf32, #tpu.memory_space<hbm>>
    tpu.wait_indirect_dma semaphore(%arg27 : memref<!tpu.dma_semaphore, #tpu.memory_space<semaphore_mem>>) src(%dma_wait3A_65 : memref<1000000x64xf32, #tpu.memory_space<hbm>>) dst(%arg13 : memref<128x64xf32, #tpu.memory_space<vmem>>)
    %dma_wait3A_66 = arith.constant 0 : i32
    %dma_wait3A_67 = tpu.memref_slice %arg10[%dma_wait3A_66] : memref<512xi32, #tpu.memory_space<vmem>> -> memref<128xi32, #tpu.memory_space<vmem>>
    %dma_wait3A_68 = arith.constant 0 : i32
    %dma_wait3A_69 = arith.constant 0 : i32
    %dma_wait3A_70 = tpu.memref_slice %arg6[%dma_wait3A_68, %dma_wait3A_69] : memref<1000000x64xf32, #tpu.memory_space<hbm>> -> memref<1000000x64xf32, #tpu.memory_space<hbm>>
    tpu.wait_indirect_dma semaphore(%arg27 : memref<!tpu.dma_semaphore, #tpu.memory_space<semaphore_mem>>) src(%dma_wait3A_70 : memref<1000000x64xf32, #tpu.memory_space<hbm>>) dst(%arg14 : memref<128x64xf32, #tpu.memory_space<vmem>>)
    %dma_wait3A_71 = arith.constant 0 : i32
    %dma_wait3A_72 = tpu.memref_slice %arg11[%dma_wait3A_71] : memref<512xi32, #tpu.memory_space<vmem>> -> memref<128xi32, #tpu.memory_space<vmem>>
    %dma_wait3A_73 = arith.constant 0 : i32
    %dma_wait3A_74 = arith.constant 0 : i32
    %dma_wait3A_75 = tpu.memref_slice %arg7[%dma_wait3A_73, %dma_wait3A_74] : memref<1000x64xf32, #tpu.memory_space<hbm>> -> memref<1000x64xf32, #tpu.memory_space<hbm>>
    tpu.wait_indirect_dma semaphore(%arg27 : memref<!tpu.dma_semaphore, #tpu.memory_space<semaphore_mem>>) src(%dma_wait3A_75 : memref<1000x64xf32, #tpu.memory_space<hbm>>) dst(%arg15 : memref<128x64xf32, #tpu.memory_space<vmem>>)
    %dma_wait3A_76 = arith.constant 0 : i32
    %dma_wait3A_77 = tpu.memref_slice %arg11[%dma_wait3A_76] : memref<512xi32, #tpu.memory_space<vmem>> -> memref<128xi32, #tpu.memory_space<vmem>>
    %dma_wait3A_78 = arith.constant 0 : i32
    %dma_wait3A_79 = arith.constant 0 : i32
    %dma_wait3A_80 = tpu.memref_slice %arg8[%dma_wait3A_78, %dma_wait3A_79] : memref<1000x64xf32, #tpu.memory_space<hbm>> -> memref<1000x64xf32, #tpu.memory_space<hbm>>
    tpu.wait_indirect_dma semaphore(%arg27 : memref<!tpu.dma_semaphore, #tpu.memory_space<semaphore_mem>>) src(%dma_wait3A_80 : memref<1000x64xf32, #tpu.memory_space<hbm>>) dst(%arg16 : memref<128x64xf32, #tpu.memory_space<vmem>>)
    %dma_wait3A_81 = arith.constant 0 : i32
    %dma_wait3A_82 = tpu.memref_slice %arg12[%dma_wait3A_81] : memref<512xi32, #tpu.memory_space<vmem>> -> memref<128xi32, #tpu.memory_space<vmem>>
    %dma_wait3A_83 = arith.constant 0 : i32
    %dma_wait3A_84 = arith.constant 0 : i32
    %dma_wait3A_85 = tpu.memref_slice %arg5[%dma_wait3A_83, %dma_wait3A_84] : memref<1000000x64xf32, #tpu.memory_space<hbm>> -> memref<1000000x64xf32, #tpu.memory_space<hbm>>
    tpu.wait_indirect_dma semaphore(%arg27 : memref<!tpu.dma_semaphore, #tpu.memory_space<semaphore_mem>>) src(%dma_wait3A_85 : memref<1000000x64xf32, #tpu.memory_space<hbm>>) dst(%arg17 : memref<128x64xf32, #tpu.memory_space<vmem>>)
    %dma_wait3A_86 = arith.constant 0 : i32
    %dma_wait3A_87 = tpu.memref_slice %arg12[%dma_wait3A_86] : memref<512xi32, #tpu.memory_space<vmem>> -> memref<128xi32, #tpu.memory_space<vmem>>
    %dma_wait3A_88 = arith.constant 0 : i32
    %dma_wait3A_89 = arith.constant 0 : i32
    %dma_wait3A_90 = tpu.memref_slice %arg6[%dma_wait3A_88, %dma_wait3A_89] : memref<1000000x64xf32, #tpu.memory_space<hbm>> -> memref<1000000x64xf32, #tpu.memory_space<hbm>>
    tpu.wait_indirect_dma semaphore(%arg27 : memref<!tpu.dma_semaphore, #tpu.memory_space<semaphore_mem>>) src(%dma_wait3A_90 : memref<1000000x64xf32, #tpu.memory_space<hbm>>) dst(%arg18 : memref<128x64xf32, #tpu.memory_space<vmem>>)
    %scan3A = arith.constant 0 : i32
    %scan3A_91 = arith.constant 0 : i32
    %scan3A_92 = arith.constant 8 : i32
    %scan3A_93 = arith.addi %scan3A_91, %scan3A_92 : i32
    %scan3A_94 = arith.constant 1 : i32
    scf.for %scan3A_264 = %scan3A_91 to %scan3A_93 step %scan3A_94  : i32 {
      %scan3A_265 = arith.constant 0 : i32
      %scan3A_266 = arith.constant 0 : i32
      %scan3A_267 = arith.constant 16 : i32
      %scan3A_268 = arith.addi %scan3A_266, %scan3A_267 : i32
      %scan3A_269 = arith.constant 1 : i32
      scf.for %scan3A_411 = %scan3A_266 to %scan3A_268 step %scan3A_269  : i32 {
        %mul3A_412 = arith.constant 16 : i32
        %mul3A_413 = arith.muli %scan3A_264, %mul3A_412 : i32
        %add3A_414 = arith.addi %mul3A_413, %scan3A_411 : i32
        %broadcast_in_dim3A_415 = arith.constant 0.000000e+00 : f32
        %broadcast_in_dim3A_416 = vector.broadcast %broadcast_in_dim3A_415 : f32 to vector<16xf32>
        %get3A = arith.index_cast %add3A_414 : i32 to index
        %get3A_417 = arith.constant 0 : index
        %get3A_418 = tpu.vector_load %arg13[%get3A, %get3A_417] {strides = array<i32>} : memref<128x64xf32, #tpu.memory_space<vmem>>, vector<16xf32>,
        %get3A_419 = arith.index_cast %add3A_414 : i32 to index
        %get3A_420 = arith.constant 0 : index
        %get3A_421 = tpu.vector_load %arg14[%get3A_419, %get3A_420] {strides = array<i32>} : memref<128x64xf32, #tpu.memory_space<vmem>>, vector<16xf32>,
        %get3A_422 = arith.index_cast %add3A_414 : i32 to index
        %get3A_423 = arith.constant 0 : index
        %get3A_424 = tpu.vector_load %arg15[%get3A_422, %get3A_423] {strides = array<i32>} : memref<128x64xf32, #tpu.memory_space<vmem>>, vector<16xf32>,
        %get3A_425 = arith.index_cast %add3A_414 : i32 to index
        %get3A_426 = arith.constant 0 : index
        %get3A_427 = tpu.vector_load %arg16[%get3A_425, %get3A_426] {strides = array<i32>} : memref<128x64xf32, #tpu.memory_space<vmem>>, vector<16xf32>,
        %get3A_428 = arith.index_cast %add3A_414 : i32 to index
        %get3A_429 = arith.constant 0 : index
        %get3A_430 = tpu.vector_load %arg17[%get3A_428, %get3A_429] {strides = array<i32>} : memref<128x64xf32, #tpu.memory_space<vmem>>, vector<16xf32>,
        %get3A_431 = arith.index_cast %add3A_414 : i32 to index
        %get3A_432 = arith.constant 0 : index
        %get3A_433 = tpu.vector_load %arg18[%get3A_431, %get3A_432] {strides = array<i32>} : memref<128x64xf32, #tpu.memory_space<vmem>>, vector<16xf32>,
        %mul3A_434 = arith.mulf %get3A_418, %get3A_424 : vector<16xf32>
        %mul3A_435 = arith.mulf %get3A_421, %get3A_427 : vector<16xf32>
        %sub3A = arith.subf %mul3A_434, %mul3A_435 : vector<16xf32>
        %mul3A_436 = arith.mulf %get3A_430, %sub3A : vector<16xf32>
        %add3A_437 = arith.addf %broadcast_in_dim3A_416, %mul3A_436 : vector<16xf32>
        %mul3A_438 = arith.mulf %get3A_418, %get3A_427 : vector<16xf32>
        %mul3A_439 = arith.mulf %get3A_421, %get3A_424 : vector<16xf32>
        %add3A_440 = arith.addf %mul3A_438, %mul3A_439 : vector<16xf32>
        %mul3A_441 = arith.mulf %get3A_433, %add3A_440 : vector<16xf32>
        %add3A_442 = arith.addf %add3A_437, %mul3A_441 : vector<16xf32>
        %get3A_443 = arith.index_cast %add3A_414 : i32 to index
        %get3A_444 = arith.constant 16 : index
        %get3A_445 = tpu.vector_load %arg13[%get3A_443, %get3A_444] {strides = array<i32>} : memref<128x64xf32, #tpu.memory_space<vmem>>, vector<16xf32>,
        %get3A_446 = arith.index_cast %add3A_414 : i32 to index
        %get3A_447 = arith.constant 16 : index
        %get3A_448 = tpu.vector_load %arg14[%get3A_446, %get3A_447] {strides = array<i32>} : memref<128x64xf32, #tpu.memory_space<vmem>>, vector<16xf32>,
        %get3A_449 = arith.index_cast %add3A_414 : i32 to index
        %get3A_450 = arith.constant 16 : index
        %get3A_451 = tpu.vector_load %arg15[%get3A_449, %get3A_450] {strides = array<i32>} : memref<128x64xf32, #tpu.memory_space<vmem>>, vector<16xf32>,
        %get3A_452 = arith.index_cast %add3A_414 : i32 to index
        %get3A_453 = arith.constant 16 : index
        %get3A_454 = tpu.vector_load %arg16[%get3A_452, %get3A_453] {strides = array<i32>} : memref<128x64xf32, #tpu.memory_space<vmem>>, vector<16xf32>,
        %get3A_455 = arith.index_cast %add3A_414 : i32 to index
        %get3A_456 = arith.constant 16 : index
        %get3A_457 = tpu.vector_load %arg17[%get3A_455, %get3A_456] {strides = array<i32>} : memref<128x64xf32, #tpu.memory_space<vmem>>, vector<16xf32>,
        %get3A_458 = arith.index_cast %add3A_414 : i32 to index
        %get3A_459 = arith.constant 16 : index
        %get3A_460 = tpu.vector_load %arg18[%get3A_458, %get3A_459] {strides = array<i32>} : memref<128x64xf32, #tpu.memory_space<vmem>>, vector<16xf32>,
        %mul3A_461 = arith.mulf %get3A_445, %get3A_451 : vector<16xf32>
        %mul3A_462 = arith.mulf %get3A_448, %get3A_454 : vector<16xf32>
        %sub3A_463 = arith.subf %mul3A_461, %mul3A_462 : vector<16xf32>
        %mul3A_464 = arith.mulf %get3A_457, %sub3A_463 : vector<16xf32>
        %add3A_465 = arith.addf %add3A_442, %mul3A_464 : vector<16xf32>
        %mul3A_466 = arith.mulf %get3A_445, %get3A_454 : vector<16xf32>
        %mul3A_467 = arith.mulf %get3A_448, %get3A_451 : vector<16xf32>
        %add3A_468 = arith.addf %mul3A_466, %mul3A_467 : vector<16xf32>
        %mul3A_469 = arith.mulf %get3A_460, %add3A_468 : vector<16xf32>
        %add3A_470 = arith.addf %add3A_465, %mul3A_469 : vector<16xf32>
        %get3A_471 = arith.index_cast %add3A_414 : i32 to index
        %get3A_472 = arith.constant 32 : index
        %get3A_473 = tpu.vector_load %arg13[%get3A_471, %get3A_472] {strides = array<i32>} : memref<128x64xf32, #tpu.memory_space<vmem>>, vector<16xf32>,
        %get3A_474 = arith.index_cast %add3A_414 : i32 to index
        %get3A_475 = arith.constant 32 : index
        %get3A_476 = tpu.vector_load %arg14[%get3A_474, %get3A_475] {strides = array<i32>} : memref<128x64xf32, #tpu.memory_space<vmem>>, vector<16xf32>,
        %get3A_477 = arith.index_cast %add3A_414 : i32 to index
        %get3A_478 = arith.constant 32 : index
        %get3A_479 = tpu.vector_load %arg15[%get3A_477, %get3A_478] {strides = array<i32>} : memref<128x64xf32, #tpu.memory_space<vmem>>, vector<16xf32>,
        %get3A_480 = arith.index_cast %add3A_414 : i32 to index
        %get3A_481 = arith.constant 32 : index
        %get3A_482 = tpu.vector_load %arg16[%get3A_480, %get3A_481] {strides = array<i32>} : memref<128x64xf32, #tpu.memory_space<vmem>>, vector<16xf32>,
        %get3A_483 = arith.index_cast %add3A_414 : i32 to index
        %get3A_484 = arith.constant 32 : index
        %get3A_485 = tpu.vector_load %arg17[%get3A_483, %get3A_484] {strides = array<i32>} : memref<128x64xf32, #tpu.memory_space<vmem>>, vector<16xf32>,
        %get3A_486 = arith.index_cast %add3A_414 : i32 to index
        %get3A_487 = arith.constant 32 : index
        %get3A_488 = tpu.vector_load %arg18[%get3A_486, %get3A_487] {strides = array<i32>} : memref<128x64xf32, #tpu.memory_space<vmem>>, vector<16xf32>,
        %mul3A_489 = arith.mulf %get3A_473, %get3A_479 : vector<16xf32>
        %mul3A_490 = arith.mulf %get3A_476, %get3A_482 : vector<16xf32>
        %sub3A_491 = arith.subf %mul3A_489, %mul3A_490 : vector<16xf32>
        %mul3A_492 = arith.mulf %get3A_485, %sub3A_491 : vector<16xf32>
        %add3A_493 = arith.addf %add3A_470, %mul3A_492 : vector<16xf32>
        %mul3A_494 = arith.mulf %get3A_473, %get3A_482 : vector<16xf32>
        %mul3A_495 = arith.mulf %get3A_476, %get3A_479 : vector<16xf32>
        %add3A_496 = arith.addf %mul3A_494, %mul3A_495 : vector<16xf32>
        %mul3A_497 = arith.mulf %get3A_488, %add3A_496 : vector<16xf32>
        %add3A_498 = arith.addf %add3A_493, %mul3A_497 : vector<16xf32>
        %get3A_499 = arith.index_cast %add3A_414 : i32 to index
        %get3A_500 = arith.constant 48 : index
        %get3A_501 = tpu.vector_load %arg13[%get3A_499, %get3A_500] {strides = array<i32>} : memref<128x64xf32, #tpu.memory_space<vmem>>, vector<16xf32>,
        %get3A_502 = arith.index_cast %add3A_414 : i32 to index
        %get3A_503 = arith.constant 48 : index
        %get3A_504 = tpu.vector_load %arg14[%get3A_502, %get3A_503] {strides = array<i32>} : memref<128x64xf32, #tpu.memory_space<vmem>>, vector<16xf32>,
        %get3A_505 = arith.index_cast %add3A_414 : i32 to index
        %get3A_506 = arith.constant 48 : index
        %get3A_507 = tpu.vector_load %arg15[%get3A_505, %get3A_506] {strides = array<i32>} : memref<128x64xf32, #tpu.memory_space<vmem>>, vector<16xf32>,
        %get3A_508 = arith.index_cast %add3A_414 : i32 to index
        %get3A_509 = arith.constant 48 : index
        %get3A_510 = tpu.vector_load %arg16[%get3A_508, %get3A_509] {strides = array<i32>} : memref<128x64xf32, #tpu.memory_space<vmem>>, vector<16xf32>,
        %get3A_511 = arith.index_cast %add3A_414 : i32 to index
        %get3A_512 = arith.constant 48 : index
        %get3A_513 = tpu.vector_load %arg17[%get3A_511, %get3A_512] {strides = array<i32>} : memref<128x64xf32, #tpu.memory_space<vmem>>, vector<16xf32>,
        %get3A_514 = arith.index_cast %add3A_414 : i32 to index
        %get3A_515 = arith.constant 48 : index
        %get3A_516 = tpu.vector_load %arg18[%get3A_514, %get3A_515] {strides = array<i32>} : memref<128x64xf32, #tpu.memory_space<vmem>>, vector<16xf32>,
        %mul3A_517 = arith.mulf %get3A_501, %get3A_507 : vector<16xf32>
        %mul3A_518 = arith.mulf %get3A_504, %get3A_510 : vector<16xf32>
        %sub3A_519 = arith.subf %mul3A_517, %mul3A_518 : vector<16xf32>
        %mul3A_520 = arith.mulf %get3A_513, %sub3A_519 : vector<16xf32>
        %add3A_521 = arith.addf %add3A_498, %mul3A_520 : vector<16xf32>
        %mul3A_522 = arith.mulf %get3A_501, %get3A_510 : vector<16xf32>
        %mul3A_523 = arith.mulf %get3A_504, %get3A_507 : vector<16xf32>
        %add3A_524 = arith.addf %mul3A_522, %mul3A_523 : vector<16xf32>
        %mul3A_525 = arith.mulf %get3A_516, %add3A_524 : vector<16xf32>
        %add3A_526 = arith.addf %add3A_521, %mul3A_525 : vector<16xf32>
        %mul3A_527 = arith.constant 16 : i32
        %mul3A_528 = arith.muli %scan3A_411, %mul3A_527 : i32
        %multiple_of3A_529 = tpu.assume_multiple %mul3A_528, 16 : i32
        %swap3A_530 = arith.index_cast %multiple_of3A_529 : i32 to index
        %swap3A_531 = tpu.vector_load %arg25[%swap3A_530] {strides = array<i32>} : memref<256xf32, #tpu.memory_space<vmem>>, vector<16xf32>,
        tpu.vector_store %arg25[%swap3A_530], %add3A_526 {strides = array<i32>} : memref<256xf32, #tpu.memory_space<vmem>>, vector<16xf32>,
      }
      %scan3A_270 = arith.constant 16 : i32
      %iota3A = tpu.iota {dimensions = array<i32: 0>} : vector<16xi32>
      %broadcast_in_dim3A = arith.constant 0.000000e+00 : f32
      %broadcast_in_dim3A_271 = vector.broadcast %broadcast_in_dim3A : f32 to vector<16xf32>
      %mul3A_272 = arith.constant 16 : i32
      %mul3A_273 = vector.broadcast %mul3A_272 : i32 to vector<16xi32>
      %mul3A_274 = arith.muli %iota3A, %mul3A_273 : vector<16xi32>
      %add3A_275 = arith.constant 0 : i32
      %add3A_276 = vector.broadcast %add3A_275 : i32 to vector<16xi32>
      %add3A_277 = arith.addi %mul3A_274, %add3A_276 : vector<16xi32>
      %gather3A = tpu.vector_load_idx %arg25[%add3A_277] : memref<256xf32, #tpu.memory_space<vmem>>[vector<16xi32>], vector<16xf32>,
      %add3A_278 = arith.addf %broadcast_in_dim3A_271, %gather3A : vector<16xf32>
      %mul3A_279 = arith.constant 16 : i32
      %mul3A_280 = vector.broadcast %mul3A_279 : i32 to vector<16xi32>
      %mul3A_281 = arith.muli %iota3A, %mul3A_280 : vector<16xi32>
      %add3A_282 = arith.constant 1 : i32
      %add3A_283 = vector.broadcast %add3A_282 : i32 to vector<16xi32>
      %add3A_284 = arith.addi %mul3A_281, %add3A_283 : vector<16xi32>
      %gather3A_285 = tpu.vector_load_idx %arg25[%add3A_284] : memref<256xf32, #tpu.memory_space<vmem>>[vector<16xi32>], vector<16xf32>,
      %add3A_286 = arith.addf %add3A_278, %gather3A_285 : vector<16xf32>
      %mul3A_287 = arith.constant 16 : i32
      %mul3A_288 = vector.broadcast %mul3A_287 : i32 to vector<16xi32>
      %mul3A_289 = arith.muli %iota3A, %mul3A_288 : vector<16xi32>
      %add3A_290 = arith.constant 2 : i32
      %add3A_291 = vector.broadcast %add3A_290 : i32 to vector<16xi32>
      %add3A_292 = arith.addi %mul3A_289, %add3A_291 : vector<16xi32>
      %gather3A_293 = tpu.vector_load_idx %arg25[%add3A_292] : memref<256xf32, #tpu.memory_space<vmem>>[vector<16xi32>], vector<16xf32>,
      %add3A_294 = arith.addf %add3A_286, %gather3A_293 : vector<16xf32>
      %mul3A_295 = arith.constant 16 : i32
      %mul3A_296 = vector.broadcast %mul3A_295 : i32 to vector<16xi32>
      %mul3A_297 = arith.muli %iota3A, %mul3A_296 : vector<16xi32>
      %add3A_298 = arith.constant 3 : i32
      %add3A_299 = vector.broadcast %add3A_298 : i32 to vector<16xi32>
      %add3A_300 = arith.addi %mul3A_297, %add3A_299 : vector<16xi32>
      %gather3A_301 = tpu.vector_load_idx %arg25[%add3A_300] : memref<256xf32, #tpu.memory_space<vmem>>[vector<16xi32>], vector<16xf32>,
      %add3A_302 = arith.addf %add3A_294, %gather3A_301 : vector<16xf32>
      %mul3A_303 = arith.constant 16 : i32
      %mul3A_304 = vector.broadcast %mul3A_303 : i32 to vector<16xi32>
      %mul3A_305 = arith.muli %iota3A, %mul3A_304 : vector<16xi32>
      %add3A_306 = arith.constant 4 : i32
      %add3A_307 = vector.broadcast %add3A_306 : i32 to vector<16xi32>
      %add3A_308 = arith.addi %mul3A_305, %add3A_307 : vector<16xi32>
      %gather3A_309 = tpu.vector_load_idx %arg25[%add3A_308] : memref<256xf32, #tpu.memory_space<vmem>>[vector<16xi32>], vector<16xf32>,
      %add3A_310 = arith.addf %add3A_302, %gather3A_309 : vector<16xf32>
      %mul3A_311 = arith.constant 16 : i32
      %mul3A_312 = vector.broadcast %mul3A_311 : i32 to vector<16xi32>
      %mul3A_313 = arith.muli %iota3A, %mul3A_312 : vector<16xi32>
      %add3A_314 = arith.constant 5 : i32
      %add3A_315 = vector.broadcast %add3A_314 : i32 to vector<16xi32>
      %add3A_316 = arith.addi %mul3A_313, %add3A_315 : vector<16xi32>
      %gather3A_317 = tpu.vector_load_idx %arg25[%add3A_316] : memref<256xf32, #tpu.memory_space<vmem>>[vector<16xi32>], vector<16xf32>,
      %add3A_318 = arith.addf %add3A_310, %gather3A_317 : vector<16xf32>
      %mul3A_319 = arith.constant 16 : i32
      %mul3A_320 = vector.broadcast %mul3A_319 : i32 to vector<16xi32>
      %mul3A_321 = arith.muli %iota3A, %mul3A_320 : vector<16xi32>
      %add3A_322 = arith.constant 6 : i32
      %add3A_323 = vector.broadcast %add3A_322 : i32 to vector<16xi32>
      %add3A_324 = arith.addi %mul3A_321, %add3A_323 : vector<16xi32>
      %gather3A_325 = tpu.vector_load_idx %arg25[%add3A_324] : memref<256xf32, #tpu.memory_space<vmem>>[vector<16xi32>], vector<16xf32>,
      %add3A_326 = arith.addf %add3A_318, %gather3A_325 : vector<16xf32>
      %mul3A_327 = arith.constant 16 : i32
      %mul3A_328 = vector.broadcast %mul3A_327 : i32 to vector<16xi32>
      %mul3A_329 = arith.muli %iota3A, %mul3A_328 : vector<16xi32>
      %add3A_330 = arith.constant 7 : i32
      %add3A_331 = vector.broadcast %add3A_330 : i32 to vector<16xi32>
      %add3A_332 = arith.addi %mul3A_329, %add3A_331 : vector<16xi32>
      %gather3A_333 = tpu.vector_load_idx %arg25[%add3A_332] : memref<256xf32, #tpu.memory_space<vmem>>[vector<16xi32>], vector<16xf32>,
      %add3A_334 = arith.addf %add3A_326, %gather3A_333 : vector<16xf32>
      %mul3A_335 = arith.constant 16 : i32
      %mul3A_336 = vector.broadcast %mul3A_335 : i32 to vector<16xi32>
      %mul3A_337 = arith.muli %iota3A, %mul3A_336 : vector<16xi32>
      %add3A_338 = arith.constant 8 : i32
      %add3A_339 = vector.broadcast %add3A_338 : i32 to vector<16xi32>
      %add3A_340 = arith.addi %mul3A_337, %add3A_339 : vector<16xi32>
      %gather3A_341 = tpu.vector_load_idx %arg25[%add3A_340] : memref<256xf32, #tpu.memory_space<vmem>>[vector<16xi32>], vector<16xf32>,
      %add3A_342 = arith.addf %add3A_334, %gather3A_341 : vector<16xf32>
      %mul3A_343 = arith.constant 16 : i32
      %mul3A_344 = vector.broadcast %mul3A_343 : i32 to vector<16xi32>
      %mul3A_345 = arith.muli %iota3A, %mul3A_344 : vector<16xi32>
      %add3A_346 = arith.constant 9 : i32
      %add3A_347 = vector.broadcast %add3A_346 : i32 to vector<16xi32>
      %add3A_348 = arith.addi %mul3A_345, %add3A_347 : vector<16xi32>
      %gather3A_349 = tpu.vector_load_idx %arg25[%add3A_348] : memref<256xf32, #tpu.memory_space<vmem>>[vector<16xi32>], vector<16xf32>,
      %add3A_350 = arith.addf %add3A_342, %gather3A_349 : vector<16xf32>
      %mul3A_351 = arith.constant 16 : i32
      %mul3A_352 = vector.broadcast %mul3A_351 : i32 to vector<16xi32>
      %mul3A_353 = arith.muli %iota3A, %mul3A_352 : vector<16xi32>
      %add3A_354 = arith.constant 10 : i32
      %add3A_355 = vector.broadcast %add3A_354 : i32 to vector<16xi32>
      %add3A_356 = arith.addi %mul3A_353, %add3A_355 : vector<16xi32>
      %gather3A_357 = tpu.vector_load_idx %arg25[%add3A_356] : memref<256xf32, #tpu.memory_space<vmem>>[vector<16xi32>], vector<16xf32>,
      %add3A_358 = arith.addf %add3A_350, %gather3A_357 : vector<16xf32>
      %mul3A_359 = arith.constant 16 : i32
      %mul3A_360 = vector.broadcast %mul3A_359 : i32 to vector<16xi32>
      %mul3A_361 = arith.muli %iota3A, %mul3A_360 : vector<16xi32>
      %add3A_362 = arith.constant 11 : i32
      %add3A_363 = vector.broadcast %add3A_362 : i32 to vector<16xi32>
      %add3A_364 = arith.addi %mul3A_361, %add3A_363 : vector<16xi32>
      %gather3A_365 = tpu.vector_load_idx %arg25[%add3A_364] : memref<256xf32, #tpu.memory_space<vmem>>[vector<16xi32>], vector<16xf32>,
      %add3A_366 = arith.addf %add3A_358, %gather3A_365 : vector<16xf32>
      %mul3A_367 = arith.constant 16 : i32
      %mul3A_368 = vector.broadcast %mul3A_367 : i32 to vector<16xi32>
      %mul3A_369 = arith.muli %iota3A, %mul3A_368 : vector<16xi32>
      %add3A_370 = arith.constant 12 : i32
      %add3A_371 = vector.broadcast %add3A_370 : i32 to vector<16xi32>
      %add3A_372 = arith.addi %mul3A_369, %add3A_371 : vector<16xi32>
      %gather3A_373 = tpu.vector_load_idx %arg25[%add3A_372] : memref<256xf32, #tpu.memory_space<vmem>>[vector<16xi32>], vector<16xf32>,
      %add3A_374 = arith.addf %add3A_366, %gather3A_373 : vector<16xf32>
      %mul3A_375 = arith.constant 16 : i32
      %mul3A_376 = vector.broadcast %mul3A_375 : i32 to vector<16xi32>
      %mul3A_377 = arith.muli %iota3A, %mul3A_376 : vector<16xi32>
      %add3A_378 = arith.constant 13 : i32
      %add3A_379 = vector.broadcast %add3A_378 : i32 to vector<16xi32>
      %add3A_380 = arith.addi %mul3A_377, %add3A_379 : vector<16xi32>
      %gather3A_381 = tpu.vector_load_idx %arg25[%add3A_380] : memref<256xf32, #tpu.memory_space<vmem>>[vector<16xi32>], vector<16xf32>,
      %add3A_382 = arith.addf %add3A_374, %gather3A_381 : vector<16xf32>
      %mul3A_383 = arith.constant 16 : i32
      %mul3A_384 = vector.broadcast %mul3A_383 : i32 to vector<16xi32>
      %mul3A_385 = arith.muli %iota3A, %mul3A_384 : vector<16xi32>
      %add3A_386 = arith.constant 14 : i32
      %add3A_387 = vector.broadcast %add3A_386 : i32 to vector<16xi32>
      %add3A_388 = arith.addi %mul3A_385, %add3A_387 : vector<16xi32>
      %gather3A_389 = tpu.vector_load_idx %arg25[%add3A_388] : memref<256xf32, #tpu.memory_space<vmem>>[vector<16xi32>], vector<16xf32>,
      %add3A_390 = arith.addf %add3A_382, %gather3A_389 : vector<16xf32>
      %mul3A_391 = arith.constant 16 : i32
      %mul3A_392 = vector.broadcast %mul3A_391 : i32 to vector<16xi32>
      %mul3A_393 = arith.muli %iota3A, %mul3A_392 : vector<16xi32>
      %add3A_394 = arith.constant 15 : i32
      %add3A_395 = vector.broadcast %add3A_394 : i32 to vector<16xi32>
      %add3A_396 = arith.addi %mul3A_393, %add3A_395 : vector<16xi32>
      %gather3A_397 = tpu.vector_load_idx %arg25[%add3A_396] : memref<256xf32, #tpu.memory_space<vmem>>[vector<16xi32>], vector<16xf32>,
      %add3A_398 = arith.addf %add3A_390, %gather3A_397 : vector<16xf32>
      %neg3A = arith.constant 0.000000e+00 : f32
      %neg3A_399 = vector.broadcast %neg3A : f32 to vector<16xf32>
      %neg3A_400 = arith.subf %neg3A_399, %add3A_398 : vector<16xf32>
      %exp3A = math.exp %neg3A_400 : vector<16xf32>
      %add3A_401 = arith.constant 1.000000e+00 : f32
      %add3A_402 = vector.broadcast %add3A_401 : f32 to vector<16xf32>
      %add3A_403 = arith.addf %add3A_402, %exp3A : vector<16xf32>
      %div3A = arith.constant 1.000000e+00 : f32
      %div3A_404 = vector.broadcast %div3A : f32 to vector<16xf32>
      %div3A_405 = arith.divf %div3A_404, %add3A_403 : vector<16xf32>
      %mul3A_406 = arith.constant 16 : i32
      %mul3A_407 = arith.muli %scan3A_264, %mul3A_406 : i32
      %add3A_408 = arith.constant 0 : i32
      %add3A_409 = arith.addi %add3A_408, %mul3A_407 : i32
      %multiple_of3A = tpu.assume_multiple %add3A_409, 16 : i32
      %swap3A = arith.index_cast %multiple_of3A : i32 to index
      %swap3A_410 = tpu.vector_load %arg26[%swap3A] {strides = array<i32>} : memref<512xf32, #tpu.memory_space<vmem>>, vector<16xf32>,
      tpu.vector_store %arg26[%swap3A], %div3A_405 {strides = array<i32>} : memref<512xf32, #tpu.memory_space<vmem>>, vector<16xf32>,
    }
    %scan3A_95 = arith.constant 8 : i32
    %dma_start3A_96 = arith.constant 256 : i32
    %dma_start3A_97 = tpu.memref_slice %arg10[%dma_start3A_96] : memref<512xi32, #tpu.memory_space<vmem>> -> memref<128xi32, #tpu.memory_space<vmem>>
    %dma_start3A_98 = arith.constant 0 : i32
    %dma_start3A_99 = arith.constant 0 : i32
    %dma_start3A_100 = tpu.memref_slice %arg5[%dma_start3A_98, %dma_start3A_99] : memref<1000000x64xf32, #tpu.memory_space<hbm>> -> memref<1000000x64xf32, #tpu.memory_space<hbm>>
    tpu.enqueue_indirect_dma source(%dma_start3A_100 : memref<1000000x64xf32, #tpu.memory_space<hbm>>) target(%arg13 : memref<128x64xf32, #tpu.memory_space<vmem>>) offsets(%dma_start3A_97 : memref<128xi32, #tpu.memory_space<vmem>>) semaphore(%arg27 : memref<!tpu.dma_semaphore, #tpu.memory_space<semaphore_mem>>)
    %dma_start3A_101 = arith.constant 256 : i32
    %dma_start3A_102 = tpu.memref_slice %arg10[%dma_start3A_101] : memref<512xi32, #tpu.memory_space<vmem>> -> memref<128xi32, #tpu.memory_space<vmem>>
    %dma_start3A_103 = arith.constant 0 : i32
    %dma_start3A_104 = arith.constant 0 : i32
    %dma_start3A_105 = tpu.memref_slice %arg6[%dma_start3A_103, %dma_start3A_104] : memref<1000000x64xf32, #tpu.memory_space<hbm>> -> memref<1000000x64xf32, #tpu.memory_space<hbm>>
    tpu.enqueue_indirect_dma source(%dma_start3A_105 : memref<1000000x64xf32, #tpu.memory_space<hbm>>) target(%arg14 : memref<128x64xf32, #tpu.memory_space<vmem>>) offsets(%dma_start3A_102 : memref<128xi32, #tpu.memory_space<vmem>>) semaphore(%arg27 : memref<!tpu.dma_semaphore, #tpu.memory_space<semaphore_mem>>)
    %dma_start3A_106 = arith.constant 256 : i32
    %dma_start3A_107 = tpu.memref_slice %arg11[%dma_start3A_106] : memref<512xi32, #tpu.memory_space<vmem>> -> memref<128xi32, #tpu.memory_space<vmem>>
    %dma_start3A_108 = arith.constant 0 : i32
    %dma_start3A_109 = arith.constant 0 : i32
    %dma_start3A_110 = tpu.memref_slice %arg7[%dma_start3A_108, %dma_start3A_109] : memref<1000x64xf32, #tpu.memory_space<hbm>> -> memref<1000x64xf32, #tpu.memory_space<hbm>>
    tpu.enqueue_indirect_dma source(%dma_start3A_110 : memref<1000x64xf32, #tpu.memory_space<hbm>>) target(%arg15 : memref<128x64xf32, #tpu.memory_space<vmem>>) offsets(%dma_start3A_107 : memref<128xi32, #tpu.memory_space<vmem>>) semaphore(%arg27 : memref<!tpu.dma_semaphore, #tpu.memory_space<semaphore_mem>>)
    %dma_start3A_111 = arith.constant 256 : i32
    %dma_start3A_112 = tpu.memref_slice %arg11[%dma_start3A_111] : memref<512xi32, #tpu.memory_space<vmem>> -> memref<128xi32, #tpu.memory_space<vmem>>
    %dma_start3A_113 = arith.constant 0 : i32
    %dma_start3A_114 = arith.constant 0 : i32
    %dma_start3A_115 = tpu.memref_slice %arg8[%dma_start3A_113, %dma_start3A_114] : memref<1000x64xf32, #tpu.memory_space<hbm>> -> memref<1000x64xf32, #tpu.memory_space<hbm>>
    tpu.enqueue_indirect_dma source(%dma_start3A_115 : memref<1000x64xf32, #tpu.memory_space<hbm>>) target(%arg16 : memref<128x64xf32, #tpu.memory_space<vmem>>) offsets(%dma_start3A_112 : memref<128xi32, #tpu.memory_space<vmem>>) semaphore(%arg27 : memref<!tpu.dma_semaphore, #tpu.memory_space<semaphore_mem>>)
    %dma_start3A_116 = arith.constant 256 : i32
    %dma_start3A_117 = tpu.memref_slice %arg12[%dma_start3A_116] : memref<512xi32, #tpu.memory_space<vmem>> -> memref<128xi32, #tpu.memory_space<vmem>>
    %dma_start3A_118 = arith.constant 0 : i32
    %dma_start3A_119 = arith.constant 0 : i32
    %dma_start3A_120 = tpu.memref_slice %arg5[%dma_start3A_118, %dma_start3A_119] : memref<1000000x64xf32, #tpu.memory_space<hbm>> -> memref<1000000x64xf32, #tpu.memory_space<hbm>>
    tpu.enqueue_indirect_dma source(%dma_start3A_120 : memref<1000000x64xf32, #tpu.memory_space<hbm>>) target(%arg17 : memref<128x64xf32, #tpu.memory_space<vmem>>) offsets(%dma_start3A_117 : memref<128xi32, #tpu.memory_space<vmem>>) semaphore(%arg27 : memref<!tpu.dma_semaphore, #tpu.memory_space<semaphore_mem>>)
    %dma_start3A_121 = arith.constant 256 : i32
    %dma_start3A_122 = tpu.memref_slice %arg12[%dma_start3A_121] : memref<512xi32, #tpu.memory_space<vmem>> -> memref<128xi32, #tpu.memory_space<vmem>>
    %dma_start3A_123 = arith.constant 0 : i32
    %dma_start3A_124 = arith.constant 0 : i32
    %dma_start3A_125 = tpu.memref_slice %arg6[%dma_start3A_123, %dma_start3A_124] : memref<1000000x64xf32, #tpu.memory_space<hbm>> -> memref<1000000x64xf32, #tpu.memory_space<hbm>>
    tpu.enqueue_indirect_dma source(%dma_start3A_125 : memref<1000000x64xf32, #tpu.memory_space<hbm>>) target(%arg18 : memref<128x64xf32, #tpu.memory_space<vmem>>) offsets(%dma_start3A_122 : memref<128xi32, #tpu.memory_space<vmem>>) semaphore(%arg27 : memref<!tpu.dma_semaphore, #tpu.memory_space<semaphore_mem>>)
    %dma_wait3A_126 = arith.constant 128 : i32
    %dma_wait3A_127 = tpu.memref_slice %arg10[%dma_wait3A_126] : memref<512xi32, #tpu.memory_space<vmem>> -> memref<128xi32, #tpu.memory_space<vmem>>
    %dma_wait3A_128 = arith.constant 0 : i32
    %dma_wait3A_129 = arith.constant 0 : i32
    %dma_wait3A_130 = tpu.memref_slice %arg5[%dma_wait3A_128, %dma_wait3A_129] : memref<1000000x64xf32, #tpu.memory_space<hbm>> -> memref<1000000x64xf32, #tpu.memory_space<hbm>>
    tpu.wait_indirect_dma semaphore(%arg28 : memref<!tpu.dma_semaphore, #tpu.memory_space<semaphore_mem>>) src(%dma_wait3A_130 : memref<1000000x64xf32, #tpu.memory_space<hbm>>) dst(%arg19 : memref<128x64xf32, #tpu.memory_space<vmem>>)
    %dma_wait3A_131 = arith.constant 128 : i32
    %dma_wait3A_132 = tpu.memref_slice %arg10[%dma_wait3A_131] : memref<512xi32, #tpu.memory_space<vmem>> -> memref<128xi32, #tpu.memory_space<vmem>>
    %dma_wait3A_133 = arith.constant 0 : i32
    %dma_wait3A_134 = arith.constant 0 : i32
    %dma_wait3A_135 = tpu.memref_slice %arg6[%dma_wait3A_133, %dma_wait3A_134] : memref<1000000x64xf32, #tpu.memory_space<hbm>> -> memref<1000000x64xf32, #tpu.memory_space<hbm>>
    tpu.wait_indirect_dma semaphore(%arg28 : memref<!tpu.dma_semaphore, #tpu.memory_space<semaphore_mem>>) src(%dma_wait3A_135 : memref<1000000x64xf32, #tpu.memory_space<hbm>>) dst(%arg20 : memref<128x64xf32, #tpu.memory_space<vmem>>)
    %dma_wait3A_136 = arith.constant 128 : i32
    %dma_wait3A_137 = tpu.memref_slice %arg11[%dma_wait3A_136] : memref<512xi32, #tpu.memory_space<vmem>> -> memref<128xi32, #tpu.memory_space<vmem>>
    %dma_wait3A_138 = arith.constant 0 : i32
    %dma_wait3A_139 = arith.constant 0 : i32
    %dma_wait3A_140 = tpu.memref_slice %arg7[%dma_wait3A_138, %dma_wait3A_139] : memref<1000x64xf32, #tpu.memory_space<hbm>> -> memref<1000x64xf32, #tpu.memory_space<hbm>>
    tpu.wait_indirect_dma semaphore(%arg28 : memref<!tpu.dma_semaphore, #tpu.memory_space<semaphore_mem>>) src(%dma_wait3A_140 : memref<1000x64xf32, #tpu.memory_space<hbm>>) dst(%arg21 : memref<128x64xf32, #tpu.memory_space<vmem>>)
    %dma_wait3A_141 = arith.constant 128 : i32
    %dma_wait3A_142 = tpu.memref_slice %arg11[%dma_wait3A_141] : memref<512xi32, #tpu.memory_space<vmem>> -> memref<128xi32, #tpu.memory_space<vmem>>
    %dma_wait3A_143 = arith.constant 0 : i32
    %dma_wait3A_144 = arith.constant 0 : i32
    %dma_wait3A_145 = tpu.memref_slice %arg8[%dma_wait3A_143, %dma_wait3A_144] : memref<1000x64xf32, #tpu.memory_space<hbm>> -> memref<1000x64xf32, #tpu.memory_space<hbm>>
    tpu.wait_indirect_dma semaphore(%arg28 : memref<!tpu.dma_semaphore, #tpu.memory_space<semaphore_mem>>) src(%dma_wait3A_145 : memref<1000x64xf32, #tpu.memory_space<hbm>>) dst(%arg22 : memref<128x64xf32, #tpu.memory_space<vmem>>)
    %dma_wait3A_146 = arith.constant 128 : i32
    %dma_wait3A_147 = tpu.memref_slice %arg12[%dma_wait3A_146] : memref<512xi32, #tpu.memory_space<vmem>> -> memref<128xi32, #tpu.memory_space<vmem>>
    %dma_wait3A_148 = arith.constant 0 : i32
    %dma_wait3A_149 = arith.constant 0 : i32
    %dma_wait3A_150 = tpu.memref_slice %arg5[%dma_wait3A_148, %dma_wait3A_149] : memref<1000000x64xf32, #tpu.memory_space<hbm>> -> memref<1000000x64xf32, #tpu.memory_space<hbm>>
    tpu.wait_indirect_dma semaphore(%arg28 : memref<!tpu.dma_semaphore, #tpu.memory_space<semaphore_mem>>) src(%dma_wait3A_150 : memref<1000000x64xf32, #tpu.memory_space<hbm>>) dst(%arg23 : memref<128x64xf32, #tpu.memory_space<vmem>>)
    %dma_wait3A_151 = arith.constant 128 : i32
    %dma_wait3A_152 = tpu.memref_slice %arg12[%dma_wait3A_151] : memref<512xi32, #tpu.memory_space<vmem>> -> memref<128xi32, #tpu.memory_space<vmem>>
    %dma_wait3A_153 = arith.constant 0 : i32
    %dma_wait3A_154 = arith.constant 0 : i32
    %dma_wait3A_155 = tpu.memref_slice %arg6[%dma_wait3A_153, %dma_wait3A_154] : memref<1000000x64xf32, #tpu.memory_space<hbm>> -> memref<1000000x64xf32, #tpu.memory_space<hbm>>
    tpu.wait_indirect_dma semaphore(%arg28 : memref<!tpu.dma_semaphore, #tpu.memory_space<semaphore_mem>>) src(%dma_wait3A_155 : memref<1000000x64xf32, #tpu.memory_space<hbm>>) dst(%arg24 : memref<128x64xf32, #tpu.memory_space<vmem>>)
    %scan3A_156 = arith.constant 0 : i32
    %scan3A_157 = arith.constant 0 : i32
    %scan3A_158 = arith.constant 8 : i32
    %scan3A_159 = arith.addi %scan3A_157, %scan3A_158 : i32
    %scan3A_160 = arith.constant 1 : i32
    scf.for %scan3A_264 = %scan3A_157 to %scan3A_159 step %scan3A_160  : i32 {
      %scan3A_265 = arith.constant 0 : i32
      %scan3A_266 = arith.constant 0 : i32
      %scan3A_267 = arith.constant 16 : i32
      %scan3A_268 = arith.addi %scan3A_266, %scan3A_267 : i32
      %scan3A_269 = arith.constant 1 : i32
      scf.for %scan3A_411 = %scan3A_266 to %scan3A_268 step %scan3A_269  : i32 {
        %mul3A_412 = arith.constant 16 : i32
        %mul3A_413 = arith.muli %scan3A_264, %mul3A_412 : i32
        %add3A_414 = arith.addi %mul3A_413, %scan3A_411 : i32
        %broadcast_in_dim3A_415 = arith.constant 0.000000e+00 : f32
        %broadcast_in_dim3A_416 = vector.broadcast %broadcast_in_dim3A_415 : f32 to vector<16xf32>
        %get3A = arith.index_cast %add3A_414 : i32 to index
        %get3A_417 = arith.constant 0 : index
        %get3A_418 = tpu.vector_load %arg19[%get3A, %get3A_417] {strides = array<i32>} : memref<128x64xf32, #tpu.memory_space<vmem>>, vector<16xf32>,
        %get3A_419 = arith.index_cast %add3A_414 : i32 to index
        %get3A_420 = arith.constant 0 : index
        %get3A_421 = tpu.vector_load %arg20[%get3A_419, %get3A_420] {strides = array<i32>} : memref<128x64xf32, #tpu.memory_space<vmem>>, vector<16xf32>,
        %get3A_422 = arith.index_cast %add3A_414 : i32 to index
        %get3A_423 = arith.constant 0 : index
        %get3A_424 = tpu.vector_load %arg21[%get3A_422, %get3A_423] {strides = array<i32>} : memref<128x64xf32, #tpu.memory_space<vmem>>, vector<16xf32>,
        %get3A_425 = arith.index_cast %add3A_414 : i32 to index
        %get3A_426 = arith.constant 0 : index
        %get3A_427 = tpu.vector_load %arg22[%get3A_425, %get3A_426] {strides = array<i32>} : memref<128x64xf32, #tpu.memory_space<vmem>>, vector<16xf32>,
        %get3A_428 = arith.index_cast %add3A_414 : i32 to index
        %get3A_429 = arith.constant 0 : index
        %get3A_430 = tpu.vector_load %arg23[%get3A_428, %get3A_429] {strides = array<i32>} : memref<128x64xf32, #tpu.memory_space<vmem>>, vector<16xf32>,
        %get3A_431 = arith.index_cast %add3A_414 : i32 to index
        %get3A_432 = arith.constant 0 : index
        %get3A_433 = tpu.vector_load %arg24[%get3A_431, %get3A_432] {strides = array<i32>} : memref<128x64xf32, #tpu.memory_space<vmem>>, vector<16xf32>,
        %mul3A_434 = arith.mulf %get3A_418, %get3A_424 : vector<16xf32>
        %mul3A_435 = arith.mulf %get3A_421, %get3A_427 : vector<16xf32>
        %sub3A = arith.subf %mul3A_434, %mul3A_435 : vector<16xf32>
        %mul3A_436 = arith.mulf %get3A_430, %sub3A : vector<16xf32>
        %add3A_437 = arith.addf %broadcast_in_dim3A_416, %mul3A_436 : vector<16xf32>
        %mul3A_438 = arith.mulf %get3A_418, %get3A_427 : vector<16xf32>
        %mul3A_439 = arith.mulf %get3A_421, %get3A_424 : vector<16xf32>
        %add3A_440 = arith.addf %mul3A_438, %mul3A_439 : vector<16xf32>
        %mul3A_441 = arith.mulf %get3A_433, %add3A_440 : vector<16xf32>
        %add3A_442 = arith.addf %add3A_437, %mul3A_441 : vector<16xf32>
        %get3A_443 = arith.index_cast %add3A_414 : i32 to index
        %get3A_444 = arith.constant 16 : index
        %get3A_445 = tpu.vector_load %arg19[%get3A_443, %get3A_444] {strides = array<i32>} : memref<128x64xf32, #tpu.memory_space<vmem>>, vector<16xf32>,
        %get3A_446 = arith.index_cast %add3A_414 : i32 to index
        %get3A_447 = arith.constant 16 : index
        %get3A_448 = tpu.vector_load %arg20[%get3A_446, %get3A_447] {strides = array<i32>} : memref<128x64xf32, #tpu.memory_space<vmem>>, vector<16xf32>,
        %get3A_449 = arith.index_cast %add3A_414 : i32 to index
        %get3A_450 = arith.constant 16 : index
        %get3A_451 = tpu.vector_load %arg21[%get3A_449, %get3A_450] {strides = array<i32>} : memref<128x64xf32, #tpu.memory_space<vmem>>, vector<16xf32>,
        %get3A_452 = arith.index_cast %add3A_414 : i32 to index
        %get3A_453 = arith.constant 16 : index
        %get3A_454 = tpu.vector_load %arg22[%get3A_452, %get3A_453] {strides = array<i32>} : memref<128x64xf32, #tpu.memory_space<vmem>>, vector<16xf32>,
        %get3A_455 = arith.index_cast %add3A_414 : i32 to index
        %get3A_456 = arith.constant 16 : index
        %get3A_457 = tpu.vector_load %arg23[%get3A_455, %get3A_456] {strides = array<i32>} : memref<128x64xf32, #tpu.memory_space<vmem>>, vector<16xf32>,
        %get3A_458 = arith.index_cast %add3A_414 : i32 to index
        %get3A_459 = arith.constant 16 : index
        %get3A_460 = tpu.vector_load %arg24[%get3A_458, %get3A_459] {strides = array<i32>} : memref<128x64xf32, #tpu.memory_space<vmem>>, vector<16xf32>,
        %mul3A_461 = arith.mulf %get3A_445, %get3A_451 : vector<16xf32>
        %mul3A_462 = arith.mulf %get3A_448, %get3A_454 : vector<16xf32>
        %sub3A_463 = arith.subf %mul3A_461, %mul3A_462 : vector<16xf32>
        %mul3A_464 = arith.mulf %get3A_457, %sub3A_463 : vector<16xf32>
        %add3A_465 = arith.addf %add3A_442, %mul3A_464 : vector<16xf32>
        %mul3A_466 = arith.mulf %get3A_445, %get3A_454 : vector<16xf32>
        %mul3A_467 = arith.mulf %get3A_448, %get3A_451 : vector<16xf32>
        %add3A_468 = arith.addf %mul3A_466, %mul3A_467 : vector<16xf32>
        %mul3A_469 = arith.mulf %get3A_460, %add3A_468 : vector<16xf32>
        %add3A_470 = arith.addf %add3A_465, %mul3A_469 : vector<16xf32>
        %get3A_471 = arith.index_cast %add3A_414 : i32 to index
        %get3A_472 = arith.constant 32 : index
        %get3A_473 = tpu.vector_load %arg19[%get3A_471, %get3A_472] {strides = array<i32>} : memref<128x64xf32, #tpu.memory_space<vmem>>, vector<16xf32>,
        %get3A_474 = arith.index_cast %add3A_414 : i32 to index
        %get3A_475 = arith.constant 32 : index
        %get3A_476 = tpu.vector_load %arg20[%get3A_474, %get3A_475] {strides = array<i32>} : memref<128x64xf32, #tpu.memory_space<vmem>>, vector<16xf32>,
        %get3A_477 = arith.index_cast %add3A_414 : i32 to index
        %get3A_478 = arith.constant 32 : index
        %get3A_479 = tpu.vector_load %arg21[%get3A_477, %get3A_478] {strides = array<i32>} : memref<128x64xf32, #tpu.memory_space<vmem>>, vector<16xf32>,
        %get3A_480 = arith.index_cast %add3A_414 : i32 to index
        %get3A_481 = arith.constant 32 : index
        %get3A_482 = tpu.vector_load %arg22[%get3A_480, %get3A_481] {strides = array<i32>} : memref<128x64xf32, #tpu.memory_space<vmem>>, vector<16xf32>,
        %get3A_483 = arith.index_cast %add3A_414 : i32 to index
        %get3A_484 = arith.constant 32 : index
        %get3A_485 = tpu.vector_load %arg23[%get3A_483, %get3A_484] {strides = array<i32>} : memref<128x64xf32, #tpu.memory_space<vmem>>, vector<16xf32>,
        %get3A_486 = arith.index_cast %add3A_414 : i32 to index
        %get3A_487 = arith.constant 32 : index
        %get3A_488 = tpu.vector_load %arg24[%get3A_486, %get3A_487] {strides = array<i32>} : memref<128x64xf32, #tpu.memory_space<vmem>>, vector<16xf32>,
        %mul3A_489 = arith.mulf %get3A_473, %get3A_479 : vector<16xf32>
        %mul3A_490 = arith.mulf %get3A_476, %get3A_482 : vector<16xf32>
        %sub3A_491 = arith.subf %mul3A_489, %mul3A_490 : vector<16xf32>
        %mul3A_492 = arith.mulf %get3A_485, %sub3A_491 : vector<16xf32>
        %add3A_493 = arith.addf %add3A_470, %mul3A_492 : vector<16xf32>
        %mul3A_494 = arith.mulf %get3A_473, %get3A_482 : vector<16xf32>
        %mul3A_495 = arith.mulf %get3A_476, %get3A_479 : vector<16xf32>
        %add3A_496 = arith.addf %mul3A_494, %mul3A_495 : vector<16xf32>
        %mul3A_497 = arith.mulf %get3A_488, %add3A_496 : vector<16xf32>
        %add3A_498 = arith.addf %add3A_493, %mul3A_497 : vector<16xf32>
        %get3A_499 = arith.index_cast %add3A_414 : i32 to index
        %get3A_500 = arith.constant 48 : index
        %get3A_501 = tpu.vector_load %arg19[%get3A_499, %get3A_500] {strides = array<i32>} : memref<128x64xf32, #tpu.memory_space<vmem>>, vector<16xf32>,
        %get3A_502 = arith.index_cast %add3A_414 : i32 to index
        %get3A_503 = arith.constant 48 : index
        %get3A_504 = tpu.vector_load %arg20[%get3A_502, %get3A_503] {strides = array<i32>} : memref<128x64xf32, #tpu.memory_space<vmem>>, vector<16xf32>,
        %get3A_505 = arith.index_cast %add3A_414 : i32 to index
        %get3A_506 = arith.constant 48 : index
        %get3A_507 = tpu.vector_load %arg21[%get3A_505, %get3A_506] {strides = array<i32>} : memref<128x64xf32, #tpu.memory_space<vmem>>, vector<16xf32>,
        %get3A_508 = arith.index_cast %add3A_414 : i32 to index
        %get3A_509 = arith.constant 48 : index
        %get3A_510 = tpu.vector_load %arg22[%get3A_508, %get3A_509] {strides = array<i32>} : memref<128x64xf32, #tpu.memory_space<vmem>>, vector<16xf32>,
        %get3A_511 = arith.index_cast %add3A_414 : i32 to index
        %get3A_512 = arith.constant 48 : index
        %get3A_513 = tpu.vector_load %arg23[%get3A_511, %get3A_512] {strides = array<i32>} : memref<128x64xf32, #tpu.memory_space<vmem>>, vector<16xf32>,
        %get3A_514 = arith.index_cast %add3A_414 : i32 to index
        %get3A_515 = arith.constant 48 : index
        %get3A_516 = tpu.vector_load %arg24[%get3A_514, %get3A_515] {strides = array<i32>} : memref<128x64xf32, #tpu.memory_space<vmem>>, vector<16xf32>,
        %mul3A_517 = arith.mulf %get3A_501, %get3A_507 : vector<16xf32>
        %mul3A_518 = arith.mulf %get3A_504, %get3A_510 : vector<16xf32>
        %sub3A_519 = arith.subf %mul3A_517, %mul3A_518 : vector<16xf32>
        %mul3A_520 = arith.mulf %get3A_513, %sub3A_519 : vector<16xf32>
        %add3A_521 = arith.addf %add3A_498, %mul3A_520 : vector<16xf32>
        %mul3A_522 = arith.mulf %get3A_501, %get3A_510 : vector<16xf32>
        %mul3A_523 = arith.mulf %get3A_504, %get3A_507 : vector<16xf32>
        %add3A_524 = arith.addf %mul3A_522, %mul3A_523 : vector<16xf32>
        %mul3A_525 = arith.mulf %get3A_516, %add3A_524 : vector<16xf32>
        %add3A_526 = arith.addf %add3A_521, %mul3A_525 : vector<16xf32>
        %mul3A_527 = arith.constant 16 : i32
        %mul3A_528 = arith.muli %scan3A_411, %mul3A_527 : i32
        %multiple_of3A_529 = tpu.assume_multiple %mul3A_528, 16 : i32
        %swap3A_530 = arith.index_cast %multiple_of3A_529 : i32 to index
        %swap3A_531 = tpu.vector_load %arg25[%swap3A_530] {strides = array<i32>} : memref<256xf32, #tpu.memory_space<vmem>>, vector<16xf32>,
        tpu.vector_store %arg25[%swap3A_530], %add3A_526 {strides = array<i32>} : memref<256xf32, #tpu.memory_space<vmem>>, vector<16xf32>,
      }
      %scan3A_270 = arith.constant 16 : i32
      %iota3A = tpu.iota {dimensions = array<i32: 0>} : vector<16xi32>
      %broadcast_in_dim3A = arith.constant 0.000000e+00 : f32
      %broadcast_in_dim3A_271 = vector.broadcast %broadcast_in_dim3A : f32 to vector<16xf32>
      %mul3A_272 = arith.constant 16 : i32
      %mul3A_273 = vector.broadcast %mul3A_272 : i32 to vector<16xi32>
      %mul3A_274 = arith.muli %iota3A, %mul3A_273 : vector<16xi32>
      %add3A_275 = arith.constant 0 : i32
      %add3A_276 = vector.broadcast %add3A_275 : i32 to vector<16xi32>
      %add3A_277 = arith.addi %mul3A_274, %add3A_276 : vector<16xi32>
      %gather3A = tpu.vector_load_idx %arg25[%add3A_277] : memref<256xf32, #tpu.memory_space<vmem>>[vector<16xi32>], vector<16xf32>,
      %add3A_278 = arith.addf %broadcast_in_dim3A_271, %gather3A : vector<16xf32>
      %mul3A_279 = arith.constant 16 : i32
      %mul3A_280 = vector.broadcast %mul3A_279 : i32 to vector<16xi32>
      %mul3A_281 = arith.muli %iota3A, %mul3A_280 : vector<16xi32>
      %add3A_282 = arith.constant 1 : i32
      %add3A_283 = vector.broadcast %add3A_282 : i32 to vector<16xi32>
      %add3A_284 = arith.addi %mul3A_281, %add3A_283 : vector<16xi32>
      %gather3A_285 = tpu.vector_load_idx %arg25[%add3A_284] : memref<256xf32, #tpu.memory_space<vmem>>[vector<16xi32>], vector<16xf32>,
      %add3A_286 = arith.addf %add3A_278, %gather3A_285 : vector<16xf32>
      %mul3A_287 = arith.constant 16 : i32
      %mul3A_288 = vector.broadcast %mul3A_287 : i32 to vector<16xi32>
      %mul3A_289 = arith.muli %iota3A, %mul3A_288 : vector<16xi32>
      %add3A_290 = arith.constant 2 : i32
      %add3A_291 = vector.broadcast %add3A_290 : i32 to vector<16xi32>
      %add3A_292 = arith.addi %mul3A_289, %add3A_291 : vector<16xi32>
      %gather3A_293 = tpu.vector_load_idx %arg25[%add3A_292] : memref<256xf32, #tpu.memory_space<vmem>>[vector<16xi32>], vector<16xf32>,
      %add3A_294 = arith.addf %add3A_286, %gather3A_293 : vector<16xf32>
      %mul3A_295 = arith.constant 16 : i32
      %mul3A_296 = vector.broadcast %mul3A_295 : i32 to vector<16xi32>
      %mul3A_297 = arith.muli %iota3A, %mul3A_296 : vector<16xi32>
      %add3A_298 = arith.constant 3 : i32
      %add3A_299 = vector.broadcast %add3A_298 : i32 to vector<16xi32>
      %add3A_300 = arith.addi %mul3A_297, %add3A_299 : vector<16xi32>
      %gather3A_301 = tpu.vector_load_idx %arg25[%add3A_300] : memref<256xf32, #tpu.memory_space<vmem>>[vector<16xi32>], vector<16xf32>,
      %add3A_302 = arith.addf %add3A_294, %gather3A_301 : vector<16xf32>
      %mul3A_303 = arith.constant 16 : i32
      %mul3A_304 = vector.broadcast %mul3A_303 : i32 to vector<16xi32>
      %mul3A_305 = arith.muli %iota3A, %mul3A_304 : vector<16xi32>
      %add3A_306 = arith.constant 4 : i32
      %add3A_307 = vector.broadcast %add3A_306 : i32 to vector<16xi32>
      %add3A_308 = arith.addi %mul3A_305, %add3A_307 : vector<16xi32>
      %gather3A_309 = tpu.vector_load_idx %arg25[%add3A_308] : memref<256xf32, #tpu.memory_space<vmem>>[vector<16xi32>], vector<16xf32>,
      %add3A_310 = arith.addf %add3A_302, %gather3A_309 : vector<16xf32>
      %mul3A_311 = arith.constant 16 : i32
      %mul3A_312 = vector.broadcast %mul3A_311 : i32 to vector<16xi32>
      %mul3A_313 = arith.muli %iota3A, %mul3A_312 : vector<16xi32>
      %add3A_314 = arith.constant 5 : i32
      %add3A_315 = vector.broadcast %add3A_314 : i32 to vector<16xi32>
      %add3A_316 = arith.addi %mul3A_313, %add3A_315 : vector<16xi32>
      %gather3A_317 = tpu.vector_load_idx %arg25[%add3A_316] : memref<256xf32, #tpu.memory_space<vmem>>[vector<16xi32>], vector<16xf32>,
      %add3A_318 = arith.addf %add3A_310, %gather3A_317 : vector<16xf32>
      %mul3A_319 = arith.constant 16 : i32
      %mul3A_320 = vector.broadcast %mul3A_319 : i32 to vector<16xi32>
      %mul3A_321 = arith.muli %iota3A, %mul3A_320 : vector<16xi32>
      %add3A_322 = arith.constant 6 : i32
      %add3A_323 = vector.broadcast %add3A_322 : i32 to vector<16xi32>
      %add3A_324 = arith.addi %mul3A_321, %add3A_323 : vector<16xi32>
      %gather3A_325 = tpu.vector_load_idx %arg25[%add3A_324] : memref<256xf32, #tpu.memory_space<vmem>>[vector<16xi32>], vector<16xf32>,
      %add3A_326 = arith.addf %add3A_318, %gather3A_325 : vector<16xf32>
      %mul3A_327 = arith.constant 16 : i32
      %mul3A_328 = vector.broadcast %mul3A_327 : i32 to vector<16xi32>
      %mul3A_329 = arith.muli %iota3A, %mul3A_328 : vector<16xi32>
      %add3A_330 = arith.constant 7 : i32
      %add3A_331 = vector.broadcast %add3A_330 : i32 to vector<16xi32>
      %add3A_332 = arith.addi %mul3A_329, %add3A_331 : vector<16xi32>
      %gather3A_333 = tpu.vector_load_idx %arg25[%add3A_332] : memref<256xf32, #tpu.memory_space<vmem>>[vector<16xi32>], vector<16xf32>,
      %add3A_334 = arith.addf %add3A_326, %gather3A_333 : vector<16xf32>
      %mul3A_335 = arith.constant 16 : i32
      %mul3A_336 = vector.broadcast %mul3A_335 : i32 to vector<16xi32>
      %mul3A_337 = arith.muli %iota3A, %mul3A_336 : vector<16xi32>
      %add3A_338 = arith.constant 8 : i32
      %add3A_339 = vector.broadcast %add3A_338 : i32 to vector<16xi32>
      %add3A_340 = arith.addi %mul3A_337, %add3A_339 : vector<16xi32>
      %gather3A_341 = tpu.vector_load_idx %arg25[%add3A_340] : memref<256xf32, #tpu.memory_space<vmem>>[vector<16xi32>], vector<16xf32>,
      %add3A_342 = arith.addf %add3A_334, %gather3A_341 : vector<16xf32>
      %mul3A_343 = arith.constant 16 : i32
      %mul3A_344 = vector.broadcast %mul3A_343 : i32 to vector<16xi32>
      %mul3A_345 = arith.muli %iota3A, %mul3A_344 : vector<16xi32>
      %add3A_346 = arith.constant 9 : i32
      %add3A_347 = vector.broadcast %add3A_346 : i32 to vector<16xi32>
      %add3A_348 = arith.addi %mul3A_345, %add3A_347 : vector<16xi32>
      %gather3A_349 = tpu.vector_load_idx %arg25[%add3A_348] : memref<256xf32, #tpu.memory_space<vmem>>[vector<16xi32>], vector<16xf32>,
      %add3A_350 = arith.addf %add3A_342, %gather3A_349 : vector<16xf32>
      %mul3A_351 = arith.constant 16 : i32
      %mul3A_352 = vector.broadcast %mul3A_351 : i32 to vector<16xi32>
      %mul3A_353 = arith.muli %iota3A, %mul3A_352 : vector<16xi32>
      %add3A_354 = arith.constant 10 : i32
      %add3A_355 = vector.broadcast %add3A_354 : i32 to vector<16xi32>
      %add3A_356 = arith.addi %mul3A_353, %add3A_355 : vector<16xi32>
      %gather3A_357 = tpu.vector_load_idx %arg25[%add3A_356] : memref<256xf32, #tpu.memory_space<vmem>>[vector<16xi32>], vector<16xf32>,
      %add3A_358 = arith.addf %add3A_350, %gather3A_357 : vector<16xf32>
      %mul3A_359 = arith.constant 16 : i32
      %mul3A_360 = vector.broadcast %mul3A_359 : i32 to vector<16xi32>
      %mul3A_361 = arith.muli %iota3A, %mul3A_360 : vector<16xi32>
      %add3A_362 = arith.constant 11 : i32
      %add3A_363 = vector.broadcast %add3A_362 : i32 to vector<16xi32>
      %add3A_364 = arith.addi %mul3A_361, %add3A_363 : vector<16xi32>
      %gather3A_365 = tpu.vector_load_idx %arg25[%add3A_364] : memref<256xf32, #tpu.memory_space<vmem>>[vector<16xi32>], vector<16xf32>,
      %add3A_366 = arith.addf %add3A_358, %gather3A_365 : vector<16xf32>
      %mul3A_367 = arith.constant 16 : i32
      %mul3A_368 = vector.broadcast %mul3A_367 : i32 to vector<16xi32>
      %mul3A_369 = arith.muli %iota3A, %mul3A_368 : vector<16xi32>
      %add3A_370 = arith.constant 12 : i32
      %add3A_371 = vector.broadcast %add3A_370 : i32 to vector<16xi32>
      %add3A_372 = arith.addi %mul3A_369, %add3A_371 : vector<16xi32>
      %gather3A_373 = tpu.vector_load_idx %arg25[%add3A_372] : memref<256xf32, #tpu.memory_space<vmem>>[vector<16xi32>], vector<16xf32>,
      %add3A_374 = arith.addf %add3A_366, %gather3A_373 : vector<16xf32>
      %mul3A_375 = arith.constant 16 : i32
      %mul3A_376 = vector.broadcast %mul3A_375 : i32 to vector<16xi32>
      %mul3A_377 = arith.muli %iota3A, %mul3A_376 : vector<16xi32>
      %add3A_378 = arith.constant 13 : i32
      %add3A_379 = vector.broadcast %add3A_378 : i32 to vector<16xi32>
      %add3A_380 = arith.addi %mul3A_377, %add3A_379 : vector<16xi32>
      %gather3A_381 = tpu.vector_load_idx %arg25[%add3A_380] : memref<256xf32, #tpu.memory_space<vmem>>[vector<16xi32>], vector<16xf32>,
      %add3A_382 = arith.addf %add3A_374, %gather3A_381 : vector<16xf32>
      %mul3A_383 = arith.constant 16 : i32
      %mul3A_384 = vector.broadcast %mul3A_383 : i32 to vector<16xi32>
      %mul3A_385 = arith.muli %iota3A, %mul3A_384 : vector<16xi32>
      %add3A_386 = arith.constant 14 : i32
      %add3A_387 = vector.broadcast %add3A_386 : i32 to vector<16xi32>
      %add3A_388 = arith.addi %mul3A_385, %add3A_387 : vector<16xi32>
      %gather3A_389 = tpu.vector_load_idx %arg25[%add3A_388] : memref<256xf32, #tpu.memory_space<vmem>>[vector<16xi32>], vector<16xf32>,
      %add3A_390 = arith.addf %add3A_382, %gather3A_389 : vector<16xf32>
      %mul3A_391 = arith.constant 16 : i32
      %mul3A_392 = vector.broadcast %mul3A_391 : i32 to vector<16xi32>
      %mul3A_393 = arith.muli %iota3A, %mul3A_392 : vector<16xi32>
      %add3A_394 = arith.constant 15 : i32
      %add3A_395 = vector.broadcast %add3A_394 : i32 to vector<16xi32>
      %add3A_396 = arith.addi %mul3A_393, %add3A_395 : vector<16xi32>
      %gather3A_397 = tpu.vector_load_idx %arg25[%add3A_396] : memref<256xf32, #tpu.memory_space<vmem>>[vector<16xi32>], vector<16xf32>,
      %add3A_398 = arith.addf %add3A_390, %gather3A_397 : vector<16xf32>
      %neg3A = arith.constant 0.000000e+00 : f32
      %neg3A_399 = vector.broadcast %neg3A : f32 to vector<16xf32>
      %neg3A_400 = arith.subf %neg3A_399, %add3A_398 : vector<16xf32>
      %exp3A = math.exp %neg3A_400 : vector<16xf32>
      %add3A_401 = arith.constant 1.000000e+00 : f32
      %add3A_402 = vector.broadcast %add3A_401 : f32 to vector<16xf32>
      %add3A_403 = arith.addf %add3A_402, %exp3A : vector<16xf32>
      %div3A = arith.constant 1.000000e+00 : f32
      %div3A_404 = vector.broadcast %div3A : f32 to vector<16xf32>
      %div3A_405 = arith.divf %div3A_404, %add3A_403 : vector<16xf32>
      %mul3A_406 = arith.constant 16 : i32
      %mul3A_407 = arith.muli %scan3A_264, %mul3A_406 : i32
      %add3A_408 = arith.constant 128 : i32
      %add3A_409 = arith.addi %add3A_408, %mul3A_407 : i32
      %multiple_of3A = tpu.assume_multiple %add3A_409, 16 : i32
      %swap3A = arith.index_cast %multiple_of3A : i32 to index
      %swap3A_410 = tpu.vector_load %arg26[%swap3A] {strides = array<i32>} : memref<512xf32, #tpu.memory_space<vmem>>, vector<16xf32>,
      tpu.vector_store %arg26[%swap3A], %div3A_405 {strides = array<i32>} : memref<512xf32, #tpu.memory_space<vmem>>, vector<16xf32>,
    }
    %scan3A_161 = arith.constant 8 : i32
    %dma_start3A_162 = arith.constant 384 : i32
    %dma_start3A_163 = tpu.memref_slice %arg10[%dma_start3A_162] : memref<512xi32, #tpu.memory_space<vmem>> -> memref<128xi32, #tpu.memory_space<vmem>>
    %dma_start3A_164 = arith.constant 0 : i32
    %dma_start3A_165 = arith.constant 0 : i32
    %dma_start3A_166 = tpu.memref_slice %arg5[%dma_start3A_164, %dma_start3A_165] : memref<1000000x64xf32, #tpu.memory_space<hbm>> -> memref<1000000x64xf32, #tpu.memory_space<hbm>>
    tpu.enqueue_indirect_dma source(%dma_start3A_166 : memref<1000000x64xf32, #tpu.memory_space<hbm>>) target(%arg19 : memref<128x64xf32, #tpu.memory_space<vmem>>) offsets(%dma_start3A_163 : memref<128xi32, #tpu.memory_space<vmem>>) semaphore(%arg28 : memref<!tpu.dma_semaphore, #tpu.memory_space<semaphore_mem>>)
    %dma_start3A_167 = arith.constant 384 : i32
    %dma_start3A_168 = tpu.memref_slice %arg10[%dma_start3A_167] : memref<512xi32, #tpu.memory_space<vmem>> -> memref<128xi32, #tpu.memory_space<vmem>>
    %dma_start3A_169 = arith.constant 0 : i32
    %dma_start3A_170 = arith.constant 0 : i32
    %dma_start3A_171 = tpu.memref_slice %arg6[%dma_start3A_169, %dma_start3A_170] : memref<1000000x64xf32, #tpu.memory_space<hbm>> -> memref<1000000x64xf32, #tpu.memory_space<hbm>>
    tpu.enqueue_indirect_dma source(%dma_start3A_171 : memref<1000000x64xf32, #tpu.memory_space<hbm>>) target(%arg20 : memref<128x64xf32, #tpu.memory_space<vmem>>) offsets(%dma_start3A_168 : memref<128xi32, #tpu.memory_space<vmem>>) semaphore(%arg28 : memref<!tpu.dma_semaphore, #tpu.memory_space<semaphore_mem>>)
    %dma_start3A_172 = arith.constant 384 : i32
    %dma_start3A_173 = tpu.memref_slice %arg11[%dma_start3A_172] : memref<512xi32, #tpu.memory_space<vmem>> -> memref<128xi32, #tpu.memory_space<vmem>>
    %dma_start3A_174 = arith.constant 0 : i32
    %dma_start3A_175 = arith.constant 0 : i32
    %dma_start3A_176 = tpu.memref_slice %arg7[%dma_start3A_174, %dma_start3A_175] : memref<1000x64xf32, #tpu.memory_space<hbm>> -> memref<1000x64xf32, #tpu.memory_space<hbm>>
    tpu.enqueue_indirect_dma source(%dma_start3A_176 : memref<1000x64xf32, #tpu.memory_space<hbm>>) target(%arg21 : memref<128x64xf32, #tpu.memory_space<vmem>>) offsets(%dma_start3A_173 : memref<128xi32, #tpu.memory_space<vmem>>) semaphore(%arg28 : memref<!tpu.dma_semaphore, #tpu.memory_space<semaphore_mem>>)
    %dma_start3A_177 = arith.constant 384 : i32
    %dma_start3A_178 = tpu.memref_slice %arg11[%dma_start3A_177] : memref<512xi32, #tpu.memory_space<vmem>> -> memref<128xi32, #tpu.memory_space<vmem>>
    %dma_start3A_179 = arith.constant 0 : i32
    %dma_start3A_180 = arith.constant 0 : i32
    %dma_start3A_181 = tpu.memref_slice %arg8[%dma_start3A_179, %dma_start3A_180] : memref<1000x64xf32, #tpu.memory_space<hbm>> -> memref<1000x64xf32, #tpu.memory_space<hbm>>
    tpu.enqueue_indirect_dma source(%dma_start3A_181 : memref<1000x64xf32, #tpu.memory_space<hbm>>) target(%arg22 : memref<128x64xf32, #tpu.memory_space<vmem>>) offsets(%dma_start3A_178 : memref<128xi32, #tpu.memory_space<vmem>>) semaphore(%arg28 : memref<!tpu.dma_semaphore, #tpu.memory_space<semaphore_mem>>)
    %dma_start3A_182 = arith.constant 384 : i32
    %dma_start3A_183 = tpu.memref_slice %arg12[%dma_start3A_182] : memref<512xi32, #tpu.memory_space<vmem>> -> memref<128xi32, #tpu.memory_space<vmem>>
    %dma_start3A_184 = arith.constant 0 : i32
    %dma_start3A_185 = arith.constant 0 : i32
    %dma_start3A_186 = tpu.memref_slice %arg5[%dma_start3A_184, %dma_start3A_185] : memref<1000000x64xf32, #tpu.memory_space<hbm>> -> memref<1000000x64xf32, #tpu.memory_space<hbm>>
    tpu.enqueue_indirect_dma source(%dma_start3A_186 : memref<1000000x64xf32, #tpu.memory_space<hbm>>) target(%arg23 : memref<128x64xf32, #tpu.memory_space<vmem>>) offsets(%dma_start3A_183 : memref<128xi32, #tpu.memory_space<vmem>>) semaphore(%arg28 : memref<!tpu.dma_semaphore, #tpu.memory_space<semaphore_mem>>)
    %dma_start3A_187 = arith.constant 384 : i32
    %dma_start3A_188 = tpu.memref_slice %arg12[%dma_start3A_187] : memref<512xi32, #tpu.memory_space<vmem>> -> memref<128xi32, #tpu.memory_space<vmem>>
    %dma_start3A_189 = arith.constant 0 : i32
    %dma_start3A_190 = arith.constant 0 : i32
    %dma_start3A_191 = tpu.memref_slice %arg6[%dma_start3A_189, %dma_start3A_190] : memref<1000000x64xf32, #tpu.memory_space<hbm>> -> memref<1000000x64xf32, #tpu.memory_space<hbm>>
    tpu.enqueue_indirect_dma source(%dma_start3A_191 : memref<1000000x64xf32, #tpu.memory_space<hbm>>) target(%arg24 : memref<128x64xf32, #tpu.memory_space<vmem>>) offsets(%dma_start3A_188 : memref<128xi32, #tpu.memory_space<vmem>>) semaphore(%arg28 : memref<!tpu.dma_semaphore, #tpu.memory_space<semaphore_mem>>)
    %dma_wait3A_192 = arith.constant 256 : i32
    %dma_wait3A_193 = tpu.memref_slice %arg10[%dma_wait3A_192] : memref<512xi32, #tpu.memory_space<vmem>> -> memref<128xi32, #tpu.memory_space<vmem>>
    %dma_wait3A_194 = arith.constant 0 : i32
    %dma_wait3A_195 = arith.constant 0 : i32
    %dma_wait3A_196 = tpu.memref_slice %arg5[%dma_wait3A_194, %dma_wait3A_195] : memref<1000000x64xf32, #tpu.memory_space<hbm>> -> memref<1000000x64xf32, #tpu.memory_space<hbm>>
    tpu.wait_indirect_dma semaphore(%arg27 : memref<!tpu.dma_semaphore, #tpu.memory_space<semaphore_mem>>) src(%dma_wait3A_196 : memref<1000000x64xf32, #tpu.memory_space<hbm>>) dst(%arg13 : memref<128x64xf32, #tpu.memory_space<vmem>>)
    %dma_wait3A_197 = arith.constant 256 : i32
    %dma_wait3A_198 = tpu.memref_slice %arg10[%dma_wait3A_197] : memref<512xi32, #tpu.memory_space<vmem>> -> memref<128xi32, #tpu.memory_space<vmem>>
    %dma_wait3A_199 = arith.constant 0 : i32
    %dma_wait3A_200 = arith.constant 0 : i32
    %dma_wait3A_201 = tpu.memref_slice %arg6[%dma_wait3A_199, %dma_wait3A_200] : memref<1000000x64xf32, #tpu.memory_space<hbm>> -> memref<1000000x64xf32, #tpu.memory_space<hbm>>
    tpu.wait_indirect_dma semaphore(%arg27 : memref<!tpu.dma_semaphore, #tpu.memory_space<semaphore_mem>>) src(%dma_wait3A_201 : memref<1000000x64xf32, #tpu.memory_space<hbm>>) dst(%arg14 : memref<128x64xf32, #tpu.memory_space<vmem>>)
    %dma_wait3A_202 = arith.constant 256 : i32
    %dma_wait3A_203 = tpu.memref_slice %arg11[%dma_wait3A_202] : memref<512xi32, #tpu.memory_space<vmem>> -> memref<128xi32, #tpu.memory_space<vmem>>
    %dma_wait3A_204 = arith.constant 0 : i32
    %dma_wait3A_205 = arith.constant 0 : i32
    %dma_wait3A_206 = tpu.memref_slice %arg7[%dma_wait3A_204, %dma_wait3A_205] : memref<1000x64xf32, #tpu.memory_space<hbm>> -> memref<1000x64xf32, #tpu.memory_space<hbm>>
    tpu.wait_indirect_dma semaphore(%arg27 : memref<!tpu.dma_semaphore, #tpu.memory_space<semaphore_mem>>) src(%dma_wait3A_206 : memref<1000x64xf32, #tpu.memory_space<hbm>>) dst(%arg15 : memref<128x64xf32, #tpu.memory_space<vmem>>)
    %dma_wait3A_207 = arith.constant 256 : i32
    %dma_wait3A_208 = tpu.memref_slice %arg11[%dma_wait3A_207] : memref<512xi32, #tpu.memory_space<vmem>> -> memref<128xi32, #tpu.memory_space<vmem>>
    %dma_wait3A_209 = arith.constant 0 : i32
    %dma_wait3A_210 = arith.constant 0 : i32
    %dma_wait3A_211 = tpu.memref_slice %arg8[%dma_wait3A_209, %dma_wait3A_210] : memref<1000x64xf32, #tpu.memory_space<hbm>> -> memref<1000x64xf32, #tpu.memory_space<hbm>>
    tpu.wait_indirect_dma semaphore(%arg27 : memref<!tpu.dma_semaphore, #tpu.memory_space<semaphore_mem>>) src(%dma_wait3A_211 : memref<1000x64xf32, #tpu.memory_space<hbm>>) dst(%arg16 : memref<128x64xf32, #tpu.memory_space<vmem>>)
    %dma_wait3A_212 = arith.constant 256 : i32
    %dma_wait3A_213 = tpu.memref_slice %arg12[%dma_wait3A_212] : memref<512xi32, #tpu.memory_space<vmem>> -> memref<128xi32, #tpu.memory_space<vmem>>
    %dma_wait3A_214 = arith.constant 0 : i32
    %dma_wait3A_215 = arith.constant 0 : i32
    %dma_wait3A_216 = tpu.memref_slice %arg5[%dma_wait3A_214, %dma_wait3A_215] : memref<1000000x64xf32, #tpu.memory_space<hbm>> -> memref<1000000x64xf32, #tpu.memory_space<hbm>>
    tpu.wait_indirect_dma semaphore(%arg27 : memref<!tpu.dma_semaphore, #tpu.memory_space<semaphore_mem>>) src(%dma_wait3A_216 : memref<1000000x64xf32, #tpu.memory_space<hbm>>) dst(%arg17 : memref<128x64xf32, #tpu.memory_space<vmem>>)
    %dma_wait3A_217 = arith.constant 256 : i32
    %dma_wait3A_218 = tpu.memref_slice %arg12[%dma_wait3A_217] : memref<512xi32, #tpu.memory_space<vmem>> -> memref<128xi32, #tpu.memory_space<vmem>>
    %dma_wait3A_219 = arith.constant 0 : i32
    %dma_wait3A_220 = arith.constant 0 : i32
    %dma_wait3A_221 = tpu.memref_slice %arg6[%dma_wait3A_219, %dma_wait3A_220] : memref<1000000x64xf32, #tpu.memory_space<hbm>> -> memref<1000000x64xf32, #tpu.memory_space<hbm>>
    tpu.wait_indirect_dma semaphore(%arg27 : memref<!tpu.dma_semaphore, #tpu.memory_space<semaphore_mem>>) src(%dma_wait3A_221 : memref<1000000x64xf32, #tpu.memory_space<hbm>>) dst(%arg18 : memref<128x64xf32, #tpu.memory_space<vmem>>)
    %scan3A_222 = arith.constant 0 : i32
    %scan3A_223 = arith.constant 0 : i32
    %scan3A_224 = arith.constant 8 : i32
    %scan3A_225 = arith.addi %scan3A_223, %scan3A_224 : i32
    %scan3A_226 = arith.constant 1 : i32
    scf.for %scan3A_264 = %scan3A_223 to %scan3A_225 step %scan3A_226  : i32 {
      %scan3A_265 = arith.constant 0 : i32
      %scan3A_266 = arith.constant 0 : i32
      %scan3A_267 = arith.constant 16 : i32
      %scan3A_268 = arith.addi %scan3A_266, %scan3A_267 : i32
      %scan3A_269 = arith.constant 1 : i32
      scf.for %scan3A_411 = %scan3A_266 to %scan3A_268 step %scan3A_269  : i32 {
        %mul3A_412 = arith.constant 16 : i32
        %mul3A_413 = arith.muli %scan3A_264, %mul3A_412 : i32
        %add3A_414 = arith.addi %mul3A_413, %scan3A_411 : i32
        %broadcast_in_dim3A_415 = arith.constant 0.000000e+00 : f32
        %broadcast_in_dim3A_416 = vector.broadcast %broadcast_in_dim3A_415 : f32 to vector<16xf32>
        %get3A = arith.index_cast %add3A_414 : i32 to index
        %get3A_417 = arith.constant 0 : index
        %get3A_418 = tpu.vector_load %arg13[%get3A, %get3A_417] {strides = array<i32>} : memref<128x64xf32, #tpu.memory_space<vmem>>, vector<16xf32>,
        %get3A_419 = arith.index_cast %add3A_414 : i32 to index
        %get3A_420 = arith.constant 0 : index
        %get3A_421 = tpu.vector_load %arg14[%get3A_419, %get3A_420] {strides = array<i32>} : memref<128x64xf32, #tpu.memory_space<vmem>>, vector<16xf32>,
        %get3A_422 = arith.index_cast %add3A_414 : i32 to index
        %get3A_423 = arith.constant 0 : index
        %get3A_424 = tpu.vector_load %arg15[%get3A_422, %get3A_423] {strides = array<i32>} : memref<128x64xf32, #tpu.memory_space<vmem>>, vector<16xf32>,
        %get3A_425 = arith.index_cast %add3A_414 : i32 to index
        %get3A_426 = arith.constant 0 : index
        %get3A_427 = tpu.vector_load %arg16[%get3A_425, %get3A_426] {strides = array<i32>} : memref<128x64xf32, #tpu.memory_space<vmem>>, vector<16xf32>,
        %get3A_428 = arith.index_cast %add3A_414 : i32 to index
        %get3A_429 = arith.constant 0 : index
        %get3A_430 = tpu.vector_load %arg17[%get3A_428, %get3A_429] {strides = array<i32>} : memref<128x64xf32, #tpu.memory_space<vmem>>, vector<16xf32>,
        %get3A_431 = arith.index_cast %add3A_414 : i32 to index
        %get3A_432 = arith.constant 0 : index
        %get3A_433 = tpu.vector_load %arg18[%get3A_431, %get3A_432] {strides = array<i32>} : memref<128x64xf32, #tpu.memory_space<vmem>>, vector<16xf32>,
        %mul3A_434 = arith.mulf %get3A_418, %get3A_424 : vector<16xf32>
        %mul3A_435 = arith.mulf %get3A_421, %get3A_427 : vector<16xf32>
        %sub3A = arith.subf %mul3A_434, %mul3A_435 : vector<16xf32>
        %mul3A_436 = arith.mulf %get3A_430, %sub3A : vector<16xf32>
        %add3A_437 = arith.addf %broadcast_in_dim3A_416, %mul3A_436 : vector<16xf32>
        %mul3A_438 = arith.mulf %get3A_418, %get3A_427 : vector<16xf32>
        %mul3A_439 = arith.mulf %get3A_421, %get3A_424 : vector<16xf32>
        %add3A_440 = arith.addf %mul3A_438, %mul3A_439 : vector<16xf32>
        %mul3A_441 = arith.mulf %get3A_433, %add3A_440 : vector<16xf32>
        %add3A_442 = arith.addf %add3A_437, %mul3A_441 : vector<16xf32>
        %get3A_443 = arith.index_cast %add3A_414 : i32 to index
        %get3A_444 = arith.constant 16 : index
        %get3A_445 = tpu.vector_load %arg13[%get3A_443, %get3A_444] {strides = array<i32>} : memref<128x64xf32, #tpu.memory_space<vmem>>, vector<16xf32>,
        %get3A_446 = arith.index_cast %add3A_414 : i32 to index
        %get3A_447 = arith.constant 16 : index
        %get3A_448 = tpu.vector_load %arg14[%get3A_446, %get3A_447] {strides = array<i32>} : memref<128x64xf32, #tpu.memory_space<vmem>>, vector<16xf32>,
        %get3A_449 = arith.index_cast %add3A_414 : i32 to index
        %get3A_450 = arith.constant 16 : index
        %get3A_451 = tpu.vector_load %arg15[%get3A_449, %get3A_450] {strides = array<i32>} : memref<128x64xf32, #tpu.memory_space<vmem>>, vector<16xf32>,
        %get3A_452 = arith.index_cast %add3A_414 : i32 to index
        %get3A_453 = arith.constant 16 : index
        %get3A_454 = tpu.vector_load %arg16[%get3A_452, %get3A_453] {strides = array<i32>} : memref<128x64xf32, #tpu.memory_space<vmem>>, vector<16xf32>,
        %get3A_455 = arith.index_cast %add3A_414 : i32 to index
        %get3A_456 = arith.constant 16 : index
        %get3A_457 = tpu.vector_load %arg17[%get3A_455, %get3A_456] {strides = array<i32>} : memref<128x64xf32, #tpu.memory_space<vmem>>, vector<16xf32>,
        %get3A_458 = arith.index_cast %add3A_414 : i32 to index
        %get3A_459 = arith.constant 16 : index
        %get3A_460 = tpu.vector_load %arg18[%get3A_458, %get3A_459] {strides = array<i32>} : memref<128x64xf32, #tpu.memory_space<vmem>>, vector<16xf32>,
        %mul3A_461 = arith.mulf %get3A_445, %get3A_451 : vector<16xf32>
        %mul3A_462 = arith.mulf %get3A_448, %get3A_454 : vector<16xf32>
        %sub3A_463 = arith.subf %mul3A_461, %mul3A_462 : vector<16xf32>
        %mul3A_464 = arith.mulf %get3A_457, %sub3A_463 : vector<16xf32>
        %add3A_465 = arith.addf %add3A_442, %mul3A_464 : vector<16xf32>
        %mul3A_466 = arith.mulf %get3A_445, %get3A_454 : vector<16xf32>
        %mul3A_467 = arith.mulf %get3A_448, %get3A_451 : vector<16xf32>
        %add3A_468 = arith.addf %mul3A_466, %mul3A_467 : vector<16xf32>
        %mul3A_469 = arith.mulf %get3A_460, %add3A_468 : vector<16xf32>
        %add3A_470 = arith.addf %add3A_465, %mul3A_469 : vector<16xf32>
        %get3A_471 = arith.index_cast %add3A_414 : i32 to index
        %get3A_472 = arith.constant 32 : index
        %get3A_473 = tpu.vector_load %arg13[%get3A_471, %get3A_472] {strides = array<i32>} : memref<128x64xf32, #tpu.memory_space<vmem>>, vector<16xf32>,
        %get3A_474 = arith.index_cast %add3A_414 : i32 to index
        %get3A_475 = arith.constant 32 : index
        %get3A_476 = tpu.vector_load %arg14[%get3A_474, %get3A_475] {strides = array<i32>} : memref<128x64xf32, #tpu.memory_space<vmem>>, vector<16xf32>,
        %get3A_477 = arith.index_cast %add3A_414 : i32 to index
        %get3A_478 = arith.constant 32 : index
        %get3A_479 = tpu.vector_load %arg15[%get3A_477, %get3A_478] {strides = array<i32>} : memref<128x64xf32, #tpu.memory_space<vmem>>, vector<16xf32>,
        %get3A_480 = arith.index_cast %add3A_414 : i32 to index
        %get3A_481 = arith.constant 32 : index
        %get3A_482 = tpu.vector_load %arg16[%get3A_480, %get3A_481] {strides = array<i32>} : memref<128x64xf32, #tpu.memory_space<vmem>>, vector<16xf32>,
        %get3A_483 = arith.index_cast %add3A_414 : i32 to index
        %get3A_484 = arith.constant 32 : index
        %get3A_485 = tpu.vector_load %arg17[%get3A_483, %get3A_484] {strides = array<i32>} : memref<128x64xf32, #tpu.memory_space<vmem>>, vector<16xf32>,
        %get3A_486 = arith.index_cast %add3A_414 : i32 to index
        %get3A_487 = arith.constant 32 : index
        %get3A_488 = tpu.vector_load %arg18[%get3A_486, %get3A_487] {strides = array<i32>} : memref<128x64xf32, #tpu.memory_space<vmem>>, vector<16xf32>,
        %mul3A_489 = arith.mulf %get3A_473, %get3A_479 : vector<16xf32>
        %mul3A_490 = arith.mulf %get3A_476, %get3A_482 : vector<16xf32>
        %sub3A_491 = arith.subf %mul3A_489, %mul3A_490 : vector<16xf32>
        %mul3A_492 = arith.mulf %get3A_485, %sub3A_491 : vector<16xf32>
        %add3A_493 = arith.addf %add3A_470, %mul3A_492 : vector<16xf32>
        %mul3A_494 = arith.mulf %get3A_473, %get3A_482 : vector<16xf32>
        %mul3A_495 = arith.mulf %get3A_476, %get3A_479 : vector<16xf32>
        %add3A_496 = arith.addf %mul3A_494, %mul3A_495 : vector<16xf32>
        %mul3A_497 = arith.mulf %get3A_488, %add3A_496 : vector<16xf32>
        %add3A_498 = arith.addf %add3A_493, %mul3A_497 : vector<16xf32>
        %get3A_499 = arith.index_cast %add3A_414 : i32 to index
        %get3A_500 = arith.constant 48 : index
        %get3A_501 = tpu.vector_load %arg13[%get3A_499, %get3A_500] {strides = array<i32>} : memref<128x64xf32, #tpu.memory_space<vmem>>, vector<16xf32>,
        %get3A_502 = arith.index_cast %add3A_414 : i32 to index
        %get3A_503 = arith.constant 48 : index
        %get3A_504 = tpu.vector_load %arg14[%get3A_502, %get3A_503] {strides = array<i32>} : memref<128x64xf32, #tpu.memory_space<vmem>>, vector<16xf32>,
        %get3A_505 = arith.index_cast %add3A_414 : i32 to index
        %get3A_506 = arith.constant 48 : index
        %get3A_507 = tpu.vector_load %arg15[%get3A_505, %get3A_506] {strides = array<i32>} : memref<128x64xf32, #tpu.memory_space<vmem>>, vector<16xf32>,
        %get3A_508 = arith.index_cast %add3A_414 : i32 to index
        %get3A_509 = arith.constant 48 : index
        %get3A_510 = tpu.vector_load %arg16[%get3A_508, %get3A_509] {strides = array<i32>} : memref<128x64xf32, #tpu.memory_space<vmem>>, vector<16xf32>,
        %get3A_511 = arith.index_cast %add3A_414 : i32 to index
        %get3A_512 = arith.constant 48 : index
        %get3A_513 = tpu.vector_load %arg17[%get3A_511, %get3A_512] {strides = array<i32>} : memref<128x64xf32, #tpu.memory_space<vmem>>, vector<16xf32>,
        %get3A_514 = arith.index_cast %add3A_414 : i32 to index
        %get3A_515 = arith.constant 48 : index
        %get3A_516 = tpu.vector_load %arg18[%get3A_514, %get3A_515] {strides = array<i32>} : memref<128x64xf32, #tpu.memory_space<vmem>>, vector<16xf32>,
        %mul3A_517 = arith.mulf %get3A_501, %get3A_507 : vector<16xf32>
        %mul3A_518 = arith.mulf %get3A_504, %get3A_510 : vector<16xf32>
        %sub3A_519 = arith.subf %mul3A_517, %mul3A_518 : vector<16xf32>
        %mul3A_520 = arith.mulf %get3A_513, %sub3A_519 : vector<16xf32>
        %add3A_521 = arith.addf %add3A_498, %mul3A_520 : vector<16xf32>
        %mul3A_522 = arith.mulf %get3A_501, %get3A_510 : vector<16xf32>
        %mul3A_523 = arith.mulf %get3A_504, %get3A_507 : vector<16xf32>
        %add3A_524 = arith.addf %mul3A_522, %mul3A_523 : vector<16xf32>
        %mul3A_525 = arith.mulf %get3A_516, %add3A_524 : vector<16xf32>
        %add3A_526 = arith.addf %add3A_521, %mul3A_525 : vector<16xf32>
        %mul3A_527 = arith.constant 16 : i32
        %mul3A_528 = arith.muli %scan3A_411, %mul3A_527 : i32
        %multiple_of3A_529 = tpu.assume_multiple %mul3A_528, 16 : i32
        %swap3A_530 = arith.index_cast %multiple_of3A_529 : i32 to index
        %swap3A_531 = tpu.vector_load %arg25[%swap3A_530] {strides = array<i32>} : memref<256xf32, #tpu.memory_space<vmem>>, vector<16xf32>,
        tpu.vector_store %arg25[%swap3A_530], %add3A_526 {strides = array<i32>} : memref<256xf32, #tpu.memory_space<vmem>>, vector<16xf32>,
      }
      %scan3A_270 = arith.constant 16 : i32
      %iota3A = tpu.iota {dimensions = array<i32: 0>} : vector<16xi32>
      %broadcast_in_dim3A = arith.constant 0.000000e+00 : f32
      %broadcast_in_dim3A_271 = vector.broadcast %broadcast_in_dim3A : f32 to vector<16xf32>
      %mul3A_272 = arith.constant 16 : i32
      %mul3A_273 = vector.broadcast %mul3A_272 : i32 to vector<16xi32>
      %mul3A_274 = arith.muli %iota3A, %mul3A_273 : vector<16xi32>
      %add3A_275 = arith.constant 0 : i32
      %add3A_276 = vector.broadcast %add3A_275 : i32 to vector<16xi32>
      %add3A_277 = arith.addi %mul3A_274, %add3A_276 : vector<16xi32>
      %gather3A = tpu.vector_load_idx %arg25[%add3A_277] : memref<256xf32, #tpu.memory_space<vmem>>[vector<16xi32>], vector<16xf32>,
      %add3A_278 = arith.addf %broadcast_in_dim3A_271, %gather3A : vector<16xf32>
      %mul3A_279 = arith.constant 16 : i32
      %mul3A_280 = vector.broadcast %mul3A_279 : i32 to vector<16xi32>
      %mul3A_281 = arith.muli %iota3A, %mul3A_280 : vector<16xi32>
      %add3A_282 = arith.constant 1 : i32
      %add3A_283 = vector.broadcast %add3A_282 : i32 to vector<16xi32>
      %add3A_284 = arith.addi %mul3A_281, %add3A_283 : vector<16xi32>
      %gather3A_285 = tpu.vector_load_idx %arg25[%add3A_284] : memref<256xf32, #tpu.memory_space<vmem>>[vector<16xi32>], vector<16xf32>,
      %add3A_286 = arith.addf %add3A_278, %gather3A_285 : vector<16xf32>
      %mul3A_287 = arith.constant 16 : i32
      %mul3A_288 = vector.broadcast %mul3A_287 : i32 to vector<16xi32>
      %mul3A_289 = arith.muli %iota3A, %mul3A_288 : vector<16xi32>
      %add3A_290 = arith.constant 2 : i32
      %add3A_291 = vector.broadcast %add3A_290 : i32 to vector<16xi32>
      %add3A_292 = arith.addi %mul3A_289, %add3A_291 : vector<16xi32>
      %gather3A_293 = tpu.vector_load_idx %arg25[%add3A_292] : memref<256xf32, #tpu.memory_space<vmem>>[vector<16xi32>], vector<16xf32>,
      %add3A_294 = arith.addf %add3A_286, %gather3A_293 : vector<16xf32>
      %mul3A_295 = arith.constant 16 : i32
      %mul3A_296 = vector.broadcast %mul3A_295 : i32 to vector<16xi32>
      %mul3A_297 = arith.muli %iota3A, %mul3A_296 : vector<16xi32>
      %add3A_298 = arith.constant 3 : i32
      %add3A_299 = vector.broadcast %add3A_298 : i32 to vector<16xi32>
      %add3A_300 = arith.addi %mul3A_297, %add3A_299 : vector<16xi32>
      %gather3A_301 = tpu.vector_load_idx %arg25[%add3A_300] : memref<256xf32, #tpu.memory_space<vmem>>[vector<16xi32>], vector<16xf32>,
      %add3A_302 = arith.addf %add3A_294, %gather3A_301 : vector<16xf32>
      %mul3A_303 = arith.constant 16 : i32
      %mul3A_304 = vector.broadcast %mul3A_303 : i32 to vector<16xi32>
      %mul3A_305 = arith.muli %iota3A, %mul3A_304 : vector<16xi32>
      %add3A_306 = arith.constant 4 : i32
      %add3A_307 = vector.broadcast %add3A_306 : i32 to vector<16xi32>
      %add3A_308 = arith.addi %mul3A_305, %add3A_307 : vector<16xi32>
      %gather3A_309 = tpu.vector_load_idx %arg25[%add3A_308] : memref<256xf32, #tpu.memory_space<vmem>>[vector<16xi32>], vector<16xf32>,
      %add3A_310 = arith.addf %add3A_302, %gather3A_309 : vector<16xf32>
      %mul3A_311 = arith.constant 16 : i32
      %mul3A_312 = vector.broadcast %mul3A_311 : i32 to vector<16xi32>
      %mul3A_313 = arith.muli %iota3A, %mul3A_312 : vector<16xi32>
      %add3A_314 = arith.constant 5 : i32
      %add3A_315 = vector.broadcast %add3A_314 : i32 to vector<16xi32>
      %add3A_316 = arith.addi %mul3A_313, %add3A_315 : vector<16xi32>
      %gather3A_317 = tpu.vector_load_idx %arg25[%add3A_316] : memref<256xf32, #tpu.memory_space<vmem>>[vector<16xi32>], vector<16xf32>,
      %add3A_318 = arith.addf %add3A_310, %gather3A_317 : vector<16xf32>
      %mul3A_319 = arith.constant 16 : i32
      %mul3A_320 = vector.broadcast %mul3A_319 : i32 to vector<16xi32>
      %mul3A_321 = arith.muli %iota3A, %mul3A_320 : vector<16xi32>
      %add3A_322 = arith.constant 6 : i32
      %add3A_323 = vector.broadcast %add3A_322 : i32 to vector<16xi32>
      %add3A_324 = arith.addi %mul3A_321, %add3A_323 : vector<16xi32>
      %gather3A_325 = tpu.vector_load_idx %arg25[%add3A_324] : memref<256xf32, #tpu.memory_space<vmem>>[vector<16xi32>], vector<16xf32>,
      %add3A_326 = arith.addf %add3A_318, %gather3A_325 : vector<16xf32>
      %mul3A_327 = arith.constant 16 : i32
      %mul3A_328 = vector.broadcast %mul3A_327 : i32 to vector<16xi32>
      %mul3A_329 = arith.muli %iota3A, %mul3A_328 : vector<16xi32>
      %add3A_330 = arith.constant 7 : i32
      %add3A_331 = vector.broadcast %add3A_330 : i32 to vector<16xi32>
      %add3A_332 = arith.addi %mul3A_329, %add3A_331 : vector<16xi32>
      %gather3A_333 = tpu.vector_load_idx %arg25[%add3A_332] : memref<256xf32, #tpu.memory_space<vmem>>[vector<16xi32>], vector<16xf32>,
      %add3A_334 = arith.addf %add3A_326, %gather3A_333 : vector<16xf32>
      %mul3A_335 = arith.constant 16 : i32
      %mul3A_336 = vector.broadcast %mul3A_335 : i32 to vector<16xi32>
      %mul3A_337 = arith.muli %iota3A, %mul3A_336 : vector<16xi32>
      %add3A_338 = arith.constant 8 : i32
      %add3A_339 = vector.broadcast %add3A_338 : i32 to vector<16xi32>
      %add3A_340 = arith.addi %mul3A_337, %add3A_339 : vector<16xi32>
      %gather3A_341 = tpu.vector_load_idx %arg25[%add3A_340] : memref<256xf32, #tpu.memory_space<vmem>>[vector<16xi32>], vector<16xf32>,
      %add3A_342 = arith.addf %add3A_334, %gather3A_341 : vector<16xf32>
      %mul3A_343 = arith.constant 16 : i32
      %mul3A_344 = vector.broadcast %mul3A_343 : i32 to vector<16xi32>
      %mul3A_345 = arith.muli %iota3A, %mul3A_344 : vector<16xi32>
      %add3A_346 = arith.constant 9 : i32
      %add3A_347 = vector.broadcast %add3A_346 : i32 to vector<16xi32>
      %add3A_348 = arith.addi %mul3A_345, %add3A_347 : vector<16xi32>
      %gather3A_349 = tpu.vector_load_idx %arg25[%add3A_348] : memref<256xf32, #tpu.memory_space<vmem>>[vector<16xi32>], vector<16xf32>,
      %add3A_350 = arith.addf %add3A_342, %gather3A_349 : vector<16xf32>
      %mul3A_351 = arith.constant 16 : i32
      %mul3A_352 = vector.broadcast %mul3A_351 : i32 to vector<16xi32>
      %mul3A_353 = arith.muli %iota3A, %mul3A_352 : vector<16xi32>
      %add3A_354 = arith.constant 10 : i32
      %add3A_355 = vector.broadcast %add3A_354 : i32 to vector<16xi32>
      %add3A_356 = arith.addi %mul3A_353, %add3A_355 : vector<16xi32>
      %gather3A_357 = tpu.vector_load_idx %arg25[%add3A_356] : memref<256xf32, #tpu.memory_space<vmem>>[vector<16xi32>], vector<16xf32>,
      %add3A_358 = arith.addf %add3A_350, %gather3A_357 : vector<16xf32>
      %mul3A_359 = arith.constant 16 : i32
      %mul3A_360 = vector.broadcast %mul3A_359 : i32 to vector<16xi32>
      %mul3A_361 = arith.muli %iota3A, %mul3A_360 : vector<16xi32>
      %add3A_362 = arith.constant 11 : i32
      %add3A_363 = vector.broadcast %add3A_362 : i32 to vector<16xi32>
      %add3A_364 = arith.addi %mul3A_361, %add3A_363 : vector<16xi32>
      %gather3A_365 = tpu.vector_load_idx %arg25[%add3A_364] : memref<256xf32, #tpu.memory_space<vmem>>[vector<16xi32>], vector<16xf32>,
      %add3A_366 = arith.addf %add3A_358, %gather3A_365 : vector<16xf32>
      %mul3A_367 = arith.constant 16 : i32
      %mul3A_368 = vector.broadcast %mul3A_367 : i32 to vector<16xi32>
      %mul3A_369 = arith.muli %iota3A, %mul3A_368 : vector<16xi32>
      %add3A_370 = arith.constant 12 : i32
      %add3A_371 = vector.broadcast %add3A_370 : i32 to vector<16xi32>
      %add3A_372 = arith.addi %mul3A_369, %add3A_371 : vector<16xi32>
      %gather3A_373 = tpu.vector_load_idx %arg25[%add3A_372] : memref<256xf32, #tpu.memory_space<vmem>>[vector<16xi32>], vector<16xf32>,
      %add3A_374 = arith.addf %add3A_366, %gather3A_373 : vector<16xf32>
      %mul3A_375 = arith.constant 16 : i32
      %mul3A_376 = vector.broadcast %mul3A_375 : i32 to vector<16xi32>
      %mul3A_377 = arith.muli %iota3A, %mul3A_376 : vector<16xi32>
      %add3A_378 = arith.constant 13 : i32
      %add3A_379 = vector.broadcast %add3A_378 : i32 to vector<16xi32>
      %add3A_380 = arith.addi %mul3A_377, %add3A_379 : vector<16xi32>
      %gather3A_381 = tpu.vector_load_idx %arg25[%add3A_380] : memref<256xf32, #tpu.memory_space<vmem>>[vector<16xi32>], vector<16xf32>,
      %add3A_382 = arith.addf %add3A_374, %gather3A_381 : vector<16xf32>
      %mul3A_383 = arith.constant 16 : i32
      %mul3A_384 = vector.broadcast %mul3A_383 : i32 to vector<16xi32>
      %mul3A_385 = arith.muli %iota3A, %mul3A_384 : vector<16xi32>
      %add3A_386 = arith.constant 14 : i32
      %add3A_387 = vector.broadcast %add3A_386 : i32 to vector<16xi32>
      %add3A_388 = arith.addi %mul3A_385, %add3A_387 : vector<16xi32>
      %gather3A_389 = tpu.vector_load_idx %arg25[%add3A_388] : memref<256xf32, #tpu.memory_space<vmem>>[vector<16xi32>], vector<16xf32>,
      %add3A_390 = arith.addf %add3A_382, %gather3A_389 : vector<16xf32>
      %mul3A_391 = arith.constant 16 : i32
      %mul3A_392 = vector.broadcast %mul3A_391 : i32 to vector<16xi32>
      %mul3A_393 = arith.muli %iota3A, %mul3A_392 : vector<16xi32>
      %add3A_394 = arith.constant 15 : i32
      %add3A_395 = vector.broadcast %add3A_394 : i32 to vector<16xi32>
      %add3A_396 = arith.addi %mul3A_393, %add3A_395 : vector<16xi32>
      %gather3A_397 = tpu.vector_load_idx %arg25[%add3A_396] : memref<256xf32, #tpu.memory_space<vmem>>[vector<16xi32>], vector<16xf32>,
      %add3A_398 = arith.addf %add3A_390, %gather3A_397 : vector<16xf32>
      %neg3A = arith.constant 0.000000e+00 : f32
      %neg3A_399 = vector.broadcast %neg3A : f32 to vector<16xf32>
      %neg3A_400 = arith.subf %neg3A_399, %add3A_398 : vector<16xf32>
      %exp3A = math.exp %neg3A_400 : vector<16xf32>
      %add3A_401 = arith.constant 1.000000e+00 : f32
      %add3A_402 = vector.broadcast %add3A_401 : f32 to vector<16xf32>
      %add3A_403 = arith.addf %add3A_402, %exp3A : vector<16xf32>
      %div3A = arith.constant 1.000000e+00 : f32
      %div3A_404 = vector.broadcast %div3A : f32 to vector<16xf32>
      %div3A_405 = arith.divf %div3A_404, %add3A_403 : vector<16xf32>
      %mul3A_406 = arith.constant 16 : i32
      %mul3A_407 = arith.muli %scan3A_264, %mul3A_406 : i32
      %add3A_408 = arith.constant 256 : i32
      %add3A_409 = arith.addi %add3A_408, %mul3A_407 : i32
      %multiple_of3A = tpu.assume_multiple %add3A_409, 16 : i32
      %swap3A = arith.index_cast %multiple_of3A : i32 to index
      %swap3A_410 = tpu.vector_load %arg26[%swap3A] {strides = array<i32>} : memref<512xf32, #tpu.memory_space<vmem>>, vector<16xf32>,
      tpu.vector_store %arg26[%swap3A], %div3A_405 {strides = array<i32>} : memref<512xf32, #tpu.memory_space<vmem>>, vector<16xf32>,
    }
    %scan3A_227 = arith.constant 8 : i32
    %dma_wait3A_228 = arith.constant 384 : i32
    %dma_wait3A_229 = tpu.memref_slice %arg10[%dma_wait3A_228] : memref<512xi32, #tpu.memory_space<vmem>> -> memref<128xi32, #tpu.memory_space<vmem>>
    %dma_wait3A_230 = arith.constant 0 : i32
    %dma_wait3A_231 = arith.constant 0 : i32
    %dma_wait3A_232 = tpu.memref_slice %arg5[%dma_wait3A_230, %dma_wait3A_231] : memref<1000000x64xf32, #tpu.memory_space<hbm>> -> memref<1000000x64xf32, #tpu.memory_space<hbm>>
    tpu.wait_indirect_dma semaphore(%arg28 : memref<!tpu.dma_semaphore, #tpu.memory_space<semaphore_mem>>) src(%dma_wait3A_232 : memref<1000000x64xf32, #tpu.memory_space<hbm>>) dst(%arg19 : memref<128x64xf32, #tpu.memory_space<vmem>>)
    %dma_wait3A_233 = arith.constant 384 : i32
    %dma_wait3A_234 = tpu.memref_slice %arg10[%dma_wait3A_233] : memref<512xi32, #tpu.memory_space<vmem>> -> memref<128xi32, #tpu.memory_space<vmem>>
    %dma_wait3A_235 = arith.constant 0 : i32
    %dma_wait3A_236 = arith.constant 0 : i32
    %dma_wait3A_237 = tpu.memref_slice %arg6[%dma_wait3A_235, %dma_wait3A_236] : memref<1000000x64xf32, #tpu.memory_space<hbm>> -> memref<1000000x64xf32, #tpu.memory_space<hbm>>
    tpu.wait_indirect_dma semaphore(%arg28 : memref<!tpu.dma_semaphore, #tpu.memory_space<semaphore_mem>>) src(%dma_wait3A_237 : memref<1000000x64xf32, #tpu.memory_space<hbm>>) dst(%arg20 : memref<128x64xf32, #tpu.memory_space<vmem>>)
    %dma_wait3A_238 = arith.constant 384 : i32
    %dma_wait3A_239 = tpu.memref_slice %arg11[%dma_wait3A_238] : memref<512xi32, #tpu.memory_space<vmem>> -> memref<128xi32, #tpu.memory_space<vmem>>
    %dma_wait3A_240 = arith.constant 0 : i32
    %dma_wait3A_241 = arith.constant 0 : i32
    %dma_wait3A_242 = tpu.memref_slice %arg7[%dma_wait3A_240, %dma_wait3A_241] : memref<1000x64xf32, #tpu.memory_space<hbm>> -> memref<1000x64xf32, #tpu.memory_space<hbm>>
    tpu.wait_indirect_dma semaphore(%arg28 : memref<!tpu.dma_semaphore, #tpu.memory_space<semaphore_mem>>) src(%dma_wait3A_242 : memref<1000x64xf32, #tpu.memory_space<hbm>>) dst(%arg21 : memref<128x64xf32, #tpu.memory_space<vmem>>)
    %dma_wait3A_243 = arith.constant 384 : i32
    %dma_wait3A_244 = tpu.memref_slice %arg11[%dma_wait3A_243] : memref<512xi32, #tpu.memory_space<vmem>> -> memref<128xi32, #tpu.memory_space<vmem>>
    %dma_wait3A_245 = arith.constant 0 : i32
    %dma_wait3A_246 = arith.constant 0 : i32
    %dma_wait3A_247 = tpu.memref_slice %arg8[%dma_wait3A_245, %dma_wait3A_246] : memref<1000x64xf32, #tpu.memory_space<hbm>> -> memref<1000x64xf32, #tpu.memory_space<hbm>>
    tpu.wait_indirect_dma semaphore(%arg28 : memref<!tpu.dma_semaphore, #tpu.memory_space<semaphore_mem>>) src(%dma_wait3A_247 : memref<1000x64xf32, #tpu.memory_space<hbm>>) dst(%arg22 : memref<128x64xf32, #tpu.memory_space<vmem>>)
    %dma_wait3A_248 = arith.constant 384 : i32
    %dma_wait3A_249 = tpu.memref_slice %arg12[%dma_wait3A_248] : memref<512xi32, #tpu.memory_space<vmem>> -> memref<128xi32, #tpu.memory_space<vmem>>
    %dma_wait3A_250 = arith.constant 0 : i32
    %dma_wait3A_251 = arith.constant 0 : i32
    %dma_wait3A_252 = tpu.memref_slice %arg5[%dma_wait3A_250, %dma_wait3A_251] : memref<1000000x64xf32, #tpu.memory_space<hbm>> -> memref<1000000x64xf32, #tpu.memory_space<hbm>>
    tpu.wait_indirect_dma semaphore(%arg28 : memref<!tpu.dma_semaphore, #tpu.memory_space<semaphore_mem>>) src(%dma_wait3A_252 : memref<1000000x64xf32, #tpu.memory_space<hbm>>) dst(%arg23 : memref<128x64xf32, #tpu.memory_space<vmem>>)
    %dma_wait3A_253 = arith.constant 384 : i32
    %dma_wait3A_254 = tpu.memref_slice %arg12[%dma_wait3A_253] : memref<512xi32, #tpu.memory_space<vmem>> -> memref<128xi32, #tpu.memory_space<vmem>>
    %dma_wait3A_255 = arith.constant 0 : i32
    %dma_wait3A_256 = arith.constant 0 : i32
    %dma_wait3A_257 = tpu.memref_slice %arg6[%dma_wait3A_255, %dma_wait3A_256] : memref<1000000x64xf32, #tpu.memory_space<hbm>> -> memref<1000000x64xf32, #tpu.memory_space<hbm>>
    tpu.wait_indirect_dma semaphore(%arg28 : memref<!tpu.dma_semaphore, #tpu.memory_space<semaphore_mem>>) src(%dma_wait3A_257 : memref<1000000x64xf32, #tpu.memory_space<hbm>>) dst(%arg24 : memref<128x64xf32, #tpu.memory_space<vmem>>)
    %scan3A_258 = arith.constant 0 : i32
    %scan3A_259 = arith.constant 0 : i32
    %scan3A_260 = arith.constant 8 : i32
    %scan3A_261 = arith.addi %scan3A_259, %scan3A_260 : i32
    %scan3A_262 = arith.constant 1 : i32
    scf.for %scan3A_264 = %scan3A_259 to %scan3A_261 step %scan3A_262  : i32 {
      %scan3A_265 = arith.constant 0 : i32
      %scan3A_266 = arith.constant 0 : i32
      %scan3A_267 = arith.constant 16 : i32
      %scan3A_268 = arith.addi %scan3A_266, %scan3A_267 : i32
      %scan3A_269 = arith.constant 1 : i32
      scf.for %scan3A_411 = %scan3A_266 to %scan3A_268 step %scan3A_269  : i32 {
        %mul3A_412 = arith.constant 16 : i32
        %mul3A_413 = arith.muli %scan3A_264, %mul3A_412 : i32
        %add3A_414 = arith.addi %mul3A_413, %scan3A_411 : i32
        %broadcast_in_dim3A_415 = arith.constant 0.000000e+00 : f32
        %broadcast_in_dim3A_416 = vector.broadcast %broadcast_in_dim3A_415 : f32 to vector<16xf32>
        %get3A = arith.index_cast %add3A_414 : i32 to index
        %get3A_417 = arith.constant 0 : index
        %get3A_418 = tpu.vector_load %arg19[%get3A, %get3A_417] {strides = array<i32>} : memref<128x64xf32, #tpu.memory_space<vmem>>, vector<16xf32>,
        %get3A_419 = arith.index_cast %add3A_414 : i32 to index
        %get3A_420 = arith.constant 0 : index
        %get3A_421 = tpu.vector_load %arg20[%get3A_419, %get3A_420] {strides = array<i32>} : memref<128x64xf32, #tpu.memory_space<vmem>>, vector<16xf32>,
        %get3A_422 = arith.index_cast %add3A_414 : i32 to index
        %get3A_423 = arith.constant 0 : index
        %get3A_424 = tpu.vector_load %arg21[%get3A_422, %get3A_423] {strides = array<i32>} : memref<128x64xf32, #tpu.memory_space<vmem>>, vector<16xf32>,
        %get3A_425 = arith.index_cast %add3A_414 : i32 to index
        %get3A_426 = arith.constant 0 : index
        %get3A_427 = tpu.vector_load %arg22[%get3A_425, %get3A_426] {strides = array<i32>} : memref<128x64xf32, #tpu.memory_space<vmem>>, vector<16xf32>,
        %get3A_428 = arith.index_cast %add3A_414 : i32 to index
        %get3A_429 = arith.constant 0 : index
        %get3A_430 = tpu.vector_load %arg23[%get3A_428, %get3A_429] {strides = array<i32>} : memref<128x64xf32, #tpu.memory_space<vmem>>, vector<16xf32>,
        %get3A_431 = arith.index_cast %add3A_414 : i32 to index
        %get3A_432 = arith.constant 0 : index
        %get3A_433 = tpu.vector_load %arg24[%get3A_431, %get3A_432] {strides = array<i32>} : memref<128x64xf32, #tpu.memory_space<vmem>>, vector<16xf32>,
        %mul3A_434 = arith.mulf %get3A_418, %get3A_424 : vector<16xf32>
        %mul3A_435 = arith.mulf %get3A_421, %get3A_427 : vector<16xf32>
        %sub3A = arith.subf %mul3A_434, %mul3A_435 : vector<16xf32>
        %mul3A_436 = arith.mulf %get3A_430, %sub3A : vector<16xf32>
        %add3A_437 = arith.addf %broadcast_in_dim3A_416, %mul3A_436 : vector<16xf32>
        %mul3A_438 = arith.mulf %get3A_418, %get3A_427 : vector<16xf32>
        %mul3A_439 = arith.mulf %get3A_421, %get3A_424 : vector<16xf32>
        %add3A_440 = arith.addf %mul3A_438, %mul3A_439 : vector<16xf32>
        %mul3A_441 = arith.mulf %get3A_433, %add3A_440 : vector<16xf32>
        %add3A_442 = arith.addf %add3A_437, %mul3A_441 : vector<16xf32>
        %get3A_443 = arith.index_cast %add3A_414 : i32 to index
        %get3A_444 = arith.constant 16 : index
        %get3A_445 = tpu.vector_load %arg19[%get3A_443, %get3A_444] {strides = array<i32>} : memref<128x64xf32, #tpu.memory_space<vmem>>, vector<16xf32>,
        %get3A_446 = arith.index_cast %add3A_414 : i32 to index
        %get3A_447 = arith.constant 16 : index
        %get3A_448 = tpu.vector_load %arg20[%get3A_446, %get3A_447] {strides = array<i32>} : memref<128x64xf32, #tpu.memory_space<vmem>>, vector<16xf32>,
        %get3A_449 = arith.index_cast %add3A_414 : i32 to index
        %get3A_450 = arith.constant 16 : index
        %get3A_451 = tpu.vector_load %arg21[%get3A_449, %get3A_450] {strides = array<i32>} : memref<128x64xf32, #tpu.memory_space<vmem>>, vector<16xf32>,
        %get3A_452 = arith.index_cast %add3A_414 : i32 to index
        %get3A_453 = arith.constant 16 : index
        %get3A_454 = tpu.vector_load %arg22[%get3A_452, %get3A_453] {strides = array<i32>} : memref<128x64xf32, #tpu.memory_space<vmem>>, vector<16xf32>,
        %get3A_455 = arith.index_cast %add3A_414 : i32 to index
        %get3A_456 = arith.constant 16 : index
        %get3A_457 = tpu.vector_load %arg23[%get3A_455, %get3A_456] {strides = array<i32>} : memref<128x64xf32, #tpu.memory_space<vmem>>, vector<16xf32>,
        %get3A_458 = arith.index_cast %add3A_414 : i32 to index
        %get3A_459 = arith.constant 16 : index
        %get3A_460 = tpu.vector_load %arg24[%get3A_458, %get3A_459] {strides = array<i32>} : memref<128x64xf32, #tpu.memory_space<vmem>>, vector<16xf32>,
        %mul3A_461 = arith.mulf %get3A_445, %get3A_451 : vector<16xf32>
        %mul3A_462 = arith.mulf %get3A_448, %get3A_454 : vector<16xf32>
        %sub3A_463 = arith.subf %mul3A_461, %mul3A_462 : vector<16xf32>
        %mul3A_464 = arith.mulf %get3A_457, %sub3A_463 : vector<16xf32>
        %add3A_465 = arith.addf %add3A_442, %mul3A_464 : vector<16xf32>
        %mul3A_466 = arith.mulf %get3A_445, %get3A_454 : vector<16xf32>
        %mul3A_467 = arith.mulf %get3A_448, %get3A_451 : vector<16xf32>
        %add3A_468 = arith.addf %mul3A_466, %mul3A_467 : vector<16xf32>
        %mul3A_469 = arith.mulf %get3A_460, %add3A_468 : vector<16xf32>
        %add3A_470 = arith.addf %add3A_465, %mul3A_469 : vector<16xf32>
        %get3A_471 = arith.index_cast %add3A_414 : i32 to index
        %get3A_472 = arith.constant 32 : index
        %get3A_473 = tpu.vector_load %arg19[%get3A_471, %get3A_472] {strides = array<i32>} : memref<128x64xf32, #tpu.memory_space<vmem>>, vector<16xf32>,
        %get3A_474 = arith.index_cast %add3A_414 : i32 to index
        %get3A_475 = arith.constant 32 : index
        %get3A_476 = tpu.vector_load %arg20[%get3A_474, %get3A_475] {strides = array<i32>} : memref<128x64xf32, #tpu.memory_space<vmem>>, vector<16xf32>,
        %get3A_477 = arith.index_cast %add3A_414 : i32 to index
        %get3A_478 = arith.constant 32 : index
        %get3A_479 = tpu.vector_load %arg21[%get3A_477, %get3A_478] {strides = array<i32>} : memref<128x64xf32, #tpu.memory_space<vmem>>, vector<16xf32>,
        %get3A_480 = arith.index_cast %add3A_414 : i32 to index
        %get3A_481 = arith.constant 32 : index
        %get3A_482 = tpu.vector_load %arg22[%get3A_480, %get3A_481] {strides = array<i32>} : memref<128x64xf32, #tpu.memory_space<vmem>>, vector<16xf32>,
        %get3A_483 = arith.index_cast %add3A_414 : i32 to index
        %get3A_484 = arith.constant 32 : index
        %get3A_485 = tpu.vector_load %arg23[%get3A_483, %get3A_484] {strides = array<i32>} : memref<128x64xf32, #tpu.memory_space<vmem>>, vector<16xf32>,
        %get3A_486 = arith.index_cast %add3A_414 : i32 to index
        %get3A_487 = arith.constant 32 : index
        %get3A_488 = tpu.vector_load %arg24[%get3A_486, %get3A_487] {strides = array<i32>} : memref<128x64xf32, #tpu.memory_space<vmem>>, vector<16xf32>,
        %mul3A_489 = arith.mulf %get3A_473, %get3A_479 : vector<16xf32>
        %mul3A_490 = arith.mulf %get3A_476, %get3A_482 : vector<16xf32>
        %sub3A_491 = arith.subf %mul3A_489, %mul3A_490 : vector<16xf32>
        %mul3A_492 = arith.mulf %get3A_485, %sub3A_491 : vector<16xf32>
        %add3A_493 = arith.addf %add3A_470, %mul3A_492 : vector<16xf32>
        %mul3A_494 = arith.mulf %get3A_473, %get3A_482 : vector<16xf32>
        %mul3A_495 = arith.mulf %get3A_476, %get3A_479 : vector<16xf32>
        %add3A_496 = arith.addf %mul3A_494, %mul3A_495 : vector<16xf32>
        %mul3A_497 = arith.mulf %get3A_488, %add3A_496 : vector<16xf32>
        %add3A_498 = arith.addf %add3A_493, %mul3A_497 : vector<16xf32>
        %get3A_499 = arith.index_cast %add3A_414 : i32 to index
        %get3A_500 = arith.constant 48 : index
        %get3A_501 = tpu.vector_load %arg19[%get3A_499, %get3A_500] {strides = array<i32>} : memref<128x64xf32, #tpu.memory_space<vmem>>, vector<16xf32>,
        %get3A_502 = arith.index_cast %add3A_414 : i32 to index
        %get3A_503 = arith.constant 48 : index
        %get3A_504 = tpu.vector_load %arg20[%get3A_502, %get3A_503] {strides = array<i32>} : memref<128x64xf32, #tpu.memory_space<vmem>>, vector<16xf32>,
        %get3A_505 = arith.index_cast %add3A_414 : i32 to index
        %get3A_506 = arith.constant 48 : index
        %get3A_507 = tpu.vector_load %arg21[%get3A_505, %get3A_506] {strides = array<i32>} : memref<128x64xf32, #tpu.memory_space<vmem>>, vector<16xf32>,
        %get3A_508 = arith.index_cast %add3A_414 : i32 to index
        %get3A_509 = arith.constant 48 : index
        %get3A_510 = tpu.vector_load %arg22[%get3A_508, %get3A_509] {strides = array<i32>} : memref<128x64xf32, #tpu.memory_space<vmem>>, vector<16xf32>,
        %get3A_511 = arith.index_cast %add3A_414 : i32 to index
        %get3A_512 = arith.constant 48 : index
        %get3A_513 = tpu.vector_load %arg23[%get3A_511, %get3A_512] {strides = array<i32>} : memref<128x64xf32, #tpu.memory_space<vmem>>, vector<16xf32>,
        %get3A_514 = arith.index_cast %add3A_414 : i32 to index
        %get3A_515 = arith.constant 48 : index
        %get3A_516 = tpu.vector_load %arg24[%get3A_514, %get3A_515] {strides = array<i32>} : memref<128x64xf32, #tpu.memory_space<vmem>>, vector<16xf32>,
        %mul3A_517 = arith.mulf %get3A_501, %get3A_507 : vector<16xf32>
        %mul3A_518 = arith.mulf %get3A_504, %get3A_510 : vector<16xf32>
        %sub3A_519 = arith.subf %mul3A_517, %mul3A_518 : vector<16xf32>
        %mul3A_520 = arith.mulf %get3A_513, %sub3A_519 : vector<16xf32>
        %add3A_521 = arith.addf %add3A_498, %mul3A_520 : vector<16xf32>
        %mul3A_522 = arith.mulf %get3A_501, %get3A_510 : vector<16xf32>
        %mul3A_523 = arith.mulf %get3A_504, %get3A_507 : vector<16xf32>
        %add3A_524 = arith.addf %mul3A_522, %mul3A_523 : vector<16xf32>
        %mul3A_525 = arith.mulf %get3A_516, %add3A_524 : vector<16xf32>
        %add3A_526 = arith.addf %add3A_521, %mul3A_525 : vector<16xf32>
        %mul3A_527 = arith.constant 16 : i32
        %mul3A_528 = arith.muli %scan3A_411, %mul3A_527 : i32
        %multiple_of3A_529 = tpu.assume_multiple %mul3A_528, 16 : i32
        %swap3A_530 = arith.index_cast %multiple_of3A_529 : i32 to index
        %swap3A_531 = tpu.vector_load %arg25[%swap3A_530] {strides = array<i32>} : memref<256xf32, #tpu.memory_space<vmem>>, vector<16xf32>,
        tpu.vector_store %arg25[%swap3A_530], %add3A_526 {strides = array<i32>} : memref<256xf32, #tpu.memory_space<vmem>>, vector<16xf32>,
      }
      %scan3A_270 = arith.constant 16 : i32
      %iota3A = tpu.iota {dimensions = array<i32: 0>} : vector<16xi32>
      %broadcast_in_dim3A = arith.constant 0.000000e+00 : f32
      %broadcast_in_dim3A_271 = vector.broadcast %broadcast_in_dim3A : f32 to vector<16xf32>
      %mul3A_272 = arith.constant 16 : i32
      %mul3A_273 = vector.broadcast %mul3A_272 : i32 to vector<16xi32>
      %mul3A_274 = arith.muli %iota3A, %mul3A_273 : vector<16xi32>
      %add3A_275 = arith.constant 0 : i32
      %add3A_276 = vector.broadcast %add3A_275 : i32 to vector<16xi32>
      %add3A_277 = arith.addi %mul3A_274, %add3A_276 : vector<16xi32>
      %gather3A = tpu.vector_load_idx %arg25[%add3A_277] : memref<256xf32, #tpu.memory_space<vmem>>[vector<16xi32>], vector<16xf32>,
      %add3A_278 = arith.addf %broadcast_in_dim3A_271, %gather3A : vector<16xf32>
      %mul3A_279 = arith.constant 16 : i32
      %mul3A_280 = vector.broadcast %mul3A_279 : i32 to vector<16xi32>
      %mul3A_281 = arith.muli %iota3A, %mul3A_280 : vector<16xi32>
      %add3A_282 = arith.constant 1 : i32
      %add3A_283 = vector.broadcast %add3A_282 : i32 to vector<16xi32>
      %add3A_284 = arith.addi %mul3A_281, %add3A_283 : vector<16xi32>
      %gather3A_285 = tpu.vector_load_idx %arg25[%add3A_284] : memref<256xf32, #tpu.memory_space<vmem>>[vector<16xi32>], vector<16xf32>,
      %add3A_286 = arith.addf %add3A_278, %gather3A_285 : vector<16xf32>
      %mul3A_287 = arith.constant 16 : i32
      %mul3A_288 = vector.broadcast %mul3A_287 : i32 to vector<16xi32>
      %mul3A_289 = arith.muli %iota3A, %mul3A_288 : vector<16xi32>
      %add3A_290 = arith.constant 2 : i32
      %add3A_291 = vector.broadcast %add3A_290 : i32 to vector<16xi32>
      %add3A_292 = arith.addi %mul3A_289, %add3A_291 : vector<16xi32>
      %gather3A_293 = tpu.vector_load_idx %arg25[%add3A_292] : memref<256xf32, #tpu.memory_space<vmem>>[vector<16xi32>], vector<16xf32>,
      %add3A_294 = arith.addf %add3A_286, %gather3A_293 : vector<16xf32>
      %mul3A_295 = arith.constant 16 : i32
      %mul3A_296 = vector.broadcast %mul3A_295 : i32 to vector<16xi32>
      %mul3A_297 = arith.muli %iota3A, %mul3A_296 : vector<16xi32>
      %add3A_298 = arith.constant 3 : i32
      %add3A_299 = vector.broadcast %add3A_298 : i32 to vector<16xi32>
      %add3A_300 = arith.addi %mul3A_297, %add3A_299 : vector<16xi32>
      %gather3A_301 = tpu.vector_load_idx %arg25[%add3A_300] : memref<256xf32, #tpu.memory_space<vmem>>[vector<16xi32>], vector<16xf32>,
      %add3A_302 = arith.addf %add3A_294, %gather3A_301 : vector<16xf32>
      %mul3A_303 = arith.constant 16 : i32
      %mul3A_304 = vector.broadcast %mul3A_303 : i32 to vector<16xi32>
      %mul3A_305 = arith.muli %iota3A, %mul3A_304 : vector<16xi32>
      %add3A_306 = arith.constant 4 : i32
      %add3A_307 = vector.broadcast %add3A_306 : i32 to vector<16xi32>
      %add3A_308 = arith.addi %mul3A_305, %add3A_307 : vector<16xi32>
      %gather3A_309 = tpu.vector_load_idx %arg25[%add3A_308] : memref<256xf32, #tpu.memory_space<vmem>>[vector<16xi32>], vector<16xf32>,
      %add3A_310 = arith.addf %add3A_302, %gather3A_309 : vector<16xf32>
      %mul3A_311 = arith.constant 16 : i32
      %mul3A_312 = vector.broadcast %mul3A_311 : i32 to vector<16xi32>
      %mul3A_313 = arith.muli %iota3A, %mul3A_312 : vector<16xi32>
      %add3A_314 = arith.constant 5 : i32
      %add3A_315 = vector.broadcast %add3A_314 : i32 to vector<16xi32>
      %add3A_316 = arith.addi %mul3A_313, %add3A_315 : vector<16xi32>
      %gather3A_317 = tpu.vector_load_idx %arg25[%add3A_316] : memref<256xf32, #tpu.memory_space<vmem>>[vector<16xi32>], vector<16xf32>,
      %add3A_318 = arith.addf %add3A_310, %gather3A_317 : vector<16xf32>
      %mul3A_319 = arith.constant 16 : i32
      %mul3A_320 = vector.broadcast %mul3A_319 : i32 to vector<16xi32>
      %mul3A_321 = arith.muli %iota3A, %mul3A_320 : vector<16xi32>
      %add3A_322 = arith.constant 6 : i32
      %add3A_323 = vector.broadcast %add3A_322 : i32 to vector<16xi32>
      %add3A_324 = arith.addi %mul3A_321, %add3A_323 : vector<16xi32>
      %gather3A_325 = tpu.vector_load_idx %arg25[%add3A_324] : memref<256xf32, #tpu.memory_space<vmem>>[vector<16xi32>], vector<16xf32>,
      %add3A_326 = arith.addf %add3A_318, %gather3A_325 : vector<16xf32>
      %mul3A_327 = arith.constant 16 : i32
      %mul3A_328 = vector.broadcast %mul3A_327 : i32 to vector<16xi32>
      %mul3A_329 = arith.muli %iota3A, %mul3A_328 : vector<16xi32>
      %add3A_330 = arith.constant 7 : i32
      %add3A_331 = vector.broadcast %add3A_330 : i32 to vector<16xi32>
      %add3A_332 = arith.addi %mul3A_329, %add3A_331 : vector<16xi32>
      %gather3A_333 = tpu.vector_load_idx %arg25[%add3A_332] : memref<256xf32, #tpu.memory_space<vmem>>[vector<16xi32>], vector<16xf32>,
      %add3A_334 = arith.addf %add3A_326, %gather3A_333 : vector<16xf32>
      %mul3A_335 = arith.constant 16 : i32
      %mul3A_336 = vector.broadcast %mul3A_335 : i32 to vector<16xi32>
      %mul3A_337 = arith.muli %iota3A, %mul3A_336 : vector<16xi32>
      %add3A_338 = arith.constant 8 : i32
      %add3A_339 = vector.broadcast %add3A_338 : i32 to vector<16xi32>
      %add3A_340 = arith.addi %mul3A_337, %add3A_339 : vector<16xi32>
      %gather3A_341 = tpu.vector_load_idx %arg25[%add3A_340] : memref<256xf32, #tpu.memory_space<vmem>>[vector<16xi32>], vector<16xf32>,
      %add3A_342 = arith.addf %add3A_334, %gather3A_341 : vector<16xf32>
      %mul3A_343 = arith.constant 16 : i32
      %mul3A_344 = vector.broadcast %mul3A_343 : i32 to vector<16xi32>
      %mul3A_345 = arith.muli %iota3A, %mul3A_344 : vector<16xi32>
      %add3A_346 = arith.constant 9 : i32
      %add3A_347 = vector.broadcast %add3A_346 : i32 to vector<16xi32>
      %add3A_348 = arith.addi %mul3A_345, %add3A_347 : vector<16xi32>
      %gather3A_349 = tpu.vector_load_idx %arg25[%add3A_348] : memref<256xf32, #tpu.memory_space<vmem>>[vector<16xi32>], vector<16xf32>,
      %add3A_350 = arith.addf %add3A_342, %gather3A_349 : vector<16xf32>
      %mul3A_351 = arith.constant 16 : i32
      %mul3A_352 = vector.broadcast %mul3A_351 : i32 to vector<16xi32>
      %mul3A_353 = arith.muli %iota3A, %mul3A_352 : vector<16xi32>
      %add3A_354 = arith.constant 10 : i32
      %add3A_355 = vector.broadcast %add3A_354 : i32 to vector<16xi32>
      %add3A_356 = arith.addi %mul3A_353, %add3A_355 : vector<16xi32>
      %gather3A_357 = tpu.vector_load_idx %arg25[%add3A_356] : memref<256xf32, #tpu.memory_space<vmem>>[vector<16xi32>], vector<16xf32>,
      %add3A_358 = arith.addf %add3A_350, %gather3A_357 : vector<16xf32>
      %mul3A_359 = arith.constant 16 : i32
      %mul3A_360 = vector.broadcast %mul3A_359 : i32 to vector<16xi32>
      %mul3A_361 = arith.muli %iota3A, %mul3A_360 : vector<16xi32>
      %add3A_362 = arith.constant 11 : i32
      %add3A_363 = vector.broadcast %add3A_362 : i32 to vector<16xi32>
      %add3A_364 = arith.addi %mul3A_361, %add3A_363 : vector<16xi32>
      %gather3A_365 = tpu.vector_load_idx %arg25[%add3A_364] : memref<256xf32, #tpu.memory_space<vmem>>[vector<16xi32>], vector<16xf32>,
      %add3A_366 = arith.addf %add3A_358, %gather3A_365 : vector<16xf32>
      %mul3A_367 = arith.constant 16 : i32
      %mul3A_368 = vector.broadcast %mul3A_367 : i32 to vector<16xi32>
      %mul3A_369 = arith.muli %iota3A, %mul3A_368 : vector<16xi32>
      %add3A_370 = arith.constant 12 : i32
      %add3A_371 = vector.broadcast %add3A_370 : i32 to vector<16xi32>
      %add3A_372 = arith.addi %mul3A_369, %add3A_371 : vector<16xi32>
      %gather3A_373 = tpu.vector_load_idx %arg25[%add3A_372] : memref<256xf32, #tpu.memory_space<vmem>>[vector<16xi32>], vector<16xf32>,
      %add3A_374 = arith.addf %add3A_366, %gather3A_373 : vector<16xf32>
      %mul3A_375 = arith.constant 16 : i32
      %mul3A_376 = vector.broadcast %mul3A_375 : i32 to vector<16xi32>
      %mul3A_377 = arith.muli %iota3A, %mul3A_376 : vector<16xi32>
      %add3A_378 = arith.constant 13 : i32
      %add3A_379 = vector.broadcast %add3A_378 : i32 to vector<16xi32>
      %add3A_380 = arith.addi %mul3A_377, %add3A_379 : vector<16xi32>
      %gather3A_381 = tpu.vector_load_idx %arg25[%add3A_380] : memref<256xf32, #tpu.memory_space<vmem>>[vector<16xi32>], vector<16xf32>,
      %add3A_382 = arith.addf %add3A_374, %gather3A_381 : vector<16xf32>
      %mul3A_383 = arith.constant 16 : i32
      %mul3A_384 = vector.broadcast %mul3A_383 : i32 to vector<16xi32>
      %mul3A_385 = arith.muli %iota3A, %mul3A_384 : vector<16xi32>
      %add3A_386 = arith.constant 14 : i32
      %add3A_387 = vector.broadcast %add3A_386 : i32 to vector<16xi32>
      %add3A_388 = arith.addi %mul3A_385, %add3A_387 : vector<16xi32>
      %gather3A_389 = tpu.vector_load_idx %arg25[%add3A_388] : memref<256xf32, #tpu.memory_space<vmem>>[vector<16xi32>], vector<16xf32>,
      %add3A_390 = arith.addf %add3A_382, %gather3A_389 : vector<16xf32>
      %mul3A_391 = arith.constant 16 : i32
      %mul3A_392 = vector.broadcast %mul3A_391 : i32 to vector<16xi32>
      %mul3A_393 = arith.muli %iota3A, %mul3A_392 : vector<16xi32>
      %add3A_394 = arith.constant 15 : i32
      %add3A_395 = vector.broadcast %add3A_394 : i32 to vector<16xi32>
      %add3A_396 = arith.addi %mul3A_393, %add3A_395 : vector<16xi32>
      %gather3A_397 = tpu.vector_load_idx %arg25[%add3A_396] : memref<256xf32, #tpu.memory_space<vmem>>[vector<16xi32>], vector<16xf32>,
      %add3A_398 = arith.addf %add3A_390, %gather3A_397 : vector<16xf32>
      %neg3A = arith.constant 0.000000e+00 : f32
      %neg3A_399 = vector.broadcast %neg3A : f32 to vector<16xf32>
      %neg3A_400 = arith.subf %neg3A_399, %add3A_398 : vector<16xf32>
      %exp3A = math.exp %neg3A_400 : vector<16xf32>
      %add3A_401 = arith.constant 1.000000e+00 : f32
      %add3A_402 = vector.broadcast %add3A_401 : f32 to vector<16xf32>
      %add3A_403 = arith.addf %add3A_402, %exp3A : vector<16xf32>
      %div3A = arith.constant 1.000000e+00 : f32
      %div3A_404 = vector.broadcast %div3A : f32 to vector<16xf32>
      %div3A_405 = arith.divf %div3A_404, %add3A_403 : vector<16xf32>
      %mul3A_406 = arith.constant 16 : i32
      %mul3A_407 = arith.muli %scan3A_264, %mul3A_406 : i32
      %add3A_408 = arith.constant 384 : i32
      %add3A_409 = arith.addi %add3A_408, %mul3A_407 : i32
      %multiple_of3A = tpu.assume_multiple %add3A_409, 16 : i32
      %swap3A = arith.index_cast %multiple_of3A : i32 to index
      %swap3A_410 = tpu.vector_load %arg26[%swap3A] {strides = array<i32>} : memref<512xf32, #tpu.memory_space<vmem>>, vector<16xf32>,
      tpu.vector_store %arg26[%swap3A], %div3A_405 {strides = array<i32>} : memref<512xf32, #tpu.memory_space<vmem>>, vector<16xf32>,
    }
    %scan3A_263 = arith.constant 8 : i32
    "tpu.region"() ({
      %run_scoped3A = tpu.sem_alloc : memref<!tpu.dma_semaphore, #tpu.memory_space<semaphore_mem>>
      %dma_start3A_264 = tpu.memref_slice %arg9[%mul3A_2] : memref<16384xf32, #tpu.memory_space<hbm>> -> memref<512xf32, #tpu.memory_space<hbm>>
      %dma_start3A_265 = tpu.memref_slice %arg9[%mul3A_2] : memref<16384xf32, #tpu.memory_space<hbm>> -> memref<512xf32, #tpu.memory_space<hbm>>
      tpu.enqueue_dma source(%arg26 : memref<512xf32, #tpu.memory_space<vmem>>) target(%dma_start3A_265 : memref<512xf32, #tpu.memory_space<hbm>>) target_semaphore(%run_scoped3A : memref<!tpu.dma_semaphore, #tpu.memory_space<semaphore_mem>>)
      %dma_wait3A_266 = tpu.memref_slice %arg9[%mul3A_2] : memref<16384xf32, #tpu.memory_space<hbm>> -> memref<512xf32, #tpu.memory_space<hbm>>
      %dma_wait3A_267 = tpu.memref_slice %arg9[%mul3A_2] : memref<16384xf32, #tpu.memory_space<hbm>> -> memref<512xf32, #tpu.memory_space<hbm>>
      tpu.wait_dma2 semaphore(%run_scoped3A : memref<!tpu.dma_semaphore, #tpu.memory_space<semaphore_mem>>) src(%arg26 : memref<512xf32, #tpu.memory_space<vmem>>) dst(%dma_wait3A_267 : memref<512xf32, #tpu.memory_space<hbm>>)
      tpu.yield
    }) : () -> ()
    return
  }
}

</mosaic_0001>

<sc_bundles>
// kernel: _scores.3.cloned.1.call-start
scs
__scs_entry_jumppad:
0x0: {  	(pc) =	sbr.rel $0x88, $3  }
0x1: {  	(tag) =	ssettag $0x0;
	lr =	simm.s32 $0x1  }
0x2: {  	[smem:$0x3F9A] =	sst lr;
	_ =	strace $0xD0000000  }
0x3: {  	_ = 	snop  }
0x4: {  	_ = 	snop  }
0x5: {  	_ = 	snop  }
0x6: {  	_ = 	snop  }
0x7: {  	_ = 	snop  }
__scs_overlays_trampoline_lowered:
0x8: {  	[smem:$0x3FA9] =	sst s0  }
0x9: {  	[smem:$0x3FAA] =	sst s1  }
0xa: {  	[smem:$0x3FAB] =	sst s2  }
0xb: {  	[smem:$0x3FAC] =	sst s3  }
0xc: {  	[smem:$0x3FAD] =	sst s4  }
0xd: {  	[smem:$0x3FAE] =	sst s5  }
0xe: {  	[smem:$0x3FAF] =	sst s6  }
0xf: {  	[smem:$0x3FB0] =	sst s7  }
0x10: {  	[smem:$0x3FB1] =	sst s8  }
0x11: {  	[smem:$0x3FB2] =	sst s9;
	s0 =	simm.s32 @!p0 $0x0  }
0x12: {  	s1 =	sld [smem:$0x3F98];
	s0 =	simm.s32 @p0 $0x1  }
0x13: {  	[smem:$0x3FB3] =	sst s0;
	s0 =	simm.s32 @!p1 $0x0  }
0x14: {  	s2 =	sld [smem:$0x3F97];
	s0 =	simm.s32 @p1 $0x1  }
0x15: {  	[smem:$0x3FB4] =	sst s0;
	s0 =	simm.s32 @!p2 $0x0  }
0x16: {  	s3 =	sld [smem:$0x3FDB];
	s0 =	simm.s32 @p2 $0x1  }
0x17: {  	s4 =	simm.s32 $0x1BF5;
	[smem:$0x3FB6] =	sst s0  }
0x18: {  	s0 =	sld [smem:$0x3F99];
	_ =	swait.ge [sflag:s4], $0x0  }
0x19: {  	s7 =	sld [smem:$0x3F9A]  }
0x1a: {  	s8 =	sadd.s32 $0xFFFFE003, lr  }
0x1b: {  	s9 =	sadd.s32 $0xFFFFFEF7, lr;
	s5 =	simm.s32 $0xFFFFFFFF;
	p2 =	slt.u32 s8, $0xFFFFF086  }
0x1c: {  	p1 =	slt.u32 s9, $0xF7A;
	s5 =	simm.s32 @!p2 $0x0  }
0x1d: {  	s5 =	simm.s32 @p1 $0x1;
	p0 =	seq.s32 s7, s2  }
0x1e: {  	s7 =	smul.u32 @!p0 $0xF7A, s2;
	p2 =	seq.s32 @!p0 s5, $0x0  }
0x1f: {  	s9 =	smul.u32 $0xF7A, s1;
	s8 =	simm.s32 @!p0 $0x1BF5;
	p2 =	por !p2, p0  }
0x20: {  	[sflag:s8] =	ssyncset.s32 @!p0 $0xFFFFF086;
	s6 =	sadd.s32 @!p0 s3, s7;
	s7 =	simm.s32 @!p0 $0x108  }
0x21: {  	s3 =	sadd.s32 s3, s9;
	s6 =	sadd.s32 @!p0 $0x88, s6;
	s7 =	simm.s32 @p2 $0x1082  }
0x22: {  	[simem:s7], [sflag:s8] =	dma.local @!p0 [hbm:s6], $0xF7A  }
0x23: {  	s9 =	sor.u32 $0xD0000000, s2;
	s6 =	simm.s32 $0x108;
	_ =	swait.ge @!p0 [sflag:s8], $0x0  }
0x24: {  	s3 =	sadd.s32 $0x88, s3;
	s6 =	simm.s32 @!p1 $0x1082;
	[sflag:s4] =	ssyncset.s32 $0xFFFFF086  }
0x25: {  	[simem:s6], [sflag:s4] =	dma.local [hbm:s3], $0xF7A  }
0x26: {  	[smem:$0x3F9A] =	sst s1;
	(tag) =	ssettag s2;
	_ =	strace s9  }
0x27: {  	s1 =	sld [smem:$0x3FAA]  }
0x28: {  	s2 =	sld [smem:$0x3FAB]  }
0x29: {  	s4 =	sld [smem:$0x3FAD]  }
0x2a: {  	p0 =	seq.s32 s5, $0x0;
	s5 =	sld [smem:$0x3FAE]  }
0x2b: {  	s6 =	sld [smem:$0x3FAF]  }
0x2c: {  	s7 =	sld [smem:$0x3FB0]  }
0x2d: {  	s3 =	simm.s32 $0x108;
	s8 =	sld [smem:$0x3FB1]  }
0x2e: {  	s3 =	simm.s32 @!p0 $0x1082;
	s9 =	sld [smem:$0x3FB2]  }
0x2f: {  	lr =	sadd.s32 s0, s3;
	s0 =	sld [smem:$0x3FA9]  }
0x30: {  	s3 =	sld [smem:$0x3FAC]  }
0x31: {  	[smem:$0x3FB5] =	sst s10  }
0x32: {  	s10 =	sld [smem:$0x3FB3];
	_ =	sdelay $0x3  }
0x33: {  	p0 =	seq.s32 s10, $0x1;
	s10 =	sld [smem:$0x3FB5];
	_ =	sdelay $0x3  }
0x34: {  	[smem:$0x3FB5] =	sst s10  }
0x35: {  	s10 =	sld [smem:$0x3FB4];
	_ =	sdelay $0x3  }
0x36: {  	p1 =	seq.s32 s10, $0x1;
	s10 =	sld [smem:$0x3FB5];
	_ =	sdelay $0x3  }
0x37: {  	[smem:$0x3FB5] =	sst s10  }
0x38: {  	s10 =	sld [smem:$0x3FB6]  }
0x39: {  	_ = 	snop;
	(pc) =	sbr.ind lr, $3  }
0x3a: {  	_ = 	snop  }
0x3b: {  	_ = 	snop  }
0x3c: {  	p2 =	seq.s32 s10, $0x1;
	s10 =	sld [smem:$0x3FB5]  }
0x3d: {  	_ =	shalt  }
0x3e: {  	_ =	shalt  }
0x3f: {  	_ =	shalt  }
0x40: {  	_ =	shalt  }
0x41: {  	_ =	shalt  }
0x42: {  	_ =	shalt  }
0x43: {  	_ =	shalt  }
0x44: {  	_ =	shalt  }
0x45: {  	_ =	shalt  }
0x46: {  	_ =	shalt  }
0x47: {  	_ =	shalt  }
0x48: {  	_ =	shalt  }
0x49: {  	_ =	shalt  }
0x4a: {  	_ =	shalt  }
0x4b: {  	_ =	shalt  }
0x4c: {  	_ =	shalt  }
0x4d: {  	_ =	shalt  }
0x4e: {  	_ =	shalt  }
0x4f: {  	_ =	shalt  }
0x50: {  	_ =	shalt  }
0x51: {  	_ =	shalt  }
0x52: {  	_ =	shalt  }
0x53: {  	_ =	shalt  }
0x54: {  	_ =	shalt  }
0x55: {  	_ =	shalt  }
0x56: {  	_ =	shalt  }
0x57: {  	_ =	shalt  }
0x58: {  	_ =	shalt  }
0x59: {  	_ =	shalt  }
0x5a: {  	_ =	shalt  }
0x5b: {  	_ =	shalt  }
0x5c: {  	_ =	shalt  }
0x5d: {  	_ =	shalt  }
0x5e: {  	_ =	shalt  }
0x5f: {  	_ =	shalt  }
0x60: {  	_ =	shalt  }
0x61: {  	_ =	shalt  }
0x62: {  	_ =	shalt  }
0x63: {  	_ =	shalt  }
0x64: {  	_ =	shalt  }
0x65: {  	_ =	shalt  }
0x66: {  	_ =	shalt  }
0x67: {  	_ =	shalt  }
0x68: {  	_ =	shalt  }
0x69: {  	_ =	shalt  }
0x6a: {  	_ =	shalt  }
0x6b: {  	_ =	shalt  }
0x6c: {  	_ =	shalt  }
0x6d: {  	_ =	shalt  }
0x6e: {  	_ =	shalt  }
0x6f: {  	_ =	shalt  }
0x70: {  	_ =	shalt  }
0x71: {  	_ =	shalt  }
0x72: {  	_ =	shalt  }
0x73: {  	_ =	shalt  }
0x74: {  	_ =	shalt  }
0x75: {  	_ =	shalt  }
0x76: {  	_ =	shalt  }
0x77: {  	_ =	shalt  }
0x78: {  	_ =	shalt  }
0x79: {  	_ =	shalt  }
0x7a: {  	_ =	shalt  }
0x7b: {  	_ =	shalt  }
0x7c: {  	_ =	shalt  }
0x7d: {  	_ =	shalt  }
0x7e: {  	_ =	shalt  }
0x7f: {  	_ =	shalt  }
0x80: {  	_ =	shalt  }
0x81: {  	_ =	shalt  }
0x82: {  	_ =	shalt  }
0x83: {  	_ =	shalt  }
0x84: {  	_ =	shalt  }
0x85: {  	_ =	shalt  }
0x86: {  	_ =	shalt  }
0x87: {  	_ =	shalt  }
.Lfunc_end0:
.L_simem_size_0:
called_computation_lowered:
.L_overlay_start_0:
0x88: {  	s2 =	sld [smem:$0x3FD9]  }
0x89: {  	s3 =	sld [smem:$0x3FFE];
	_ =	sdelay $0x1  }
0x8a: {  	s1 =	srdreg.scid  }
0x8b: {  	s0 =	sand.u32 $0x1, s1  }
0x8c: {  	s17 =	sshll.u32 s0, $0xA;
	s2 =	sadd.s32 s3, s2  }
0x8d: {  	s2 =	sadd.s32 s2, s17  }
0x8e: {  	[smem:$0x3FC1] =	sst s2  }
0x8f: {  	_ = 	snop  }
0x90: {  	s2 =	sld [smem:$0x3FC9]  }
0x91: {  	s18 =	sld [smem:$0x3FC8]  }
0x92: {  	s4 =	sld [smem:$0x3FC7]  }
0x93: {  	s5 =	sld [smem:$0x3FD0];
	(tm) =	ssettm $0x1  }
0x94: {  	s6 =	sld [smem:$0x3FFB];
	_ =	sdelay $0x3  }
0x95: {  	_ =	strace s6  }
0x96: {  	s6 =	sld [smem:$0x3FFC];
	_ =	sdelay $0x3  }
0x97: {  	_ =	strace s6  }
0x98: {  	s6 =	sld [smem:$0x3FFD];
	_ =	sdelay $0x3  }
0x99: {  	_ =	strace s6  }
0x9a: {  	_ =	strace $0x8FFFFFFF  }
0x9b: {  	s19 =	sld [smem:$0x3FDB];
	_ =	sdelay $0x1  }
0x9c: {  	s7 =	simm.s32 $_scs_section_size  }
0x9d: {  	s8 =	simm.s32 $_size__tile_overlayer_lowered;
	s9 =	simm.s32 $_tile_overlayer_lowered  }
0x9e: {  	s22 =	simm.s32 $0x1BFF;
	s21 =	sshll.u32 s9, $0x1;
	s6 =	sadd.s32 s7, s19  }
0x9f: {  	s10 =	simm.s32 $0x0;
	s20 =	sshll.u32 s8, $0x1;
	s8 =	sadd.s32 s21, s6  }
0xa0: {  	[timem:s10], [sflag:s22] =	dma.local [hbm:s8], s20  }
0xa1: {  	_ =	swait.ge [sflag:s22], s20  }
0xa2: {  	s7 =	ssub.s32 $0x0, s20;
	[sflag:s22] =	ssyncset.done $0x0  }
0xa3: {  	[sflag:s22] =	ssyncadd.s32 s7;
	_ =	sdelay $0x1  }
0xa4: {  	s23 =	simm.s32 $0x1B8B  }
0xa5: {  	_ =	swait.ge [sflag:s23], $0x1  }
0xa6: {  	[sflag:s23] =	ssyncset.done $0x0  }
0xa7: {  	s25 =	simm.s32 $0x1B8E;
	s24 =	sld [smem:$0x3FFE];
	[sflag:s23] =	ssyncadd.s32 $0xFFFFFFFF  }
0xa8: {  	s26 =	simm.s32 $execute0_lowered;
	[smem:$0x3FD2] =	sst s25  }
0xa9: {  	s8 =	sshll.u32 s26, $0x1;
	_ =	strace $0x80000046;
	[dreg:$0x1] =	wrdreg $0xFFFFFFFF  }
0xaa: {  	s28 =	simm.s32 $_size_execute0_lowered;
	s6 =	sadd.s32 s6, s8;
	[dreg:$0x0] =	wrdreg $0x0  }
0xab: {  	s8 =	sshll.u32 s28, $0x1;
	[dreg:$0x2] =	wrdreg s6  }
0xac: {  	[dreg:$0x3] =	wrdreg s8  }
0xad: {  	[dreg:$0x4] =	wrdreg $0xC0  }
0xae: {  	_ =	task [dreg:s10], $0x5FFFF  }
0xaf: {  	[dreg:$0x1] =	wrdreg $0xFFFFFFFF  }
0xb0: {  	[dreg:$0x0] =	wrdreg $0x60  }
0xb1: {  	[dreg:$0x2] =	wrdreg s2  }
0xb2: {  	[dreg:$0x3] =	wrdreg s18  }
0xb3: {  	[dreg:$0x4] =	wrdreg s4  }
0xb4: {  	[dreg:$0x5] =	wrdreg s24  }
0xb5: {  	[dreg:$0x6] =	wrdreg s5  }
0xb6: {  	[dreg:$0x7] =	wrdreg $0x9  }
0xb7: {  	_ =	task.clear_ibuf [dreg:s10], $0x8FFFF;
	_ =	strace $0x90000046  }
0xb8: {  	s29 =	simm.s32 $0x9;
	_ =	strace $0x80000048  }
0xb9: {  	_ =	swait.ge [sflag:s29], $0x1  }
0xba: {  	[sflag:s29] =	ssyncadd.s32 $0xFFFFFFFF  }
0xbb: {  	_ =	strace $0x90000048  }
0xbc: {  	_ =	sfence  }
0xbd: {  	s30 =	sld [smem:$0x0];
	_ =	sdelay $0x2  }
0xbe: {  	s31 =	sshll.u32 s1, $0xD;
	s1 =	sshrl.u32 s1, $0x2  }
0xbf: {  	s3 =	sand.u32 $0x4000, s31;
	s1 =	sadd.s32 s1, s30  }
0xc0: {  	s0 =	sor.u32 s3, s0;
	s1 =	sshll.u32 s1, $0x11  }
0xc1: {  	s0 =	sor.u32 s1, s0  }
0xc2: {  	s0 =	sadd.s32 $0x8F2B, s0  }
0xc3: {  	[sflag:s0] =	ssyncadd.remote.s32 $0x1  }
0xc4: {  	_ =	sfence.sel $0xFFFF  }
0xc5: {  	[dreg:$0x0] =	wrdreg $0xFFFFFFFF;
	(pc) =	sbr.abs _section_cstart, $3  }
0xc6: {  	[dreg:$0x1] =	wrdreg $0xFFFFFFFF  }
0xc7: {  	_ =	task.clear_ibuf [dreg:s10], $0x2FFFF;
	_ =	strace $0x9FFFFFFF  }
0xc8: {  	(tm) =	ssettm $0x7FFFFFFF  }
0xc9: {  	_ =	shalt  }
tec
execute0_lowered:
.L_overlay_start_1:
0x0: {  	(tag) =	ssettag $0x1  }
0x1: {  	s0 =	rddreg [dreg:$0x0]  }
0x2: {  	s2 =	rddreg [dreg:$0x1]  }
0x3: {  	s7 =	rddreg [dreg:$0x2]  }
0x4: {  	s6 =	rddreg [dreg:$0x3]  }
0x5: {  	s8 =	rddreg [dreg:$0x4]  }
0x6: {  	s1 =	simm.s32 $0x0;
	s5 =	srdreg.scid;
	s10 =	stileid.u32  }
0x7: {  	s13 =	simm.s32 $0x200;
	s14 =	simm.s32 $0x400;
	s15 =	simm.s32 $0x80  }
0x8: {  	s29 =	simm.s32 $0x14600;
	s30 =	simm.s32 $0x16600;
	s31 =	simm.s32 $0x1  }
0x9: {  	s16 =	simm.s32 $0x300;
	s17 =	simm.s32 $0x500;
	s18 =	simm.s32 $0x2  }
0xa: {  	s19 =	simm.s32 $0x180;
	s20 =	simm.s32 $0x380;
	s21 =	simm.s32 $0x580  }
0xb: {  	s22 =	simm.s32 $0x0;
	[smem:$0x7FF] =	sst s1;
	s5 =	sand.u32 $0x1, s5  }
0xc: {  	v0 =	vlaneseq.u32;
	s3 =	sadd.s32 $0x16E3E00, s6;
	s10 =	sshll.u32 s10, $0x7;
	s11 =	sshll.u32 s5, $0x6  }
0xd: {  	s4 =	sadd.s32 $0xF42C00, s6;
	v0 =	vmul.u32 $0x10, v0;
	_ =	strace $0x80000047;
	s10 =	sor.u32 s11, s10  }
0xe: {  	s9 =	ssub.s32 $0x2, s5;
	s5 =	sadd.s32 $0x2800, s6;
	s0 =	sadd.s32 s0, s10  }
0xf: {  	s6 =	sadd.s32 $0x800, s6;
	v1 =	vor.u32 $0x1, v0;
	v2 =	vor.u32 $0x2, v0;
	v3 =	vor.u32 $0x3, v0;
	s24 =	sadd.s32 s2, s10;
	[dreg:$0x6] =	wrdreg s0  }
0x10: {  	s12 =	sshrl.u32 s9, $0x1;
	v4 =	vor.u32 $0x4, v0;
	v5 =	vor.u32 $0x5, v0;
	v6 =	vor.u32 $0x6, v0;
	s25 =	sadd.s32 s7, s10;
	[dreg:$0x7] =	wrdreg s24  }
0x11: {  	v7 =	vor.u32 $0x7, v0;
	v8 =	vor.u32 $0x8, v0;
	v9 =	vor.u32 $0x9, v0;
	s9 =	ssub.s32 s9, s12;
	s26 =	sadd.s32 s8, s10;
	[dreg:$0x8] =	wrdreg s25  }
0x12: {  	v10 =	vor.u32 $0xA, v0;
	v11 =	vor.u32 $0xB, v0;
	v12 =	vor.u32 $0xC, v0;
	s12 =	simm.s32 $0x3;
	[dreg:$0x9] =	wrdreg s26;
	s28 =	smax.u32 s9, $0x1  }
0x13: {  	v13 =	vor.u32 $0xD, v0;
	v14 =	vor.u32 $0xE, v0;
	v15 =	vor.u32 $0xF, v0;
	s2 =	simm.s32 $0x100;
	s0 =	simm.s32 $0x18600;
	[dreg:$0xa] =	wrdreg s28  }
.LBB2_1:
0x14: {  	s7 =	rddreg [dreg:$0x6]  }
0x15: {  	[tilespmem:s1], [sflag:$0x3] =	stream.linear.gather [hbm4b:s7+s1], $0x200, $0x38;
	[tilespmem:$0x18900] =	vst v63  }
0x16: {  	_ =	swait.ge [sflag:s12], $0x200  }
0x17: {  	[sflag:s12] =	ssyncset.done $0x0  }
0x18: {  	s24 =	rddreg [dreg:$0x7];
	[sflag:s12] =	ssyncadd.s32 $0xFFFFFE00  }
0x19: {  	[tilespmem:s13], [sflag:$0x3] =	stream.linear.gather [hbm4b:s24+s1], $0x200, $0x38;
	[tilespmem:$0x18900] =	vst v63  }
0x1a: {  	_ =	swait.ge [sflag:s12], $0x200  }
0x1b: {  	[sflag:s12] =	ssyncset.done $0x0  }
0x1c: {  	s25 =	rddreg [dreg:$0x8];
	[sflag:s12] =	ssyncadd.s32 $0xFFFFFE00  }
0x1d: {  	[tilespmem:s14], [sflag:$0x3] =	stream.linear.gather [hbm4b:s25+s1], $0x200, $0x38;
	[tilespmem:$0x18900] =	vst v63  }
0x1e: {  	_ =	swait.ge [sflag:s12], $0x200  }
0x1f: {  	[sflag:s12] =	ssyncset.done $0x0  }
0x20: {  	s26 =	simm.s32 $0x600;
	[sflag:s12] =	ssyncadd.s32 $0xFFFFFE00  }
0x21: {  	[tilespmem:s26], [sflag:$0x1] =	stream.indirect.gather [hbm4b:s3+s15], $0x40, s1, s15, $0xb8;
	[tilespmem:$0x18900] =	vst v63  }
0x22: {  	s28 =	simm.s32 $0x2600  }
0x23: {  	[tilespmem:s28], [sflag:$0x1] =	stream.indirect.gather [hbm4b:s4+s15], $0x40, s1, s15, $0xb8;
	[tilespmem:$0x18900] =	vst v63  }
0x24: {  	s8 =	simm.s32 $0x4600  }
0x25: {  	[tilespmem:s8], [sflag:$0x1] =	stream.indirect.gather [hbm4b:s5+s15], $0x40, s13, s15, $0xb8;
	[tilespmem:$0x18900] =	vst v63  }
0x26: {  	s9 =	simm.s32 $0x6600  }
0x27: {  	[tilespmem:s9], [sflag:$0x1] =	stream.indirect.gather [hbm4b:s6+s15], $0x40, s13, s15, $0xb8;
	[tilespmem:$0x18900] =	vst v63  }
0x28: {  	s10 =	simm.s32 $0x8600  }
0x29: {  	[tilespmem:s10], [sflag:$0x1] =	stream.indirect.gather [hbm4b:s3+s15], $0x40, s14, s15, $0xb8;
	[tilespmem:$0x18900] =	vst v63  }
0x2a: {  	s11 =	simm.s32 $0xA600  }
0x2b: {  	[tilespmem:s11], [sflag:$0x1] =	stream.indirect.gather [hbm4b:s4+s15], $0x40, s14, s15, $0xb8;
	[tilespmem:$0x18900] =	vst v63  }
0x2c: {  	s23 =	simm.s32 $0xC600  }
0x2d: {  	[tilespmem:s23], [sflag:$0x2] =	stream.indirect.gather [hbm4b:s3+s15], $0x40, s15, s15, $0xb8;
	[tilespmem:$0x18900] =	vst v63  }
0x2e: {  	s24 =	simm.s32 $0xE600  }
0x2f: {  	[tilespmem:s24], [sflag:$0x2] =	stream.indirect.gather [hbm4b:s4+s15], $0x40, s15, s15, $0xb8;
	[tilespmem:$0x18900] =	vst v63  }
0x30: {  	s25 =	simm.s32 $0x280;
	s8 =	simm.s32 $0x10600  }
0x31: {  	[tilespmem:s8], [sflag:$0x2] =	stream.indirect.gather [hbm4b:s5+s15], $0x40, s25, s15, $0xb8;
	[tilespmem:$0x18900] =	vst v63  }
0x32: {  	s26 =	simm.s32 $0x12600  }
0x33: {  	[tilespmem:s26], [sflag:$0x2] =	stream.indirect.gather [hbm4b:s6+s15], $0x40, s25, s15, $0xb8;
	[tilespmem:$0x18900] =	vst v63  }
0x34: {  	s28 =	simm.s32 $0x480  }
0x35: {  	[tilespmem:s29], [sflag:$0x2] =	stream.indirect.gather [hbm4b:s3+s15], $0x40, s28, s15, $0xb8;
	[tilespmem:$0x18900] =	vst v63  }
0x36: {  	_ = 	snop  }
0x37: {  	[tilespmem:s30], [sflag:$0x2] =	stream.indirect.gather [hbm4b:s4+s15], $0x40, s28, s15, $0xb8;
	[tilespmem:$0x18900] =	vst v63  }
0x38: {  	_ =	swait.ge [sflag:s31], $0x2000  }
0x39: {  	[sflag:s31] =	ssyncset.done $0x0  }
0x3a: {  	[sflag:s31] =	ssyncadd.s32 $0xFFFFE000  }
0x3b: {  	_ =	swait.ge [sflag:s31], $0x2000  }
0x3c: {  	[sflag:s31] =	ssyncset.done $0x0  }
0x3d: {  	[sflag:s31] =	ssyncadd.s32 $0xFFFFE000  }
0x3e: {  	_ =	swait.ge [sflag:s31], $0x2000  }
0x3f: {  	[sflag:s31] =	ssyncset.done $0x0  }
0x40: {  	[sflag:s31] =	ssyncadd.s32 $0xFFFFE000  }
0x41: {  	_ =	swait.ge [sflag:s31], $0x2000  }
0x42: {  	[sflag:s31] =	ssyncset.done $0x0  }
0x43: {  	[sflag:s31] =	ssyncadd.s32 $0xFFFFE000  }
0x44: {  	_ =	swait.ge [sflag:s31], $0x2000  }
0x45: {  	[sflag:s31] =	ssyncset.done $0x0  }
0x46: {  	s7 =	simm.s32 $0x8630;
	[sflag:s31] =	ssyncadd.s32 $0xFFFFE000  }
0x47: {  	s9 =	simm.s32 $0x620;
	s23 =	simm.s32 $0x2620;
	_ =	swait.ge [sflag:s31], $0x2000  }
0x48: {  	s24 =	simm.s32 $0x4630;
	s8 =	simm.s32 $0xA630;
	[sflag:s31] =	ssyncset.done $0x0  }
0x49: {  	s25 =	simm.s32 $0x6630;
	s26 =	simm.s32 $0x0;
	[sflag:s31] =	ssyncadd.s32 $0xFFFFE000  }
.LBB2_2:
0x4a: {  	v16 =	vmov s8  }
0x4b: {  	v17 =	vmov s7;
	_ =	sdelay $0x2  }
0x4c: {  	v20 =	vmov s24;
	s10 =	simm.s32 $0x0  }
0x4d: {  	v22 =	vld.idx.msk [tilespmem:v16+s10+$0xFFFFFFE0 ss:$0x1], $0xffff  }
0x4e: {  	v21 =	vmov s9;
	v23 =	vld.idx.msk [tilespmem:v17+s10+$0xFFFFFFE0 ss:$0x1], $0xffff  }
0x4f: {  	v19 =	vmov s25;
	v24 =	vld.idx.msk [tilespmem:v16+s10+$0xFFFFFFD0 ss:$0x1], $0xffff  }
0x50: {  	v18 =	vmov s23;
	v25 =	vld.idx.msk [tilespmem:v17+s10+$0xFFFFFFD0 ss:$0x1], $0xffff  }
0x51: {  	v26 =	vld.idx.msk [tilespmem:v20+s10+$0xFFFFFFF0 ss:$0x1], $0xffff  }
0x52: {  	v27 =	vld.idx.msk [tilespmem:v20+s10+$0xFFFFFFD0 ss:$0x1], $0xffff  }
0x53: {  	v28 =	vld.idx.msk [tilespmem:v21+s10+$0xFFFFFFE0 ss:$0x1], $0xffff  }
0x54: {  	v29 =	vld.idx.msk [tilespmem:v19+s10+$0xFFFFFFD0 ss:$0x1], $0xffff  }
0x55: {  	v30 =	vld.idx.msk [tilespmem:v18+s10+$0xFFFFFFE0 ss:$0x1], $0xffff  }
0x56: {  	v31 =	vld.idx.msk [tilespmem:v20+s10+$0xFFFFFFE0 ss:$0x1], $0xffff  }
0x57: {  	v32 =	vld.idx.msk [tilespmem:v21+s10+$0xFFFFFFF0 ss:$0x1], $0xffff  }
0x58: {  	v33 =	vld.idx.msk [tilespmem:v19+s10+$0xFFFFFFE0 ss:$0x1], $0xffff  }
0x59: {  	v34 =	vld.idx.msk [tilespmem:v18+s10+$0xFFFFFFF0 ss:$0x1], $0xffff  }
0x5a: {  	v35 =	vld.idx.msk [tilespmem:v21+s10+$0x0 ss:$0x1], $0xffff;
	v36 =	vmul.f32 v27, v28;
	v37 =	vmul.f32 v29, v30  }
0x5b: {  	v38 =	vld.idx.msk [tilespmem:v19+s10+$0xFFFFFFF0 ss:$0x1], $0xffff  }
0x5c: {  	v39 =	vld.idx.msk [tilespmem:v18+s10+$0x0 ss:$0x1], $0xffff;
	v28 =	vmul.f32 v29, v28;
	v27 =	vmul.f32 v27, v30;
	v36 =	vsub.f32 v36, v37  }
0x5d: {  	v59 =	vld.idx.msk [tilespmem:v21+s10+$0x10 ss:$0x1], $0xffff;
	v30 =	vmul.f32 v31, v32  }
0x5e: {  	v60 =	vld.idx.msk [tilespmem:v19+s10+$0x0 ss:$0x1], $0xffff;
	v27 =	vadd.f32 v28, v27;
	v28 =	vmul.f32 v33, v34;
	v25 =	vmul.f32 v36, v25  }
0x5f: {  	v61 =	vld.idx.msk [tilespmem:v18+s10+$0x10 ss:$0x1], $0xffff;
	v32 =	vmul.f32 v33, v32;
	v31 =	vmul.f32 v31, v34  }
0x60: {  	v29 =	vld.idx.msk [tilespmem:v20+s10+$0x0 ss:$0x1], $0xffff;
	v24 =	vmul.f32 v27, v24;
	v27 =	vsub.f32 v30, v28;
	v25 =	vadd.f32 $0.0e+00, v25  }
0x61: {  	v62 =	vmul.f32 v38, v39;
	v28 =	vld.idx.msk [tilespmem:v17+s10+$0xFFFFFFF0 ss:$0x1], $0xffff;
	v30 =	vmul.f32 v26, v35  }
0x62: {  	v23 =	vmul.f32 v27, v23;
	v24 =	vadd.f32 v25, v24;
	v25 =	vadd.f32 v32, v31  }
0x63: {  	v26 =	vmul.f32 v26, v39;
	v27 =	vld.idx.msk [tilespmem:v16+s10+$0xFFFFFFF0 ss:$0x1], $0xffff;
	v31 =	vmul.f32 v38, v35  }
0x64: {  	v23 =	vadd.f32 v23, v24;
	v22 =	vmul.f32 v25, v22;
	v24 =	vsub.f32 v30, v62  }
0x65: {  	v63 =	vmul.f32 v60, v61;
	v25 =	vld.idx.msk [tilespmem:v17+s10+$0x0 ss:$0x1], $0xffff;
	v30 =	vmul.f32 v29, v59  }
0x66: {  	v22 =	vadd.f32 v23, v22;
	v23 =	vmul.f32 v24, v28;
	v24 =	vadd.f32 v31, v26  }
0x67: {  	v29 =	vmul.f32 v29, v61;
	v26 =	vld.idx.msk [tilespmem:v16+s10+$0x0 ss:$0x1], $0xffff;
	v28 =	vmul.f32 v60, v59  }
0x68: {  	v22 =	vadd.f32 v23, v22;
	v23 =	vmul.f32 v24, v27;
	v24 =	vsub.f32 v30, v63;
	_ =	sdelay $0x1  }
0x69: {  	v22 =	vadd.f32 v22, v23;
	v23 =	vmul.f32 v24, v25;
	v24 =	vadd.f32 v28, v29;
	_ =	sdelay $0x1  }
0x6a: {  	v22 =	vadd.f32 v23, v22;
	v23 =	vmul.f32 v24, v26;
	_ =	sdelay $0x1  }
0x6b: {  	v22 =	vadd.f32 v22, v23  }
0x6c: {  	s10 =	simm.s32 $0x18600  }
0x6d: {  	s28 =	simm.s32 $0x40;
	[tilespmem:s10+$0x0] =	vst v22  }
0x6e: {  	v22 =	vld.idx.msk [tilespmem:v16+s28+$0xFFFFFFE0 ss:$0x1], $0xffff  }
0x6f: {  	v24 =	vld.idx.msk [tilespmem:v17+s28+$0xFFFFFFE0 ss:$0x1], $0xffff  }
0x70: {  	v25 =	vld.idx.msk [tilespmem:v16+s28+$0xFFFFFFD0 ss:$0x1], $0xffff  }
0x71: {  	v26 =	vld.idx.msk [tilespmem:v17+s28+$0xFFFFFFD0 ss:$0x1], $0xffff  }
0x72: {  	v23 =	vld.idx.msk [tilespmem:v20+s28+$0xFFFFFFF0 ss:$0x1], $0xffff  }
0x73: {  	v27 =	vld.idx.msk [tilespmem:v20+s28+$0xFFFFFFD0 ss:$0x1], $0xffff  }
0x74: {  	v28 =	vld.idx.msk [tilespmem:v21+s28+$0xFFFFFFE0 ss:$0x1], $0xffff  }
0x75: {  	s11 =	simm.s32 $0x200;
	v29 =	vld.idx.msk [tilespmem:v19+s28+$0xFFFFFFD0 ss:$0x1], $0xffff  }
.LBB2_3:
0x76: {  	p0 =	sne.s32 s11, $0xF00;
	v30 =	vld.idx.msk [tilespmem:v18+s28+$0xFFFFFFE0 ss:$0x1], $0xffff  }
0x77: {  	v31 =	vld.idx.msk [tilespmem:v20+s28+$0xFFFFFFE0 ss:$0x1], $0xffff  }
0x78: {  	v32 =	vld.idx.msk [tilespmem:v21+s28+$0xFFFFFFF0 ss:$0x1], $0xffff  }
0x79: {  	v33 =	vld.idx.msk [tilespmem:v19+s28+$0xFFFFFFE0 ss:$0x1], $0xffff  }
0x7a: {  	v34 =	vld.idx.msk [tilespmem:v18+s28+$0xFFFFFFF0 ss:$0x1], $0xffff  }
0x7b: {  	v35 =	vld.idx.msk [tilespmem:v21+s28+$0x0 ss:$0x1], $0xffff  }
0x7c: {  	v36 =	vmul.f32 v27, v28;
	v37 =	vmul.f32 v29, v30;
	v38 =	vld.idx.msk [tilespmem:v19+s28+$0xFFFFFFF0 ss:$0x1], $0xffff  }
0x7d: {  	v39 =	vld.idx.msk [tilespmem:v18+s28+$0x0 ss:$0x1], $0xffff  }
0x7e: {  	v28 =	vmul.f32 v29, v28;
	v27 =	vmul.f32 v27, v30;
	v36 =	vsub.f32 v36, v37;
	v29 =	vld.idx.msk [tilespmem:v20+s28+$0x0 ss:$0x1], $0xffff  }
0x7f: {  	v30 =	vmul.f32 v31, v32;
	v37 =	vld.idx.msk [tilespmem:v21+s28+$0x10 ss:$0x1], $0xffff  }
0x80: {  	v27 =	vadd.f32 v28, v27;
	v26 =	vmul.f32 v36, v26;
	v28 =	vmul.f32 v33, v34;
	v36 =	vld.idx.msk [tilespmem:v19+s28+$0x0 ss:$0x1], $0xffff  }
0x81: {  	v32 =	vmul.f32 v33, v32;
	v31 =	vmul.f32 v31, v34;
	v33 =	vld.idx.msk [tilespmem:v18+s28+$0x10 ss:$0x1], $0xffff  }
0x82: {  	v25 =	vmul.f32 v27, v25;
	v26 =	vadd.f32 $0.0e+00, v26;
	v27 =	vsub.f32 v30, v28;
	v28 =	vld.idx.msk [tilespmem:v17+s28+$0xFFFFFFF0 ss:$0x1], $0xffff  }
0x83: {  	v30 =	vmul.f32 v23, v35;
	v34 =	vmul.f32 v38, v39  }
0x84: {  	v25 =	vadd.f32 v26, v25;
	v24 =	vmul.f32 v27, v24;
	v26 =	vadd.f32 v32, v31;
	v27 =	vld.idx.msk [tilespmem:v16+s28+$0xFFFFFFF0 ss:$0x1], $0xffff  }
0x85: {  	v23 =	vmul.f32 v23, v39;
	v31 =	vmul.f32 v38, v35  }
0x86: {  	v24 =	vadd.f32 v24, v25;
	v22 =	vmul.f32 v26, v22;
	v25 =	vsub.f32 v30, v34;
	v26 =	vld.idx.msk [tilespmem:v17+s28+$0x0 ss:$0x1], $0xffff  }
0x87: {  	v30 =	vmul.f32 v29, v37;
	v32 =	vmul.f32 v36, v33  }
0x88: {  	v23 =	vadd.f32 v31, v23;
	v22 =	vadd.f32 v24, v22;
	v24 =	vmul.f32 v25, v28;
	v25 =	vld.idx.msk [tilespmem:v16+s28+$0x0 ss:$0x1], $0xffff  }
0x89: {  	v29 =	vmul.f32 v29, v33;
	v28 =	vmul.f32 v36, v37  }
0x8a: {  	v22 =	vadd.f32 v24, v22;
	v23 =	vmul.f32 v23, v27;
	v24 =	vsub.f32 v30, v32;
	_ =	sdelay $0x1  }
0x8b: {  	v22 =	vadd.f32 v22, v23;
	v23 =	vmul.f32 v24, v26;
	v24 =	vadd.f32 v28, v29;
	_ =	sdelay $0x1  }
0x8c: {  	v22 =	vadd.f32 v23, v22;
	v23 =	vmul.f32 v24, v25;
	_ =	sdelay $0x1  }
0x8d: {  	v22 =	vadd.f32 v22, v23  }
0x8e: {  	s10 =	sadd.s32 $0x10, s10  }
0x8f: {  	s28 =	sshra.s32 s11, $0x2;
	[tilespmem:s10+$0x0] =	vst v22  }
0x90: {  	v22 =	vld.idx.msk [tilespmem:v16+s28+$0xFFFFFFE0 ss:$0x1], $0xffff  }
0x91: {  	v24 =	vld.idx.msk [tilespmem:v17+s28+$0xFFFFFFE0 ss:$0x1], $0xffff  }
0x92: {  	v25 =	vld.idx.msk [tilespmem:v16+s28+$0xFFFFFFD0 ss:$0x1], $0xffff  }
.Ltmp0:
0x93: {  	v26 =	vld.idx.msk [tilespmem:v17+s28+$0xFFFFFFD0 ss:$0x1], $0xffff;
	(pc) =	sbr.rel @p0 .LBB2_3-.Ltmp0, $4  }
0x94: {  	v23 =	vld.idx.msk [tilespmem:v20+s28+$0xFFFFFFF0 ss:$0x1], $0xffff  }
0x95: {  	v27 =	vld.idx.msk [tilespmem:v20+s28+$0xFFFFFFD0 ss:$0x1], $0xffff  }
0x96: {  	v28 =	vld.idx.msk [tilespmem:v21+s28+$0xFFFFFFE0 ss:$0x1], $0xffff  }
0x97: {  	s11 =	sadd.s32 $0x100, s11;
	v29 =	vld.idx.msk [tilespmem:v19+s28+$0xFFFFFFD0 ss:$0x1], $0xffff  }
0x98: {  	_ =	sdelay $0x3  }
0x99: {  	v30 =	vld.idx.msk [tilespmem:v18+s28+$0xFFFFFFE0 ss:$0x1], $0xffff  }
0x9a: {  	v31 =	vld.idx.msk [tilespmem:v20+s28+$0xFFFFFFE0 ss:$0x1], $0xffff  }
0x9b: {  	v32 =	vld.idx.msk [tilespmem:v21+s28+$0xFFFFFFF0 ss:$0x1], $0xffff  }
0x9c: {  	v33 =	vld.idx.msk [tilespmem:v19+s28+$0xFFFFFFE0 ss:$0x1], $0xffff  }
0x9d: {  	v34 =	vld.idx.msk [tilespmem:v18+s28+$0xFFFFFFF0 ss:$0x1], $0xffff  }
0x9e: {  	v35 =	vld.idx.msk [tilespmem:v21+s28+$0x0 ss:$0x1], $0xffff;
	v36 =	vmul.f32 v27, v28;
	v37 =	vmul.f32 v29, v30  }
0x9f: {  	v38 =	vld.idx.msk [tilespmem:v19+s28+$0xFFFFFFF0 ss:$0x1], $0xffff  }
0xa0: {  	v39 =	vld.idx.msk [tilespmem:v18+s28+$0x0 ss:$0x1], $0xffff;
	v56 =	vmul.f32 v29, v28;
	v57 =	vmul.f32 v27, v30;
	v36 =	vsub.f32 v36, v37  }
0xa1: {  	v58 =	vld.idx.msk [tilespmem:v20+s28+$0x0 ss:$0x1], $0xffff;
	v59 =	vmul.f32 v31, v32  }
0xa2: {  	v60 =	vld.idx.msk [tilespmem:v21+s28+$0x10 ss:$0x1], $0xffff;
	v61 =	vmul.f32 v33, v34;
	v27 =	vadd.f32 v56, v57;
	v26 =	vmul.f32 v36, v26  }
0xa3: {  	v62 =	vld.idx.msk [tilespmem:v19+s28+$0x0 ss:$0x1], $0xffff;
	v63 =	vmul.f32 v33, v32;
	v31 =	vmul.f32 v31, v34  }
0xa4: {  	v40 =	vld.idx.msk [tilespmem:v17+s28+$0xFFFFFFF0 ss:$0x1], $0xffff;
	v37 =	vsub.f32 v59, v61;
	v25 =	vmul.f32 v27, v25;
	v26 =	vadd.f32 $0.0e+00, v26  }
0xa5: {  	v41 =	vmul.f32 v23, v35;
	v42 =	vmul.f32 v38, v39;
	v36 =	vld.idx.msk [tilespmem:v18+s28+$0x10 ss:$0x1], $0xffff  }
0xa6: {  	v44 =	vld.idx.msk [tilespmem:v16+s28+$0xFFFFFFF0 ss:$0x1], $0xffff;
	v43 =	vadd.f32 v63, v31;
	v24 =	vmul.f32 v37, v24;
	v25 =	vadd.f32 v26, v25  }
0xa7: {  	v45 =	vmul.f32 v38, v35;
	v46 =	vmul.f32 v23, v39  }
0xa8: {  	v47 =	vsub.f32 v41, v42;
	v22 =	vmul.f32 v43, v22;
	v24 =	vadd.f32 v24, v25  }
0xa9: {  	v17 =	vld.idx.msk [tilespmem:v17+s28+$0x0 ss:$0x1], $0xffff;
	v48 =	vmul.f32 v58, v60;
	v23 =	vadd.f32 v45, v46  }
0xaa: {  	v50 =	vmul.f32 v47, v40;
	v49 =	vmul.f32 v62, v36;
	v22 =	vadd.f32 v24, v22  }
0xab: {  	v16 =	vld.idx.msk [tilespmem:v16+s28+$0x0 ss:$0x1], $0xffff;
	v19 =	vmul.f32 v62, v60;
	v52 =	vmul.f32 v23, v44  }
0xac: {  	v18 =	vmul.f32 v58, v36;
	v53 =	vsub.f32 v48, v49;
	v51 =	vadd.f32 v50, v22;
	_ =	sdelay $0x1  }
0xad: {  	v18 =	vadd.f32 v19, v18;
	v17 =	vmul.f32 v53, v17;
	v20 =	vadd.f32 v51, v52;
	_ =	sdelay $0x1  }
0xae: {  	v16 =	vmul.f32 v18, v16;
	v17 =	vadd.f32 v17, v20;
	_ =	sdelay $0x1  }
0xaf: {  	v16 =	vadd.f32 v17, v16  }
0xb0: {  	s10 =	sadd.s32 $0x10, s10  }
0xb1: {  	[tilespmem:s10+$0x0] =	vst v16  }
0xb2: {  	v16 =	vld.idx.msk [tilespmem:v0+s0+$0x0], $0xffff;
	_ =	sdelay $0x1  }
0xb3: {  	v17 =	vld.idx.msk [tilespmem:v1+s0+$0x0], $0xffff;
	_ =	sdelay $0x1  }
0xb4: {  	v54 =	vld.idx.msk [tilespmem:v2+s0+$0x0], $0xffff  }
0xb5: {  	v16 =	vadd.f32 $0.0e+00, v16  }
0xb6: {  	v55 =	vld.idx.msk [tilespmem:v3+s0+$0x0], $0xffff  }
0xb7: {  	v16 =	vadd.f32 v17, v16  }
0xb8: {  	v17 =	vld.idx.msk [tilespmem:v4+s0+$0x0], $0xffff  }
0xb9: {  	v16 =	vadd.f32 v54, v16  }
0xba: {  	v56 =	vld.idx.msk [tilespmem:v5+s0+$0x0], $0xffff  }
0xbb: {  	v16 =	vadd.f32 v55, v16  }
0xbc: {  	v57 =	vld.idx.msk [tilespmem:v6+s0+$0x0], $0xffff  }
0xbd: {  	v16 =	vadd.f32 v17, v16  }
0xbe: {  	v17 =	vld.idx.msk [tilespmem:v7+s0+$0x0], $0xffff  }
0xbf: {  	v16 =	vadd.f32 v56, v16  }
0xc0: {  	v58 =	vld.idx.msk [tilespmem:v8+s0+$0x0], $0xffff  }
0xc1: {  	v16 =	vadd.f32 v57, v16  }
0xc2: {  	v59 =	vld.idx.msk [tilespmem:v9+s0+$0x0], $0xffff  }
0xc3: {  	v16 =	vadd.f32 v17, v16  }
0xc4: {  	v17 =	vld.idx.msk [tilespmem:v10+s0+$0x0], $0xffff  }
0xc5: {  	v16 =	vadd.f32 v58, v16  }
0xc6: {  	v60 =	vld.idx.msk [tilespmem:v11+s0+$0x0], $0xffff  }
0xc7: {  	v16 =	vadd.f32 v59, v16  }
0xc8: {  	v61 =	vld.idx.msk [tilespmem:v12+s0+$0x0], $0xffff  }
0xc9: {  	v16 =	vadd.f32 v17, v16  }
0xca: {  	v17 =	vld.idx.msk [tilespmem:v13+s0+$0x0], $0xffff  }
0xcb: {  	v16 =	vadd.f32 v60, v16  }
0xcc: {  	v62 =	vld.idx.msk [tilespmem:v14+s0+$0x0], $0xffff  }
0xcd: {  	v16 =	vadd.f32 v61, v16  }
0xce: {  	v63 =	vld.idx.msk [tilespmem:v15+s0+$0x0], $0xffff  }
0xcf: {  	v16 =	vadd.f32 v17, v16;
	_ =	sdelay $0x1  }
0xd0: {  	v16 =	vadd.f32 v62, v16;
	_ =	sdelay $0x1  }
0xd1: {  	v16 =	vadd.f32 v63, v16;
	_ =	sdelay $0x1  }
0xd2: {  	v16 =	vsub.f32 $0.0e+00, v16;
	_ =	sdelay $0x1  }
0xd3: {  	v16 =	vmul.f32 $1.442695020e+00, v16;
	_ =	sdelay $0x1  }
0xd4: {  	(erf) = vpow2.f32 v16;
	_ =	sdelay $0x8  }
0xd5: {  	v16 =	vpop (erf)  }
0xd6: {  	v16 =	vadd.f32 $1.000000000e+00, v16;
	_ =	sdelay $0x1  }
0xd7: {  	(erf) = vrcp.f32 v16;
	_ =	sdelay $0x3  }
0xd8: {  	s28 =	sshll.u32 s26, $0x4;
	s26 =	sadd.s32 $0x1, s26  }
0xd9: {  	p0 =	sne.s32 s26, $0x8  }
.Ltmp1:
0xda: {  	_ = 	snop;
	(pc) =	sbr.rel @p0 .LBB2_2-.Ltmp1, $4  }
0xdb: {  	_ = 	snop  }
0xdc: {  	s23 =	sadd.s32 $0x400, s23  }
0xdd: {  	s24 =	sadd.s32 $0x400, s24;
	s25 =	sadd.s32 $0x400, s25;
	s10 =	sand.u32 $0x3FFFFFF0, s28;
	v16 =	vpop (erf)  }
0xde: {  	s7 =	sadd.s32 $0x400, s7;
	s8 =	sadd.s32 $0x400, s8;
	s9 =	sadd.s32 $0x400, s9;
	[tilespmem:s10+$0x18700] =	vst v16  }
0xdf: {  	s7 =	simm.s32 $0x600  }
0xe0: {  	[tilespmem:s7], [sflag:$0x1] =	stream.indirect.gather [hbm4b:s3+s15], $0x40, s2, s15, $0xb8;
	[tilespmem:$0x18900] =	vst v63  }
0xe1: {  	s23 =	simm.s32 $0x2600  }
0xe2: {  	[tilespmem:s23], [sflag:$0x1] =	stream.indirect.gather [hbm4b:s4+s15], $0x40, s2, s15, $0xb8;
	[tilespmem:$0x18900] =	vst v63  }
0xe3: {  	s24 =	simm.s32 $0x4600  }
0xe4: {  	[tilespmem:s24], [sflag:$0x1] =	stream.indirect.gather [hbm4b:s5+s15], $0x40, s16, s15, $0xb8;
	[tilespmem:$0x18900] =	vst v63  }
0xe5: {  	s25 =	simm.s32 $0x6600  }
0xe6: {  	[tilespmem:s25], [sflag:$0x1] =	stream.indirect.gather [hbm4b:s6+s15], $0x40, s16, s15, $0xb8;
	[tilespmem:$0x18900] =	vst v63  }
0xe7: {  	s26 =	simm.s32 $0x8600  }
0xe8: {  	[tilespmem:s26], [sflag:$0x1] =	stream.indirect.gather [hbm4b:s3+s15], $0x40, s17, s15, $0xb8;
	[tilespmem:$0x18900] =	vst v63  }
0xe9: {  	s28 =	simm.s32 $0xA600  }
0xea: {  	[tilespmem:s28], [sflag:$0x1] =	stream.indirect.gather [hbm4b:s4+s15], $0x40, s17, s15, $0xb8;
	[tilespmem:$0x18900] =	vst v63  }
0xeb: {  	_ =	swait.ge [sflag:s18], $0x2000  }
0xec: {  	[sflag:s18] =	ssyncset.done $0x0  }
0xed: {  	[sflag:s18] =	ssyncadd.s32 $0xFFFFE000  }
0xee: {  	_ =	swait.ge [sflag:s18], $0x2000  }
0xef: {  	[sflag:s18] =	ssyncset.done $0x0  }
0xf0: {  	[sflag:s18] =	ssyncadd.s32 $0xFFFFE000  }
0xf1: {  	_ =	swait.ge [sflag:s18], $0x2000  }
0xf2: {  	[sflag:s18] =	ssyncset.done $0x0  }
0xf3: {  	[sflag:s18] =	ssyncadd.s32 $0xFFFFE000  }
0xf4: {  	_ =	swait.ge [sflag:s18], $0x2000  }
0xf5: {  	[sflag:s18] =	ssyncset.done $0x0  }
0xf6: {  	[sflag:s18] =	ssyncadd.s32 $0xFFFFE000  }
0xf7: {  	_ =	swait.ge [sflag:s18], $0x2000  }
0xf8: {  	[sflag:s18] =	ssyncset.done $0x0  }
0xf9: {  	s8 =	simm.s32 $0x14630;
	[sflag:s18] =	ssyncadd.s32 $0xFFFFE000  }
0xfa: {  	s9 =	simm.s32 $0x16630;
	s7 =	simm.s32 $0x12630;
	_ =	swait.ge [sflag:s18], $0x2000  }
0xfb: {  	s23 =	simm.s32 $0x0;
	s24 =	simm.s32 $0xE620;
	[sflag:s18] =	ssyncset.done $0x0  }
0xfc: {  	s25 =	simm.s32 $0x10630;
	s26 =	simm.s32 $0xC620;
	[sflag:s18] =	ssyncadd.s32 $0xFFFFE000  }
.LBB2_6:
0xfd: {  	v16 =	vmov s9  }
0xfe: {  	v17 =	vmov s8;
	_ =	sdelay $0x2  }
0xff: {  	v20 =	vmov s25;
	s10 =	simm.s32 $0x0  }
0x100: {  	v22 =	vld.idx.msk [tilespmem:v16+s10+$0xFFFFFFE0 ss:$0x1], $0xffff  }
0x101: {  	v21 =	vmov s26;
	v23 =	vld.idx.msk [tilespmem:v17+s10+$0xFFFFFFE0 ss:$0x1], $0xffff  }
0x102: {  	v19 =	vmov s7;
	v24 =	vld.idx.msk [tilespmem:v16+s10+$0xFFFFFFD0 ss:$0x1], $0xffff  }
0x103: {  	v18 =	vmov s24;
	v25 =	vld.idx.msk [tilespmem:v17+s10+$0xFFFFFFD0 ss:$0x1], $0xffff  }
0x104: {  	v26 =	vld.idx.msk [tilespmem:v20+s10+$0xFFFFFFF0 ss:$0x1], $0xffff  }
0x105: {  	v27 =	vld.idx.msk [tilespmem:v20+s10+$0xFFFFFFD0 ss:$0x1], $0xffff  }
0x106: {  	v28 =	vld.idx.msk [tilespmem:v21+s10+$0xFFFFFFE0 ss:$0x1], $0xffff  }
0x107: {  	v29 =	vld.idx.msk [tilespmem:v19+s10+$0xFFFFFFD0 ss:$0x1], $0xffff  }
0x108: {  	v30 =	vld.idx.msk [tilespmem:v18+s10+$0xFFFFFFE0 ss:$0x1], $0xffff  }
0x109: {  	v31 =	vld.idx.msk [tilespmem:v20+s10+$0xFFFFFFE0 ss:$0x1], $0xffff  }
0x10a: {  	v32 =	vld.idx.msk [tilespmem:v21+s10+$0xFFFFFFF0 ss:$0x1], $0xffff  }
0x10b: {  	v33 =	vld.idx.msk [tilespmem:v19+s10+$0xFFFFFFE0 ss:$0x1], $0xffff  }
0x10c: {  	v34 =	vld.idx.msk [tilespmem:v18+s10+$0xFFFFFFF0 ss:$0x1], $0xffff  }
0x10d: {  	v35 =	vld.idx.msk [tilespmem:v21+s10+$0x0 ss:$0x1], $0xffff;
	v36 =	vmul.f32 v27, v28;
	v37 =	vmul.f32 v29, v30  }
0x10e: {  	v38 =	vld.idx.msk [tilespmem:v19+s10+$0xFFFFFFF0 ss:$0x1], $0xffff  }
0x10f: {  	v39 =	vld.idx.msk [tilespmem:v18+s10+$0x0 ss:$0x1], $0xffff;
	v28 =	vmul.f32 v29, v28;
	v27 =	vmul.f32 v27, v30;
	v36 =	vsub.f32 v36, v37  }
0x110: {  	v59 =	vld.idx.msk [tilespmem:v21+s10+$0x10 ss:$0x1], $0xffff;
	v30 =	vmul.f32 v31, v32  }
0x111: {  	v60 =	vld.idx.msk [tilespmem:v19+s10+$0x0 ss:$0x1], $0xffff;
	v27 =	vadd.f32 v28, v27;
	v28 =	vmul.f32 v33, v34;
	v25 =	vmul.f32 v36, v25  }
0x112: {  	v61 =	vld.idx.msk [tilespmem:v18+s10+$0x10 ss:$0x1], $0xffff;
	v32 =	vmul.f32 v33, v32;
	v31 =	vmul.f32 v31, v34  }
0x113: {  	v29 =	vld.idx.msk [tilespmem:v20+s10+$0x0 ss:$0x1], $0xffff;
	v24 =	vmul.f32 v27, v24;
	v27 =	vsub.f32 v30, v28;
	v25 =	vadd.f32 $0.0e+00, v25  }
0x114: {  	v62 =	vmul.f32 v38, v39;
	v28 =	vld.idx.msk [tilespmem:v17+s10+$0xFFFFFFF0 ss:$0x1], $0xffff;
	v30 =	vmul.f32 v26, v35  }
0x115: {  	v23 =	vmul.f32 v27, v23;
	v24 =	vadd.f32 v25, v24;
	v25 =	vadd.f32 v32, v31  }
0x116: {  	v26 =	vmul.f32 v26, v39;
	v27 =	vld.idx.msk [tilespmem:v16+s10+$0xFFFFFFF0 ss:$0x1], $0xffff;
	v31 =	vmul.f32 v38, v35  }
0x117: {  	v23 =	vadd.f32 v23, v24;
	v22 =	vmul.f32 v25, v22;
	v24 =	vsub.f32 v30, v62  }
0x118: {  	v63 =	vmul.f32 v60, v61;
	v25 =	vld.idx.msk [tilespmem:v17+s10+$0x0 ss:$0x1], $0xffff;
	v30 =	vmul.f32 v29, v59  }
0x119: {  	v22 =	vadd.f32 v23, v22;
	v23 =	vmul.f32 v24, v28;
	v24 =	vadd.f32 v31, v26  }
0x11a: {  	v29 =	vmul.f32 v29, v61;
	v26 =	vld.idx.msk [tilespmem:v16+s10+$0x0 ss:$0x1], $0xffff;
	v28 =	vmul.f32 v60, v59  }
0x11b: {  	v22 =	vadd.f32 v23, v22;
	v23 =	vmul.f32 v24, v27;
	v24 =	vsub.f32 v30, v63;
	_ =	sdelay $0x1  }
0x11c: {  	v22 =	vadd.f32 v22, v23;
	v23 =	vmul.f32 v24, v25;
	v24 =	vadd.f32 v28, v29;
	_ =	sdelay $0x1  }
0x11d: {  	v22 =	vadd.f32 v23, v22;
	v23 =	vmul.f32 v24, v26;
	_ =	sdelay $0x1  }
0x11e: {  	v22 =	vadd.f32 v22, v23  }
0x11f: {  	s10 =	simm.s32 $0x18600  }
0x120: {  	s28 =	simm.s32 $0x40;
	[tilespmem:s10+$0x0] =	vst v22  }
0x121: {  	v22 =	vld.idx.msk [tilespmem:v16+s28+$0xFFFFFFE0 ss:$0x1], $0xffff  }
0x122: {  	v24 =	vld.idx.msk [tilespmem:v17+s28+$0xFFFFFFE0 ss:$0x1], $0xffff  }
0x123: {  	v25 =	vld.idx.msk [tilespmem:v16+s28+$0xFFFFFFD0 ss:$0x1], $0xffff  }
0x124: {  	v26 =	vld.idx.msk [tilespmem:v17+s28+$0xFFFFFFD0 ss:$0x1], $0xffff  }
0x125: {  	v23 =	vld.idx.msk [tilespmem:v20+s28+$0xFFFFFFF0 ss:$0x1], $0xffff  }
0x126: {  	v27 =	vld.idx.msk [tilespmem:v20+s28+$0xFFFFFFD0 ss:$0x1], $0xffff  }
0x127: {  	v28 =	vld.idx.msk [tilespmem:v21+s28+$0xFFFFFFE0 ss:$0x1], $0xffff  }
0x128: {  	s11 =	simm.s32 $0x200;
	v29 =	vld.idx.msk [tilespmem:v19+s28+$0xFFFFFFD0 ss:$0x1], $0xffff  }
.LBB2_7:
0x129: {  	p0 =	sne.s32 s11, $0xF00;
	v30 =	vld.idx.msk [tilespmem:v18+s28+$0xFFFFFFE0 ss:$0x1], $0xffff  }
0x12a: {  	v31 =	vld.idx.msk [tilespmem:v20+s28+$0xFFFFFFE0 ss:$0x1], $0xffff  }
0x12b: {  	v32 =	vld.idx.msk [tilespmem:v21+s28+$0xFFFFFFF0 ss:$0x1], $0xffff  }
0x12c: {  	v33 =	vld.idx.msk [tilespmem:v19+s28+$0xFFFFFFE0 ss:$0x1], $0xffff  }
0x12d: {  	v34 =	vld.idx.msk [tilespmem:v18+s28+$0xFFFFFFF0 ss:$0x1], $0xffff  }
0x12e: {  	v35 =	vld.idx.msk [tilespmem:v21+s28+$0x0 ss:$0x1], $0xffff  }
0x12f: {  	v36 =	vmul.f32 v27, v28;
	v37 =	vmul.f32 v29, v30;
	v38 =	vld.idx.msk [tilespmem:v19+s28+$0xFFFFFFF0 ss:$0x1], $0xffff  }
0x130: {  	v39 =	vld.idx.msk [tilespmem:v18+s28+$0x0 ss:$0x1], $0xffff  }
0x131: {  	v28 =	vmul.f32 v29, v28;
	v27 =	vmul.f32 v27, v30;
	v36 =	vsub.f32 v36, v37;
	v29 =	vld.idx.msk [tilespmem:v20+s28+$0x0 ss:$0x1], $0xffff  }
0x132: {  	v30 =	vmul.f32 v31, v32;
	v37 =	vld.idx.msk [tilespmem:v21+s28+$0x10 ss:$0x1], $0xffff  }
0x133: {  	v27 =	vadd.f32 v28, v27;
	v26 =	vmul.f32 v36, v26;
	v28 =	vmul.f32 v33, v34;
	v36 =	vld.idx.msk [tilespmem:v19+s28+$0x0 ss:$0x1], $0xffff  }
0x134: {  	v32 =	vmul.f32 v33, v32;
	v31 =	vmul.f32 v31, v34;
	v33 =	vld.idx.msk [tilespmem:v18+s28+$0x10 ss:$0x1], $0xffff  }
0x135: {  	v25 =	vmul.f32 v27, v25;
	v26 =	vadd.f32 $0.0e+00, v26;
	v27 =	vsub.f32 v30, v28;
	v28 =	vld.idx.msk [tilespmem:v17+s28+$0xFFFFFFF0 ss:$0x1], $0xffff  }
0x136: {  	v30 =	vmul.f32 v23, v35;
	v34 =	vmul.f32 v38, v39  }
0x137: {  	v25 =	vadd.f32 v26, v25;
	v24 =	vmul.f32 v27, v24;
	v26 =	vadd.f32 v32, v31;
	v27 =	vld.idx.msk [tilespmem:v16+s28+$0xFFFFFFF0 ss:$0x1], $0xffff  }
0x138: {  	v23 =	vmul.f32 v23, v39;
	v31 =	vmul.f32 v38, v35  }
0x139: {  	v24 =	vadd.f32 v24, v25;
	v22 =	vmul.f32 v26, v22;
	v25 =	vsub.f32 v30, v34;
	v26 =	vld.idx.msk [tilespmem:v17+s28+$0x0 ss:$0x1], $0xffff  }
0x13a: {  	v30 =	vmul.f32 v29, v37;
	v32 =	vmul.f32 v36, v33  }
0x13b: {  	v23 =	vadd.f32 v31, v23;
	v22 =	vadd.f32 v24, v22;
	v24 =	vmul.f32 v25, v28;
	v25 =	vld.idx.msk [tilespmem:v16+s28+$0x0 ss:$0x1], $0xffff  }
0x13c: {  	v29 =	vmul.f32 v29, v33;
	v28 =	vmul.f32 v36, v37  }
0x13d: {  	v22 =	vadd.f32 v24, v22;
	v23 =	vmul.f32 v23, v27;
	v24 =	vsub.f32 v30, v32;
	_ =	sdelay $0x1  }
0x13e: {  	v22 =	vadd.f32 v22, v23;
	v23 =	vmul.f32 v24, v26;
	v24 =	vadd.f32 v28, v29;
	_ =	sdelay $0x1  }
0x13f: {  	v22 =	vadd.f32 v23, v22;
	v23 =	vmul.f32 v24, v25;
	_ =	sdelay $0x1  }
0x140: {  	v22 =	vadd.f32 v22, v23  }
0x141: {  	s10 =	sadd.s32 $0x10, s10  }
0x142: {  	s28 =	sshra.s32 s11, $0x2;
	[tilespmem:s10+$0x0] =	vst v22  }
0x143: {  	v22 =	vld.idx.msk [tilespmem:v16+s28+$0xFFFFFFE0 ss:$0x1], $0xffff  }
0x144: {  	v24 =	vld.idx.msk [tilespmem:v17+s28+$0xFFFFFFE0 ss:$0x1], $0xffff  }
0x145: {  	v25 =	vld.idx.msk [tilespmem:v16+s28+$0xFFFFFFD0 ss:$0x1], $0xffff  }
.Ltmp2:
0x146: {  	v26 =	vld.idx.msk [tilespmem:v17+s28+$0xFFFFFFD0 ss:$0x1], $0xffff;
	(pc) =	sbr.rel @p0 .LBB2_7-.Ltmp2, $4  }
0x147: {  	v23 =	vld.idx.msk [tilespmem:v20+s28+$0xFFFFFFF0 ss:$0x1], $0xffff  }
0x148: {  	v27 =	vld.idx.msk [tilespmem:v20+s28+$0xFFFFFFD0 ss:$0x1], $0xffff  }
0x149: {  	v28 =	vld.idx.msk [tilespmem:v21+s28+$0xFFFFFFE0 ss:$0x1], $0xffff  }
0x14a: {  	s11 =	sadd.s32 $0x100, s11;
	v29 =	vld.idx.msk [tilespmem:v19+s28+$0xFFFFFFD0 ss:$0x1], $0xffff  }
0x14b: {  	_ =	sdelay $0x3  }
0x14c: {  	v30 =	vld.idx.msk [tilespmem:v18+s28+$0xFFFFFFE0 ss:$0x1], $0xffff  }
0x14d: {  	v31 =	vld.idx.msk [tilespmem:v20+s28+$0xFFFFFFE0 ss:$0x1], $0xffff  }
0x14e: {  	v32 =	vld.idx.msk [tilespmem:v21+s28+$0xFFFFFFF0 ss:$0x1], $0xffff  }
0x14f: {  	v33 =	vld.idx.msk [tilespmem:v19+s28+$0xFFFFFFE0 ss:$0x1], $0xffff  }
0x150: {  	v34 =	vld.idx.msk [tilespmem:v18+s28+$0xFFFFFFF0 ss:$0x1], $0xffff  }
0x151: {  	v35 =	vld.idx.msk [tilespmem:v21+s28+$0x0 ss:$0x1], $0xffff;
	v36 =	vmul.f32 v27, v28;
	v37 =	vmul.f32 v29, v30  }
0x152: {  	v38 =	vld.idx.msk [tilespmem:v19+s28+$0xFFFFFFF0 ss:$0x1], $0xffff  }
0x153: {  	v39 =	vld.idx.msk [tilespmem:v18+s28+$0x0 ss:$0x1], $0xffff;
	v56 =	vmul.f32 v29, v28;
	v57 =	vmul.f32 v27, v30;
	v36 =	vsub.f32 v36, v37  }
0x154: {  	v58 =	vld.idx.msk [tilespmem:v20+s28+$0x0 ss:$0x1], $0xffff;
	v59 =	vmul.f32 v31, v32  }
0x155: {  	v60 =	vld.idx.msk [tilespmem:v21+s28+$0x10 ss:$0x1], $0xffff;
	v61 =	vmul.f32 v33, v34;
	v27 =	vadd.f32 v56, v57;
	v26 =	vmul.f32 v36, v26  }
0x156: {  	v62 =	vld.idx.msk [tilespmem:v19+s28+$0x0 ss:$0x1], $0xffff;
	v63 =	vmul.f32 v33, v32;
	v31 =	vmul.f32 v31, v34  }
0x157: {  	v40 =	vld.idx.msk [tilespmem:v17+s28+$0xFFFFFFF0 ss:$0x1], $0xffff;
	v37 =	vsub.f32 v59, v61;
	v25 =	vmul.f32 v27, v25;
	v26 =	vadd.f32 $0.0e+00, v26  }
0x158: {  	v41 =	vmul.f32 v23, v35;
	v42 =	vmul.f32 v38, v39;
	v36 =	vld.idx.msk [tilespmem:v18+s28+$0x10 ss:$0x1], $0xffff  }
0x159: {  	v44 =	vld.idx.msk [tilespmem:v16+s28+$0xFFFFFFF0 ss:$0x1], $0xffff;
	v43 =	vadd.f32 v63, v31;
	v24 =	vmul.f32 v37, v24;
	v25 =	vadd.f32 v26, v25  }
0x15a: {  	v45 =	vmul.f32 v38, v35;
	v46 =	vmul.f32 v23, v39  }
0x15b: {  	v47 =	vsub.f32 v41, v42;
	v22 =	vmul.f32 v43, v22;
	v24 =	vadd.f32 v24, v25  }
0x15c: {  	v17 =	vld.idx.msk [tilespmem:v17+s28+$0x0 ss:$0x1], $0xffff;
	v48 =	vmul.f32 v58, v60;
	v23 =	vadd.f32 v45, v46  }
0x15d: {  	v50 =	vmul.f32 v47, v40;
	v49 =	vmul.f32 v62, v36;
	v22 =	vadd.f32 v24, v22  }
0x15e: {  	v16 =	vld.idx.msk [tilespmem:v16+s28+$0x0 ss:$0x1], $0xffff;
	v19 =	vmul.f32 v62, v60;
	v52 =	vmul.f32 v23, v44  }
0x15f: {  	v18 =	vmul.f32 v58, v36;
	v53 =	vsub.f32 v48, v49;
	v51 =	vadd.f32 v50, v22;
	_ =	sdelay $0x1  }
0x160: {  	v18 =	vadd.f32 v19, v18;
	v17 =	vmul.f32 v53, v17;
	v20 =	vadd.f32 v51, v52;
	_ =	sdelay $0x1  }
0x161: {  	v16 =	vmul.f32 v18, v16;
	v17 =	vadd.f32 v17, v20;
	_ =	sdelay $0x1  }
0x162: {  	v16 =	vadd.f32 v17, v16  }
0x163: {  	s10 =	sadd.s32 $0x10, s10  }
0x164: {  	[tilespmem:s10+$0x0] =	vst v16  }
0x165: {  	v16 =	vld.idx.msk [tilespmem:v0+s0+$0x0], $0xffff;
	_ =	sdelay $0x1  }
0x166: {  	v17 =	vld.idx.msk [tilespmem:v1+s0+$0x0], $0xffff;
	_ =	sdelay $0x1  }
0x167: {  	v54 =	vld.idx.msk [tilespmem:v2+s0+$0x0], $0xffff  }
0x168: {  	v16 =	vadd.f32 $0.0e+00, v16  }
0x169: {  	v55 =	vld.idx.msk [tilespmem:v3+s0+$0x0], $0xffff  }
0x16a: {  	v16 =	vadd.f32 v17, v16  }
0x16b: {  	v17 =	vld.idx.msk [tilespmem:v4+s0+$0x0], $0xffff  }
0x16c: {  	v16 =	vadd.f32 v54, v16  }
0x16d: {  	v56 =	vld.idx.msk [tilespmem:v5+s0+$0x0], $0xffff  }
0x16e: {  	v16 =	vadd.f32 v55, v16  }
0x16f: {  	v57 =	vld.idx.msk [tilespmem:v6+s0+$0x0], $0xffff  }
0x170: {  	v16 =	vadd.f32 v17, v16  }
0x171: {  	v17 =	vld.idx.msk [tilespmem:v7+s0+$0x0], $0xffff  }
0x172: {  	v16 =	vadd.f32 v56, v16  }
0x173: {  	v58 =	vld.idx.msk [tilespmem:v8+s0+$0x0], $0xffff  }
0x174: {  	v16 =	vadd.f32 v57, v16  }
0x175: {  	v59 =	vld.idx.msk [tilespmem:v9+s0+$0x0], $0xffff  }
0x176: {  	v16 =	vadd.f32 v17, v16  }
0x177: {  	v17 =	vld.idx.msk [tilespmem:v10+s0+$0x0], $0xffff  }
0x178: {  	v16 =	vadd.f32 v58, v16  }
0x179: {  	v60 =	vld.idx.msk [tilespmem:v11+s0+$0x0], $0xffff  }
0x17a: {  	v16 =	vadd.f32 v59, v16  }
0x17b: {  	v61 =	vld.idx.msk [tilespmem:v12+s0+$0x0], $0xffff  }
0x17c: {  	v16 =	vadd.f32 v17, v16  }
0x17d: {  	v17 =	vld.idx.msk [tilespmem:v13+s0+$0x0], $0xffff  }
0x17e: {  	v16 =	vadd.f32 v60, v16  }
0x17f: {  	v62 =	vld.idx.msk [tilespmem:v14+s0+$0x0], $0xffff  }
0x180: {  	v16 =	vadd.f32 v61, v16  }
0x181: {  	v63 =	vld.idx.msk [tilespmem:v15+s0+$0x0], $0xffff  }
0x182: {  	v16 =	vadd.f32 v17, v16;
	_ =	sdelay $0x1  }
0x183: {  	v16 =	vadd.f32 v62, v16;
	_ =	sdelay $0x1  }
0x184: {  	v16 =	vadd.f32 v63, v16;
	_ =	sdelay $0x1  }
0x185: {  	v16 =	vsub.f32 $0.0e+00, v16;
	_ =	sdelay $0x1  }
0x186: {  	v16 =	vmul.f32 $1.442695020e+00, v16;
	_ =	sdelay $0x1  }
0x187: {  	(erf) = vpow2.f32 v16;
	_ =	sdelay $0x8  }
0x188: {  	v16 =	vpop (erf)  }
0x189: {  	v16 =	vadd.f32 $1.000000000e+00, v16;
	_ =	sdelay $0x1  }
0x18a: {  	(erf) = vrcp.f32 v16;
	_ =	sdelay $0x3  }
0x18b: {  	s28 =	sshll.u32 s23, $0x4;
	s23 =	sadd.s32 $0x1, s23  }
0x18c: {  	p0 =	sne.s32 s23, $0x8  }
.Ltmp3:
0x18d: {  	_ = 	snop;
	(pc) =	sbr.rel @p0 .LBB2_6-.Ltmp3, $4  }
0x18e: {  	_ = 	snop  }
0x18f: {  	s24 =	sadd.s32 $0x400, s24  }
0x190: {  	s25 =	sadd.s32 $0x400, s25;
	s7 =	sadd.s32 $0x400, s7;
	s10 =	sand.u32 $0x3FFFFFF0, s28;
	v16 =	vpop (erf)  }
0x191: {  	s8 =	sadd.s32 $0x400, s8;
	s9 =	sadd.s32 $0x400, s9;
	s26 =	sadd.s32 $0x400, s26;
	[tilespmem:s10+$0x18780] =	vst v16  }
0x192: {  	s7 =	simm.s32 $0xC600  }
0x193: {  	[tilespmem:s7], [sflag:$0x2] =	stream.indirect.gather [hbm4b:s3+s15], $0x40, s19, s15, $0xb8;
	[tilespmem:$0x18900] =	vst v63  }
0x194: {  	s25 =	simm.s32 $0xE600  }
0x195: {  	[tilespmem:s25], [sflag:$0x2] =	stream.indirect.gather [hbm4b:s4+s15], $0x40, s19, s15, $0xb8;
	[tilespmem:$0x18900] =	vst v63  }
0x196: {  	s26 =	simm.s32 $0x10600  }
0x197: {  	[tilespmem:s26], [sflag:$0x2] =	stream.indirect.gather [hbm4b:s5+s15], $0x40, s20, s15, $0xb8;
	[tilespmem:$0x18900] =	vst v63  }
0x198: {  	s28 =	simm.s32 $0x12600  }
0x199: {  	[tilespmem:s28], [sflag:$0x2] =	stream.indirect.gather [hbm4b:s6+s15], $0x40, s20, s15, $0xb8;
	[tilespmem:$0x18900] =	vst v63  }
0x19a: {  	_ = 	snop  }
0x19b: {  	[tilespmem:s29], [sflag:$0x2] =	stream.indirect.gather [hbm4b:s3+s15], $0x40, s21, s15, $0xb8;
	[tilespmem:$0x18900] =	vst v63  }
0x19c: {  	_ = 	snop  }
0x19d: {  	[tilespmem:s30], [sflag:$0x2] =	stream.indirect.gather [hbm4b:s4+s15], $0x40, s21, s15, $0xb8;
	[tilespmem:$0x18900] =	vst v63  }
0x19e: {  	_ =	swait.ge [sflag:s31], $0x2000  }
0x19f: {  	[sflag:s31] =	ssyncset.done $0x0  }
0x1a0: {  	[sflag:s31] =	ssyncadd.s32 $0xFFFFE000  }
0x1a1: {  	_ =	swait.ge [sflag:s31], $0x2000  }
0x1a2: {  	[sflag:s31] =	ssyncset.done $0x0  }
0x1a3: {  	[sflag:s31] =	ssyncadd.s32 $0xFFFFE000  }
0x1a4: {  	_ =	swait.ge [sflag:s31], $0x2000  }
0x1a5: {  	[sflag:s31] =	ssyncset.done $0x0  }
0x1a6: {  	[sflag:s31] =	ssyncadd.s32 $0xFFFFE000  }
0x1a7: {  	_ =	swait.ge [sflag:s31], $0x2000  }
0x1a8: {  	[sflag:s31] =	ssyncset.done $0x0  }
0x1a9: {  	[sflag:s31] =	ssyncadd.s32 $0xFFFFE000  }
0x1aa: {  	_ =	swait.ge [sflag:s31], $0x2000  }
0x1ab: {  	[sflag:s31] =	ssyncset.done $0x0  }
0x1ac: {  	s23 =	simm.s32 $0x0;
	[sflag:s31] =	ssyncadd.s32 $0xFFFFE000  }
0x1ad: {  	s24 =	simm.s32 $0x2620;
	s8 =	simm.s32 $0x8630;
	_ =	swait.ge [sflag:s31], $0x2000  }
0x1ae: {  	s9 =	simm.s32 $0xA630;
	s7 =	simm.s32 $0x6630;
	[sflag:s31] =	ssyncset.done $0x0  }
0x1af: {  	s25 =	simm.s32 $0x4630;
	s26 =	simm.s32 $0x620;
	[sflag:s31] =	ssyncadd.s32 $0xFFFFE000  }
.LBB2_10:
0x1b0: {  	v16 =	vmov s9  }
0x1b1: {  	v17 =	vmov s8;
	_ =	sdelay $0x2  }
0x1b2: {  	v20 =	vmov s25;
	s10 =	simm.s32 $0x0  }
0x1b3: {  	v22 =	vld.idx.msk [tilespmem:v16+s10+$0xFFFFFFE0 ss:$0x1], $0xffff  }
0x1b4: {  	v21 =	vmov s26;
	v23 =	vld.idx.msk [tilespmem:v17+s10+$0xFFFFFFE0 ss:$0x1], $0xffff  }
0x1b5: {  	v19 =	vmov s7;
	v24 =	vld.idx.msk [tilespmem:v16+s10+$0xFFFFFFD0 ss:$0x1], $0xffff  }
0x1b6: {  	v18 =	vmov s24;
	v25 =	vld.idx.msk [tilespmem:v17+s10+$0xFFFFFFD0 ss:$0x1], $0xffff  }
0x1b7: {  	v26 =	vld.idx.msk [tilespmem:v20+s10+$0xFFFFFFF0 ss:$0x1], $0xffff  }
0x1b8: {  	v27 =	vld.idx.msk [tilespmem:v20+s10+$0xFFFFFFD0 ss:$0x1], $0xffff  }
0x1b9: {  	v28 =	vld.idx.msk [tilespmem:v21+s10+$0xFFFFFFE0 ss:$0x1], $0xffff  }
0x1ba: {  	v29 =	vld.idx.msk [tilespmem:v19+s10+$0xFFFFFFD0 ss:$0x1], $0xffff  }
0x1bb: {  	v30 =	vld.idx.msk [tilespmem:v18+s10+$0xFFFFFFE0 ss:$0x1], $0xffff  }
0x1bc: {  	v31 =	vld.idx.msk [tilespmem:v20+s10+$0xFFFFFFE0 ss:$0x1], $0xffff  }
0x1bd: {  	v32 =	vld.idx.msk [tilespmem:v21+s10+$0xFFFFFFF0 ss:$0x1], $0xffff  }
0x1be: {  	v33 =	vld.idx.msk [tilespmem:v19+s10+$0xFFFFFFE0 ss:$0x1], $0xffff  }
0x1bf: {  	v34 =	vld.idx.msk [tilespmem:v18+s10+$0xFFFFFFF0 ss:$0x1], $0xffff  }
0x1c0: {  	v35 =	vld.idx.msk [tilespmem:v21+s10+$0x0 ss:$0x1], $0xffff;
	v36 =	vmul.f32 v27, v28;
	v37 =	vmul.f32 v29, v30  }
0x1c1: {  	v38 =	vld.idx.msk [tilespmem:v19+s10+$0xFFFFFFF0 ss:$0x1], $0xffff  }
0x1c2: {  	v39 =	vld.idx.msk [tilespmem:v18+s10+$0x0 ss:$0x1], $0xffff;
	v28 =	vmul.f32 v29, v28;
	v27 =	vmul.f32 v27, v30;
	v36 =	vsub.f32 v36, v37  }
0x1c3: {  	v59 =	vld.idx.msk [tilespmem:v21+s10+$0x10 ss:$0x1], $0xffff;
	v30 =	vmul.f32 v31, v32  }
0x1c4: {  	v60 =	vld.idx.msk [tilespmem:v19+s10+$0x0 ss:$0x1], $0xffff;
	v27 =	vadd.f32 v28, v27;
	v28 =	vmul.f32 v33, v34;
	v25 =	vmul.f32 v36, v25  }
0x1c5: {  	v61 =	vld.idx.msk [tilespmem:v18+s10+$0x10 ss:$0x1], $0xffff;
	v32 =	vmul.f32 v33, v32;
	v31 =	vmul.f32 v31, v34  }
0x1c6: {  	v29 =	vld.idx.msk [tilespmem:v20+s10+$0x0 ss:$0x1], $0xffff;
	v24 =	vmul.f32 v27, v24;
	v27 =	vsub.f32 v30, v28;
	v25 =	vadd.f32 $0.0e+00, v25  }
0x1c7: {  	v62 =	vmul.f32 v38, v39;
	v28 =	vld.idx.msk [tilespmem:v17+s10+$0xFFFFFFF0 ss:$0x1], $0xffff;
	v30 =	vmul.f32 v26, v35  }
0x1c8: {  	v23 =	vmul.f32 v27, v23;
	v24 =	vadd.f32 v25, v24;
	v25 =	vadd.f32 v32, v31  }
0x1c9: {  	v26 =	vmul.f32 v26, v39;
	v27 =	vld.idx.msk [tilespmem:v16+s10+$0xFFFFFFF0 ss:$0x1], $0xffff;
	v31 =	vmul.f32 v38, v35  }
0x1ca: {  	v23 =	vadd.f32 v23, v24;
	v22 =	vmul.f32 v25, v22;
	v24 =	vsub.f32 v30, v62  }
0x1cb: {  	v63 =	vmul.f32 v60, v61;
	v25 =	vld.idx.msk [tilespmem:v17+s10+$0x0 ss:$0x1], $0xffff;
	v30 =	vmul.f32 v29, v59  }
0x1cc: {  	v22 =	vadd.f32 v23, v22;
	v23 =	vmul.f32 v24, v28;
	v24 =	vadd.f32 v31, v26  }
0x1cd: {  	v29 =	vmul.f32 v29, v61;
	v26 =	vld.idx.msk [tilespmem:v16+s10+$0x0 ss:$0x1], $0xffff;
	v28 =	vmul.f32 v60, v59  }
0x1ce: {  	v22 =	vadd.f32 v23, v22;
	v23 =	vmul.f32 v24, v27;
	v24 =	vsub.f32 v30, v63;
	_ =	sdelay $0x1  }
0x1cf: {  	v22 =	vadd.f32 v22, v23;
	v23 =	vmul.f32 v24, v25;
	v24 =	vadd.f32 v28, v29;
	_ =	sdelay $0x1  }
0x1d0: {  	v22 =	vadd.f32 v23, v22;
	v23 =	vmul.f32 v24, v26;
	_ =	sdelay $0x1  }
0x1d1: {  	v22 =	vadd.f32 v22, v23  }
0x1d2: {  	s10 =	simm.s32 $0x18600  }
0x1d3: {  	s28 =	simm.s32 $0x40;
	[tilespmem:s10+$0x0] =	vst v22  }
0x1d4: {  	v22 =	vld.idx.msk [tilespmem:v16+s28+$0xFFFFFFE0 ss:$0x1], $0xffff  }
0x1d5: {  	v24 =	vld.idx.msk [tilespmem:v17+s28+$0xFFFFFFE0 ss:$0x1], $0xffff  }
0x1d6: {  	v25 =	vld.idx.msk [tilespmem:v16+s28+$0xFFFFFFD0 ss:$0x1], $0xffff  }
0x1d7: {  	v26 =	vld.idx.msk [tilespmem:v17+s28+$0xFFFFFFD0 ss:$0x1], $0xffff  }
0x1d8: {  	v23 =	vld.idx.msk [tilespmem:v20+s28+$0xFFFFFFF0 ss:$0x1], $0xffff  }
0x1d9: {  	v27 =	vld.idx.msk [tilespmem:v20+s28+$0xFFFFFFD0 ss:$0x1], $0xffff  }
0x1da: {  	v28 =	vld.idx.msk [tilespmem:v21+s28+$0xFFFFFFE0 ss:$0x1], $0xffff  }
0x1db: {  	s11 =	simm.s32 $0x200;
	v29 =	vld.idx.msk [tilespmem:v19+s28+$0xFFFFFFD0 ss:$0x1], $0xffff  }
.LBB2_11:
0x1dc: {  	p0 =	sne.s32 s11, $0xF00;
	v30 =	vld.idx.msk [tilespmem:v18+s28+$0xFFFFFFE0 ss:$0x1], $0xffff  }
0x1dd: {  	v31 =	vld.idx.msk [tilespmem:v20+s28+$0xFFFFFFE0 ss:$0x1], $0xffff  }
0x1de: {  	v32 =	vld.idx.msk [tilespmem:v21+s28+$0xFFFFFFF0 ss:$0x1], $0xffff  }
0x1df: {  	v33 =	vld.idx.msk [tilespmem:v19+s28+$0xFFFFFFE0 ss:$0x1], $0xffff  }
0x1e0: {  	v34 =	vld.idx.msk [tilespmem:v18+s28+$0xFFFFFFF0 ss:$0x1], $0xffff  }
0x1e1: {  	v35 =	vld.idx.msk [tilespmem:v21+s28+$0x0 ss:$0x1], $0xffff  }
0x1e2: {  	v36 =	vmul.f32 v27, v28;
	v37 =	vmul.f32 v29, v30;
	v38 =	vld.idx.msk [tilespmem:v19+s28+$0xFFFFFFF0 ss:$0x1], $0xffff  }
0x1e3: {  	v39 =	vld.idx.msk [tilespmem:v18+s28+$0x0 ss:$0x1], $0xffff  }
0x1e4: {  	v28 =	vmul.f32 v29, v28;
	v27 =	vmul.f32 v27, v30;
	v36 =	vsub.f32 v36, v37;
	v29 =	vld.idx.msk [tilespmem:v20+s28+$0x0 ss:$0x1], $0xffff  }
0x1e5: {  	v30 =	vmul.f32 v31, v32;
	v37 =	vld.idx.msk [tilespmem:v21+s28+$0x10 ss:$0x1], $0xffff  }
0x1e6: {  	v27 =	vadd.f32 v28, v27;
	v26 =	vmul.f32 v36, v26;
	v28 =	vmul.f32 v33, v34;
	v36 =	vld.idx.msk [tilespmem:v19+s28+$0x0 ss:$0x1], $0xffff  }
0x1e7: {  	v32 =	vmul.f32 v33, v32;
	v31 =	vmul.f32 v31, v34;
	v33 =	vld.idx.msk [tilespmem:v18+s28+$0x10 ss:$0x1], $0xffff  }
0x1e8: {  	v25 =	vmul.f32 v27, v25;
	v26 =	vadd.f32 $0.0e+00, v26;
	v27 =	vsub.f32 v30, v28;
	v28 =	vld.idx.msk [tilespmem:v17+s28+$0xFFFFFFF0 ss:$0x1], $0xffff  }
0x1e9: {  	v30 =	vmul.f32 v23, v35;
	v34 =	vmul.f32 v38, v39  }
0x1ea: {  	v25 =	vadd.f32 v26, v25;
	v24 =	vmul.f32 v27, v24;
	v26 =	vadd.f32 v32, v31;
	v27 =	vld.idx.msk [tilespmem:v16+s28+$0xFFFFFFF0 ss:$0x1], $0xffff  }
0x1eb: {  	v23 =	vmul.f32 v23, v39;
	v31 =	vmul.f32 v38, v35  }
0x1ec: {  	v24 =	vadd.f32 v24, v25;
	v22 =	vmul.f32 v26, v22;
	v25 =	vsub.f32 v30, v34;
	v26 =	vld.idx.msk [tilespmem:v17+s28+$0x0 ss:$0x1], $0xffff  }
0x1ed: {  	v30 =	vmul.f32 v29, v37;
	v32 =	vmul.f32 v36, v33  }
0x1ee: {  	v23 =	vadd.f32 v31, v23;
	v22 =	vadd.f32 v24, v22;
	v24 =	vmul.f32 v25, v28;
	v25 =	vld.idx.msk [tilespmem:v16+s28+$0x0 ss:$0x1], $0xffff  }
0x1ef: {  	v29 =	vmul.f32 v29, v33;
	v28 =	vmul.f32 v36, v37  }
0x1f0: {  	v22 =	vadd.f32 v24, v22;
	v23 =	vmul.f32 v23, v27;
	v24 =	vsub.f32 v30, v32;
	_ =	sdelay $0x1  }
0x1f1: {  	v22 =	vadd.f32 v22, v23;
	v23 =	vmul.f32 v24, v26;
	v24 =	vadd.f32 v28, v29;
	_ =	sdelay $0x1  }
0x1f2: {  	v22 =	vadd.f32 v23, v22;
	v23 =	vmul.f32 v24, v25;
	_ =	sdelay $0x1  }
0x1f3: {  	v22 =	vadd.f32 v22, v23  }
0x1f4: {  	s10 =	sadd.s32 $0x10, s10  }
0x1f5: {  	s28 =	sshra.s32 s11, $0x2;
	[tilespmem:s10+$0x0] =	vst v22  }
0x1f6: {  	v22 =	vld.idx.msk [tilespmem:v16+s28+$0xFFFFFFE0 ss:$0x1], $0xffff  }
0x1f7: {  	v24 =	vld.idx.msk [tilespmem:v17+s28+$0xFFFFFFE0 ss:$0x1], $0xffff  }
0x1f8: {  	v25 =	vld.idx.msk [tilespmem:v16+s28+$0xFFFFFFD0 ss:$0x1], $0xffff  }
.Ltmp4:
0x1f9: {  	v26 =	vld.idx.msk [tilespmem:v17+s28+$0xFFFFFFD0 ss:$0x1], $0xffff;
	(pc) =	sbr.rel @p0 .LBB2_11-.Ltmp4, $4  }
0x1fa: {  	v23 =	vld.idx.msk [tilespmem:v20+s28+$0xFFFFFFF0 ss:$0x1], $0xffff  }
0x1fb: {  	v27 =	vld.idx.msk [tilespmem:v20+s28+$0xFFFFFFD0 ss:$0x1], $0xffff  }
0x1fc: {  	v28 =	vld.idx.msk [tilespmem:v21+s28+$0xFFFFFFE0 ss:$0x1], $0xffff  }
0x1fd: {  	s11 =	sadd.s32 $0x100, s11;
	v29 =	vld.idx.msk [tilespmem:v19+s28+$0xFFFFFFD0 ss:$0x1], $0xffff  }
0x1fe: {  	_ =	sdelay $0x3  }
0x1ff: {  	v30 =	vld.idx.msk [tilespmem:v18+s28+$0xFFFFFFE0 ss:$0x1], $0xffff  }
0x200: {  	v31 =	vld.idx.msk [tilespmem:v20+s28+$0xFFFFFFE0 ss:$0x1], $0xffff  }
0x201: {  	v32 =	vld.idx.msk [tilespmem:v21+s28+$0xFFFFFFF0 ss:$0x1], $0xffff  }
0x202: {  	v33 =	vld.idx.msk [tilespmem:v19+s28+$0xFFFFFFE0 ss:$0x1], $0xffff  }
0x203: {  	v34 =	vld.idx.msk [tilespmem:v18+s28+$0xFFFFFFF0 ss:$0x1], $0xffff  }
0x204: {  	v35 =	vld.idx.msk [tilespmem:v21+s28+$0x0 ss:$0x1], $0xffff;
	v36 =	vmul.f32 v27, v28;
	v37 =	vmul.f32 v29, v30  }
0x205: {  	v38 =	vld.idx.msk [tilespmem:v19+s28+$0xFFFFFFF0 ss:$0x1], $0xffff  }
0x206: {  	v39 =	vld.idx.msk [tilespmem:v18+s28+$0x0 ss:$0x1], $0xffff;
	v56 =	vmul.f32 v29, v28;
	v57 =	vmul.f32 v27, v30;
	v36 =	vsub.f32 v36, v37  }
0x207: {  	v58 =	vld.idx.msk [tilespmem:v20+s28+$0x0 ss:$0x1], $0xffff;
	v59 =	vmul.f32 v31, v32  }
0x208: {  	v60 =	vld.idx.msk [tilespmem:v21+s28+$0x10 ss:$0x1], $0xffff;
	v61 =	vmul.f32 v33, v34;
	v27 =	vadd.f32 v56, v57;
	v26 =	vmul.f32 v36, v26  }
0x209: {  	v62 =	vld.idx.msk [tilespmem:v19+s28+$0x0 ss:$0x1], $0xffff;
	v63 =	vmul.f32 v33, v32;
	v31 =	vmul.f32 v31, v34  }
0x20a: {  	v40 =	vld.idx.msk [tilespmem:v17+s28+$0xFFFFFFF0 ss:$0x1], $0xffff;
	v37 =	vsub.f32 v59, v61;
	v25 =	vmul.f32 v27, v25;
	v26 =	vadd.f32 $0.0e+00, v26  }
0x20b: {  	v41 =	vmul.f32 v23, v35;
	v42 =	vmul.f32 v38, v39;
	v36 =	vld.idx.msk [tilespmem:v18+s28+$0x10 ss:$0x1], $0xffff  }
0x20c: {  	v44 =	vld.idx.msk [tilespmem:v16+s28+$0xFFFFFFF0 ss:$0x1], $0xffff;
	v43 =	vadd.f32 v63, v31;
	v24 =	vmul.f32 v37, v24;
	v25 =	vadd.f32 v26, v25  }
0x20d: {  	v45 =	vmul.f32 v38, v35;
	v46 =	vmul.f32 v23, v39  }
0x20e: {  	v47 =	vsub.f32 v41, v42;
	v22 =	vmul.f32 v43, v22;
	v24 =	vadd.f32 v24, v25  }
0x20f: {  	v17 =	vld.idx.msk [tilespmem:v17+s28+$0x0 ss:$0x1], $0xffff;
	v48 =	vmul.f32 v58, v60;
	v23 =	vadd.f32 v45, v46  }
0x210: {  	v50 =	vmul.f32 v47, v40;
	v49 =	vmul.f32 v62, v36;
	v22 =	vadd.f32 v24, v22  }
0x211: {  	v16 =	vld.idx.msk [tilespmem:v16+s28+$0x0 ss:$0x1], $0xffff;
	v19 =	vmul.f32 v62, v60;
	v52 =	vmul.f32 v23, v44  }
0x212: {  	v18 =	vmul.f32 v58, v36;
	v53 =	vsub.f32 v48, v49;
	v51 =	vadd.f32 v50, v22;
	_ =	sdelay $0x1  }
0x213: {  	v18 =	vadd.f32 v19, v18;
	v17 =	vmul.f32 v53, v17;
	v20 =	vadd.f32 v51, v52;
	_ =	sdelay $0x1  }
0x214: {  	v16 =	vmul.f32 v18, v16;
	v17 =	vadd.f32 v17, v20;
	_ =	sdelay $0x1  }
0x215: {  	v16 =	vadd.f32 v17, v16  }
0x216: {  	s10 =	sadd.s32 $0x10, s10  }
0x217: {  	[tilespmem:s10+$0x0] =	vst v16  }
0x218: {  	v16 =	vld.idx.msk [tilespmem:v0+s0+$0x0], $0xffff;
	_ =	sdelay $0x1  }
0x219: {  	v17 =	vld.idx.msk [tilespmem:v1+s0+$0x0], $0xffff;
	_ =	sdelay $0x1  }
0x21a: {  	v54 =	vld.idx.msk [tilespmem:v2+s0+$0x0], $0xffff  }
0x21b: {  	v16 =	vadd.f32 $0.0e+00, v16  }
0x21c: {  	v55 =	vld.idx.msk [tilespmem:v3+s0+$0x0], $0xffff  }
0x21d: {  	v16 =	vadd.f32 v17, v16  }
0x21e: {  	v17 =	vld.idx.msk [tilespmem:v4+s0+$0x0], $0xffff  }
0x21f: {  	v16 =	vadd.f32 v54, v16  }
0x220: {  	v56 =	vld.idx.msk [tilespmem:v5+s0+$0x0], $0xffff  }
0x221: {  	v16 =	vadd.f32 v55, v16  }
0x222: {  	v57 =	vld.idx.msk [tilespmem:v6+s0+$0x0], $0xffff  }
0x223: {  	v16 =	vadd.f32 v17, v16  }
0x224: {  	v17 =	vld.idx.msk [tilespmem:v7+s0+$0x0], $0xffff  }
0x225: {  	v16 =	vadd.f32 v56, v16  }
0x226: {  	v58 =	vld.idx.msk [tilespmem:v8+s0+$0x0], $0xffff  }
0x227: {  	v16 =	vadd.f32 v57, v16  }
0x228: {  	v59 =	vld.idx.msk [tilespmem:v9+s0+$0x0], $0xffff  }
0x229: {  	v16 =	vadd.f32 v17, v16  }
0x22a: {  	v17 =	vld.idx.msk [tilespmem:v10+s0+$0x0], $0xffff  }
0x22b: {  	v16 =	vadd.f32 v58, v16  }
0x22c: {  	v60 =	vld.idx.msk [tilespmem:v11+s0+$0x0], $0xffff  }
0x22d: {  	v16 =	vadd.f32 v59, v16  }
0x22e: {  	v61 =	vld.idx.msk [tilespmem:v12+s0+$0x0], $0xffff  }
0x22f: {  	v16 =	vadd.f32 v17, v16  }
0x230: {  	v17 =	vld.idx.msk [tilespmem:v13+s0+$0x0], $0xffff  }
0x231: {  	v16 =	vadd.f32 v60, v16  }
0x232: {  	v62 =	vld.idx.msk [tilespmem:v14+s0+$0x0], $0xffff  }
0x233: {  	v16 =	vadd.f32 v61, v16  }
0x234: {  	v63 =	vld.idx.msk [tilespmem:v15+s0+$0x0], $0xffff  }
0x235: {  	v16 =	vadd.f32 v17, v16;
	_ =	sdelay $0x1  }
0x236: {  	v16 =	vadd.f32 v62, v16;
	_ =	sdelay $0x1  }
0x237: {  	v16 =	vadd.f32 v63, v16;
	_ =	sdelay $0x1  }
0x238: {  	v16 =	vsub.f32 $0.0e+00, v16;
	_ =	sdelay $0x1  }
0x239: {  	v16 =	vmul.f32 $1.442695020e+00, v16;
	_ =	sdelay $0x1  }
0x23a: {  	(erf) = vpow2.f32 v16;
	_ =	sdelay $0x8  }
0x23b: {  	v16 =	vpop (erf)  }
0x23c: {  	v16 =	vadd.f32 $1.000000000e+00, v16;
	_ =	sdelay $0x1  }
0x23d: {  	(erf) = vrcp.f32 v16;
	_ =	sdelay $0x3  }
0x23e: {  	s28 =	sshll.u32 s23, $0x4;
	s23 =	sadd.s32 $0x1, s23  }
0x23f: {  	p0 =	sne.s32 s23, $0x8  }
.Ltmp5:
0x240: {  	_ = 	snop;
	(pc) =	sbr.rel @p0 .LBB2_10-.Ltmp5, $4  }
0x241: {  	_ = 	snop  }
0x242: {  	s24 =	sadd.s32 $0x400, s24  }
0x243: {  	s25 =	sadd.s32 $0x400, s25;
	s7 =	sadd.s32 $0x400, s7;
	s10 =	sand.u32 $0x3FFFFFF0, s28;
	v16 =	vpop (erf)  }
0x244: {  	s8 =	sadd.s32 $0x400, s8;
	s9 =	sadd.s32 $0x400, s9;
	s26 =	sadd.s32 $0x400, s26;
	[tilespmem:s10+$0x18800] =	vst v16  }
0x245: {  	_ =	swait.ge [sflag:s18], $0x2000  }
0x246: {  	[sflag:s18] =	ssyncset.done $0x0  }
0x247: {  	[sflag:s18] =	ssyncadd.s32 $0xFFFFE000  }
0x248: {  	_ =	swait.ge [sflag:s18], $0x2000  }
0x249: {  	[sflag:s18] =	ssyncset.done $0x0  }
0x24a: {  	[sflag:s18] =	ssyncadd.s32 $0xFFFFE000  }
0x24b: {  	_ =	swait.ge [sflag:s18], $0x2000  }
0x24c: {  	[sflag:s18] =	ssyncset.done $0x0  }
0x24d: {  	[sflag:s18] =	ssyncadd.s32 $0xFFFFE000  }
0x24e: {  	_ =	swait.ge [sflag:s18], $0x2000  }
0x24f: {  	[sflag:s18] =	ssyncset.done $0x0  }
0x250: {  	[sflag:s18] =	ssyncadd.s32 $0xFFFFE000  }
0x251: {  	_ =	swait.ge [sflag:s18], $0x2000  }
0x252: {  	[sflag:s18] =	ssyncset.done $0x0  }
0x253: {  	s23 =	simm.s32 $0x0;
	[sflag:s18] =	ssyncadd.s32 $0xFFFFE000  }
0x254: {  	s24 =	simm.s32 $0xE620;
	s25 =	simm.s32 $0x10630;
	_ =	swait.ge [sflag:s18], $0x2000  }
0x255: {  	s7 =	simm.s32 $0x12630;
	s8 =	simm.s32 $0x14630;
	[sflag:s18] =	ssyncset.done $0x0  }
0x256: {  	s9 =	simm.s32 $0x16630;
	s26 =	simm.s32 $0xC620;
	[sflag:s18] =	ssyncadd.s32 $0xFFFFE000  }
.LBB2_14:
0x257: {  	v16 =	vmov s9  }
0x258: {  	v17 =	vmov s8;
	_ =	sdelay $0x2  }
0x259: {  	v20 =	vmov s25;
	s10 =	simm.s32 $0x0  }
0x25a: {  	v22 =	vld.idx.msk [tilespmem:v16+s10+$0xFFFFFFE0 ss:$0x1], $0xffff  }
0x25b: {  	v21 =	vmov s26;
	v23 =	vld.idx.msk [tilespmem:v17+s10+$0xFFFFFFE0 ss:$0x1], $0xffff  }
0x25c: {  	v19 =	vmov s7;
	v24 =	vld.idx.msk [tilespmem:v16+s10+$0xFFFFFFD0 ss:$0x1], $0xffff  }
0x25d: {  	v18 =	vmov s24;
	v25 =	vld.idx.msk [tilespmem:v17+s10+$0xFFFFFFD0 ss:$0x1], $0xffff  }
0x25e: {  	v26 =	vld.idx.msk [tilespmem:v20+s10+$0xFFFFFFF0 ss:$0x1], $0xffff  }
0x25f: {  	v27 =	vld.idx.msk [tilespmem:v20+s10+$0xFFFFFFD0 ss:$0x1], $0xffff  }
0x260: {  	v28 =	vld.idx.msk [tilespmem:v21+s10+$0xFFFFFFE0 ss:$0x1], $0xffff  }
0x261: {  	v29 =	vld.idx.msk [tilespmem:v19+s10+$0xFFFFFFD0 ss:$0x1], $0xffff  }
0x262: {  	v30 =	vld.idx.msk [tilespmem:v18+s10+$0xFFFFFFE0 ss:$0x1], $0xffff  }
0x263: {  	v31 =	vld.idx.msk [tilespmem:v20+s10+$0xFFFFFFE0 ss:$0x1], $0xffff  }
0x264: {  	v32 =	vld.idx.msk [tilespmem:v21+s10+$0xFFFFFFF0 ss:$0x1], $0xffff  }
0x265: {  	v33 =	vld.idx.msk [tilespmem:v19+s10+$0xFFFFFFE0 ss:$0x1], $0xffff  }
0x266: {  	v34 =	vld.idx.msk [tilespmem:v18+s10+$0xFFFFFFF0 ss:$0x1], $0xffff  }
0x267: {  	v35 =	vld.idx.msk [tilespmem:v21+s10+$0x0 ss:$0x1], $0xffff;
	v36 =	vmul.f32 v27, v28;
	v37 =	vmul.f32 v29, v30  }
0x268: {  	v38 =	vld.idx.msk [tilespmem:v19+s10+$0xFFFFFFF0 ss:$0x1], $0xffff  }
0x269: {  	v39 =	vld.idx.msk [tilespmem:v18+s10+$0x0 ss:$0x1], $0xffff;
	v28 =	vmul.f32 v29, v28;
	v27 =	vmul.f32 v27, v30;
	v36 =	vsub.f32 v36, v37  }
0x26a: {  	v59 =	vld.idx.msk [tilespmem:v21+s10+$0x10 ss:$0x1], $0xffff;
	v30 =	vmul.f32 v31, v32  }
0x26b: {  	v60 =	vld.idx.msk [tilespmem:v19+s10+$0x0 ss:$0x1], $0xffff;
	v27 =	vadd.f32 v28, v27;
	v28 =	vmul.f32 v33, v34;
	v25 =	vmul.f32 v36, v25  }
0x26c: {  	v61 =	vld.idx.msk [tilespmem:v18+s10+$0x10 ss:$0x1], $0xffff;
	v32 =	vmul.f32 v33, v32;
	v31 =	vmul.f32 v31, v34  }
0x26d: {  	v29 =	vld.idx.msk [tilespmem:v20+s10+$0x0 ss:$0x1], $0xffff;
	v24 =	vmul.f32 v27, v24;
	v27 =	vsub.f32 v30, v28;
	v25 =	vadd.f32 $0.0e+00, v25  }
0x26e: {  	v62 =	vmul.f32 v38, v39;
	v28 =	vld.idx.msk [tilespmem:v17+s10+$0xFFFFFFF0 ss:$0x1], $0xffff;
	v30 =	vmul.f32 v26, v35  }
0x26f: {  	v23 =	vmul.f32 v27, v23;
	v24 =	vadd.f32 v25, v24;
	v25 =	vadd.f32 v32, v31  }
0x270: {  	v26 =	vmul.f32 v26, v39;
	v27 =	vld.idx.msk [tilespmem:v16+s10+$0xFFFFFFF0 ss:$0x1], $0xffff;
	v31 =	vmul.f32 v38, v35  }
0x271: {  	v23 =	vadd.f32 v23, v24;
	v22 =	vmul.f32 v25, v22;
	v24 =	vsub.f32 v30, v62  }
0x272: {  	v63 =	vmul.f32 v60, v61;
	v25 =	vld.idx.msk [tilespmem:v17+s10+$0x0 ss:$0x1], $0xffff;
	v30 =	vmul.f32 v29, v59  }
0x273: {  	v22 =	vadd.f32 v23, v22;
	v23 =	vmul.f32 v24, v28;
	v24 =	vadd.f32 v31, v26  }
0x274: {  	v29 =	vmul.f32 v29, v61;
	v26 =	vld.idx.msk [tilespmem:v16+s10+$0x0 ss:$0x1], $0xffff;
	v28 =	vmul.f32 v60, v59  }
0x275: {  	v22 =	vadd.f32 v23, v22;
	v23 =	vmul.f32 v24, v27;
	v24 =	vsub.f32 v30, v63;
	_ =	sdelay $0x1  }
0x276: {  	v22 =	vadd.f32 v22, v23;
	v23 =	vmul.f32 v24, v25;
	v24 =	vadd.f32 v28, v29;
	_ =	sdelay $0x1  }
0x277: {  	v22 =	vadd.f32 v23, v22;
	v23 =	vmul.f32 v24, v26;
	_ =	sdelay $0x1  }
0x278: {  	v22 =	vadd.f32 v22, v23  }
0x279: {  	s10 =	simm.s32 $0x18600  }
0x27a: {  	s28 =	simm.s32 $0x40;
	[tilespmem:s10+$0x0] =	vst v22  }
0x27b: {  	v22 =	vld.idx.msk [tilespmem:v16+s28+$0xFFFFFFE0 ss:$0x1], $0xffff  }
0x27c: {  	v24 =	vld.idx.msk [tilespmem:v17+s28+$0xFFFFFFE0 ss:$0x1], $0xffff  }
0x27d: {  	v25 =	vld.idx.msk [tilespmem:v16+s28+$0xFFFFFFD0 ss:$0x1], $0xffff  }
0x27e: {  	v26 =	vld.idx.msk [tilespmem:v17+s28+$0xFFFFFFD0 ss:$0x1], $0xffff  }
0x27f: {  	v23 =	vld.idx.msk [tilespmem:v20+s28+$0xFFFFFFF0 ss:$0x1], $0xffff  }
0x280: {  	v27 =	vld.idx.msk [tilespmem:v20+s28+$0xFFFFFFD0 ss:$0x1], $0xffff  }
0x281: {  	v28 =	vld.idx.msk [tilespmem:v21+s28+$0xFFFFFFE0 ss:$0x1], $0xffff  }
0x282: {  	s11 =	simm.s32 $0x200;
	v29 =	vld.idx.msk [tilespmem:v19+s28+$0xFFFFFFD0 ss:$0x1], $0xffff  }
.LBB2_15:
0x283: {  	p0 =	sne.s32 s11, $0xF00;
	v30 =	vld.idx.msk [tilespmem:v18+s28+$0xFFFFFFE0 ss:$0x1], $0xffff  }
0x284: {  	v31 =	vld.idx.msk [tilespmem:v20+s28+$0xFFFFFFE0 ss:$0x1], $0xffff  }
0x285: {  	v32 =	vld.idx.msk [tilespmem:v21+s28+$0xFFFFFFF0 ss:$0x1], $0xffff  }
0x286: {  	v33 =	vld.idx.msk [tilespmem:v19+s28+$0xFFFFFFE0 ss:$0x1], $0xffff  }
0x287: {  	v34 =	vld.idx.msk [tilespmem:v18+s28+$0xFFFFFFF0 ss:$0x1], $0xffff  }
0x288: {  	v35 =	vld.idx.msk [tilespmem:v21+s28+$0x0 ss:$0x1], $0xffff  }
0x289: {  	v36 =	vmul.f32 v27, v28;
	v37 =	vmul.f32 v29, v30;
	v38 =	vld.idx.msk [tilespmem:v19+s28+$0xFFFFFFF0 ss:$0x1], $0xffff  }
0x28a: {  	v39 =	vld.idx.msk [tilespmem:v18+s28+$0x0 ss:$0x1], $0xffff  }
0x28b: {  	v28 =	vmul.f32 v29, v28;
	v27 =	vmul.f32 v27, v30;
	v36 =	vsub.f32 v36, v37;
	v29 =	vld.idx.msk [tilespmem:v20+s28+$0x0 ss:$0x1], $0xffff  }
0x28c: {  	v30 =	vmul.f32 v31, v32;
	v37 =	vld.idx.msk [tilespmem:v21+s28+$0x10 ss:$0x1], $0xffff  }
0x28d: {  	v27 =	vadd.f32 v28, v27;
	v26 =	vmul.f32 v36, v26;
	v28 =	vmul.f32 v33, v34;
	v36 =	vld.idx.msk [tilespmem:v19+s28+$0x0 ss:$0x1], $0xffff  }
0x28e: {  	v32 =	vmul.f32 v33, v32;
	v31 =	vmul.f32 v31, v34;
	v33 =	vld.idx.msk [tilespmem:v18+s28+$0x10 ss:$0x1], $0xffff  }
0x28f: {  	v25 =	vmul.f32 v27, v25;
	v26 =	vadd.f32 $0.0e+00, v26;
	v27 =	vsub.f32 v30, v28;
	v28 =	vld.idx.msk [tilespmem:v17+s28+$0xFFFFFFF0 ss:$0x1], $0xffff  }
0x290: {  	v30 =	vmul.f32 v23, v35;
	v34 =	vmul.f32 v38, v39  }
0x291: {  	v25 =	vadd.f32 v26, v25;
	v24 =	vmul.f32 v27, v24;
	v26 =	vadd.f32 v32, v31;
	v27 =	vld.idx.msk [tilespmem:v16+s28+$0xFFFFFFF0 ss:$0x1], $0xffff  }
0x292: {  	v23 =	vmul.f32 v23, v39;
	v31 =	vmul.f32 v38, v35  }
0x293: {  	v24 =	vadd.f32 v24, v25;
	v22 =	vmul.f32 v26, v22;
	v25 =	vsub.f32 v30, v34;
	v26 =	vld.idx.msk [tilespmem:v17+s28+$0x0 ss:$0x1], $0xffff  }
0x294: {  	v30 =	vmul.f32 v29, v37;
	v32 =	vmul.f32 v36, v33  }
0x295: {  	v23 =	vadd.f32 v31, v23;
	v22 =	vadd.f32 v24, v22;
	v24 =	vmul.f32 v25, v28;
	v25 =	vld.idx.msk [tilespmem:v16+s28+$0x0 ss:$0x1], $0xffff  }
0x296: {  	v29 =	vmul.f32 v29, v33;
	v28 =	vmul.f32 v36, v37  }
0x297: {  	v22 =	vadd.f32 v24, v22;
	v23 =	vmul.f32 v23, v27;
	v24 =	vsub.f32 v30, v32;
	_ =	sdelay $0x1  }
0x298: {  	v22 =	vadd.f32 v22, v23;
	v23 =	vmul.f32 v24, v26;
	v24 =	vadd.f32 v28, v29;
	_ =	sdelay $0x1  }
0x299: {  	v22 =	vadd.f32 v23, v22;
	v23 =	vmul.f32 v24, v25;
	_ =	sdelay $0x1  }
0x29a: {  	v22 =	vadd.f32 v22, v23  }
0x29b: {  	s10 =	sadd.s32 $0x10, s10  }
0x29c: {  	s28 =	sshra.s32 s11, $0x2;
	[tilespmem:s10+$0x0] =	vst v22  }
0x29d: {  	v22 =	vld.idx.msk [tilespmem:v16+s28+$0xFFFFFFE0 ss:$0x1], $0xffff  }
0x29e: {  	v24 =	vld.idx.msk [tilespmem:v17+s28+$0xFFFFFFE0 ss:$0x1], $0xffff  }
0x29f: {  	v25 =	vld.idx.msk [tilespmem:v16+s28+$0xFFFFFFD0 ss:$0x1], $0xffff  }
.Ltmp6:
0x2a0: {  	v26 =	vld.idx.msk [tilespmem:v17+s28+$0xFFFFFFD0 ss:$0x1], $0xffff;
	(pc) =	sbr.rel @p0 .LBB2_15-.Ltmp6, $4  }
0x2a1: {  	v23 =	vld.idx.msk [tilespmem:v20+s28+$0xFFFFFFF0 ss:$0x1], $0xffff  }
0x2a2: {  	v27 =	vld.idx.msk [tilespmem:v20+s28+$0xFFFFFFD0 ss:$0x1], $0xffff  }
0x2a3: {  	v28 =	vld.idx.msk [tilespmem:v21+s28+$0xFFFFFFE0 ss:$0x1], $0xffff  }
0x2a4: {  	s11 =	sadd.s32 $0x100, s11;
	v29 =	vld.idx.msk [tilespmem:v19+s28+$0xFFFFFFD0 ss:$0x1], $0xffff  }
0x2a5: {  	_ =	sdelay $0x3  }
0x2a6: {  	v30 =	vld.idx.msk [tilespmem:v18+s28+$0xFFFFFFE0 ss:$0x1], $0xffff  }
0x2a7: {  	v31 =	vld.idx.msk [tilespmem:v20+s28+$0xFFFFFFE0 ss:$0x1], $0xffff  }
0x2a8: {  	v32 =	vld.idx.msk [tilespmem:v21+s28+$0xFFFFFFF0 ss:$0x1], $0xffff  }
0x2a9: {  	v33 =	vld.idx.msk [tilespmem:v19+s28+$0xFFFFFFE0 ss:$0x1], $0xffff  }
0x2aa: {  	v34 =	vld.idx.msk [tilespmem:v18+s28+$0xFFFFFFF0 ss:$0x1], $0xffff  }
0x2ab: {  	v35 =	vld.idx.msk [tilespmem:v21+s28+$0x0 ss:$0x1], $0xffff;
	v36 =	vmul.f32 v27, v28;
	v37 =	vmul.f32 v29, v30  }
0x2ac: {  	v38 =	vld.idx.msk [tilespmem:v19+s28+$0xFFFFFFF0 ss:$0x1], $0xffff  }
0x2ad: {  	v39 =	vld.idx.msk [tilespmem:v18+s28+$0x0 ss:$0x1], $0xffff;
	v56 =	vmul.f32 v29, v28;
	v57 =	vmul.f32 v27, v30;
	v36 =	vsub.f32 v36, v37  }
0x2ae: {  	v58 =	vld.idx.msk [tilespmem:v20+s28+$0x0 ss:$0x1], $0xffff;
	v59 =	vmul.f32 v31, v32  }
0x2af: {  	v60 =	vld.idx.msk [tilespmem:v21+s28+$0x10 ss:$0x1], $0xffff;
	v61 =	vmul.f32 v33, v34;
	v27 =	vadd.f32 v56, v57;
	v26 =	vmul.f32 v36, v26  }
0x2b0: {  	v62 =	vld.idx.msk [tilespmem:v19+s28+$0x0 ss:$0x1], $0xffff;
	v63 =	vmul.f32 v33, v32;
	v31 =	vmul.f32 v31, v34  }
0x2b1: {  	v40 =	vld.idx.msk [tilespmem:v17+s28+$0xFFFFFFF0 ss:$0x1], $0xffff;
	v37 =	vsub.f32 v59, v61;
	v25 =	vmul.f32 v27, v25;
	v26 =	vadd.f32 $0.0e+00, v26  }
0x2b2: {  	v41 =	vmul.f32 v23, v35;
	v42 =	vmul.f32 v38, v39;
	v36 =	vld.idx.msk [tilespmem:v18+s28+$0x10 ss:$0x1], $0xffff  }
0x2b3: {  	v44 =	vld.idx.msk [tilespmem:v16+s28+$0xFFFFFFF0 ss:$0x1], $0xffff;
	v43 =	vadd.f32 v63, v31;
	v24 =	vmul.f32 v37, v24;
	v25 =	vadd.f32 v26, v25  }
0x2b4: {  	v45 =	vmul.f32 v38, v35;
	v46 =	vmul.f32 v23, v39  }
0x2b5: {  	v47 =	vsub.f32 v41, v42;
	v22 =	vmul.f32 v43, v22;
	v24 =	vadd.f32 v24, v25  }
0x2b6: {  	v17 =	vld.idx.msk [tilespmem:v17+s28+$0x0 ss:$0x1], $0xffff;
	v48 =	vmul.f32 v58, v60;
	v23 =	vadd.f32 v45, v46  }
0x2b7: {  	v50 =	vmul.f32 v47, v40;
	v49 =	vmul.f32 v62, v36;
	v22 =	vadd.f32 v24, v22  }
0x2b8: {  	v16 =	vld.idx.msk [tilespmem:v16+s28+$0x0 ss:$0x1], $0xffff;
	v19 =	vmul.f32 v62, v60;
	v52 =	vmul.f32 v23, v44  }
0x2b9: {  	v18 =	vmul.f32 v58, v36;
	v53 =	vsub.f32 v48, v49;
	v51 =	vadd.f32 v50, v22;
	_ =	sdelay $0x1  }
0x2ba: {  	v18 =	vadd.f32 v19, v18;
	v17 =	vmul.f32 v53, v17;
	v20 =	vadd.f32 v51, v52;
	_ =	sdelay $0x1  }
0x2bb: {  	v16 =	vmul.f32 v18, v16;
	v17 =	vadd.f32 v17, v20;
	_ =	sdelay $0x1  }
0x2bc: {  	v16 =	vadd.f32 v17, v16  }
0x2bd: {  	s10 =	sadd.s32 $0x10, s10  }
0x2be: {  	[tilespmem:s10+$0x0] =	vst v16  }
0x2bf: {  	v16 =	vld.idx.msk [tilespmem:v0+s0+$0x0], $0xffff;
	_ =	sdelay $0x1  }
0x2c0: {  	v17 =	vld.idx.msk [tilespmem:v1+s0+$0x0], $0xffff;
	_ =	sdelay $0x1  }
0x2c1: {  	v54 =	vld.idx.msk [tilespmem:v2+s0+$0x0], $0xffff  }
0x2c2: {  	v16 =	vadd.f32 $0.0e+00, v16  }
0x2c3: {  	v55 =	vld.idx.msk [tilespmem:v3+s0+$0x0], $0xffff  }
0x2c4: {  	v16 =	vadd.f32 v17, v16  }
0x2c5: {  	v17 =	vld.idx.msk [tilespmem:v4+s0+$0x0], $0xffff  }
0x2c6: {  	v16 =	vadd.f32 v54, v16  }
0x2c7: {  	v56 =	vld.idx.msk [tilespmem:v5+s0+$0x0], $0xffff  }
0x2c8: {  	v16 =	vadd.f32 v55, v16  }
0x2c9: {  	v57 =	vld.idx.msk [tilespmem:v6+s0+$0x0], $0xffff  }
0x2ca: {  	v16 =	vadd.f32 v17, v16  }
0x2cb: {  	v17 =	vld.idx.msk [tilespmem:v7+s0+$0x0], $0xffff  }
0x2cc: {  	v16 =	vadd.f32 v56, v16  }
0x2cd: {  	v58 =	vld.idx.msk [tilespmem:v8+s0+$0x0], $0xffff  }
0x2ce: {  	v16 =	vadd.f32 v57, v16  }
0x2cf: {  	v59 =	vld.idx.msk [tilespmem:v9+s0+$0x0], $0xffff  }
0x2d0: {  	v16 =	vadd.f32 v17, v16  }
0x2d1: {  	v17 =	vld.idx.msk [tilespmem:v10+s0+$0x0], $0xffff  }
0x2d2: {  	v16 =	vadd.f32 v58, v16  }
0x2d3: {  	v60 =	vld.idx.msk [tilespmem:v11+s0+$0x0], $0xffff  }
0x2d4: {  	v16 =	vadd.f32 v59, v16  }
0x2d5: {  	v61 =	vld.idx.msk [tilespmem:v12+s0+$0x0], $0xffff  }
0x2d6: {  	v16 =	vadd.f32 v17, v16  }
0x2d7: {  	v17 =	vld.idx.msk [tilespmem:v13+s0+$0x0], $0xffff  }
0x2d8: {  	v16 =	vadd.f32 v60, v16  }
0x2d9: {  	v62 =	vld.idx.msk [tilespmem:v14+s0+$0x0], $0xffff  }
0x2da: {  	v16 =	vadd.f32 v61, v16  }
0x2db: {  	v63 =	vld.idx.msk [tilespmem:v15+s0+$0x0], $0xffff  }
0x2dc: {  	v16 =	vadd.f32 v17, v16;
	_ =	sdelay $0x1  }
0x2dd: {  	v16 =	vadd.f32 v62, v16;
	_ =	sdelay $0x1  }
0x2de: {  	v16 =	vadd.f32 v63, v16;
	_ =	sdelay $0x1  }
0x2df: {  	v16 =	vsub.f32 $0.0e+00, v16;
	_ =	sdelay $0x1  }
0x2e0: {  	v16 =	vmul.f32 $1.442695020e+00, v16;
	_ =	sdelay $0x1  }
0x2e1: {  	(erf) = vpow2.f32 v16;
	_ =	sdelay $0x8  }
0x2e2: {  	v16 =	vpop (erf)  }
0x2e3: {  	v16 =	vadd.f32 $1.000000000e+00, v16;
	_ =	sdelay $0x1  }
0x2e4: {  	(erf) = vrcp.f32 v16;
	_ =	sdelay $0x3  }
0x2e5: {  	s28 =	sshll.u32 s23, $0x4;
	s23 =	sadd.s32 $0x1, s23  }
0x2e6: {  	p0 =	sne.s32 s23, $0x8  }
.Ltmp7:
0x2e7: {  	_ = 	snop;
	(pc) =	sbr.rel @p0 .LBB2_14-.Ltmp7, $4  }
0x2e8: {  	_ = 	snop  }
0x2e9: {  	s24 =	sadd.s32 $0x400, s24  }
0x2ea: {  	s25 =	sadd.s32 $0x400, s25;
	s7 =	sadd.s32 $0x400, s7;
	s10 =	sand.u32 $0x3FFFFFF0, s28;
	v16 =	vpop (erf)  }
0x2eb: {  	s8 =	sadd.s32 $0x400, s8;
	s9 =	sadd.s32 $0x400, s9;
	s26 =	sadd.s32 $0x400, s26;
	[tilespmem:s10+$0x18880] =	vst v16  }
0x2ec: {  	s7 =	rddreg [dreg:$0x9];
	s8 =	simm.s32 $0x18700  }
0x2ed: {  	[hbm4b:s7+s1] =	stream.linear.scatter [tilespmem:s8], [sflag:$0x3], $0x200, $0x38;
	[tilespmem:$0x18900] =	vst v63  }
0x2ee: {  	_ =	swait.ge [sflag:s12], $0x200  }
0x2ef: {  	s22 =	sadd.s32 $0x1, s22;
	s28 =	rddreg [dreg:$0xa]  }
0x2f0: {  	p0 =	sne.s32 s22, s28  }
.Ltmp8:
0x2f1: {  	_ = 	snop;
	(pc) =	sbr.rel @p0 .LBB2_1-.Ltmp8, $3  }
0x2f2: {  	_ =	sdelay $0x1  }
0x2f3: {  	[sflag:s12] =	ssyncset.done $0x0  }
0x2f4: {  	[sflag:s12] =	ssyncadd.s32 $0xFFFFFE00  }
0x2f5: {  	_ =	sfence.sel $0x180000  }
0x2f6: {  	[bflag:$0x0] =	sbarrier.arrive $0xFFFF  }
0x2f7: {  	_ =	strace $0x90000047  }
0x2f8: {  	s0 =	stileid.u32;
	[bflag:$0x2] =	sbarrier.arrive $0xFFFF  }
0x2f9: {  	p0 =	sne.s32 s0, $0x0;
	s0 =	rddreg [dreg:$0x5]  }
0x2fa: {  	s0 =	sadd.s32 @!p0 $0x100000, s0  }
0x2fb: {  	[sflag:s0] =	ssyncadd.tile.s32 @!p0 $0x1;
	_ =	shalt  }
.Lfunc_end2:
_tile_overlayer_lowered:
.L_overlay_start_2:
0x2fc: {  	(tag) =	ssettag $0x2  }
0x2fd: {  	s0 =	rddreg [dreg:$0x0];
	s2 =	stileid.u32  }
0x2fe: {  	s1 =	rddreg [dreg:$0x1];
	p0 =	sne.s32 s2, $0x0  }
0x2ff: {  	s3 =	rddreg [dreg:$0x2];
	[bflag:$0x3] =	sbarrier.arrive $0xFFFF;
	s2 =	simm.s32 @!p0 $0x1C03  }
0x300: {  	[timem:s3], [sflag:s2] =	dma.local @!p0 [hbm:s0], s1  }
0x301: {  	s0 =	simm.s32 @!p0 $0x3  }
0x302: {  	_ =	swait.ge @!p0 [sflag:s0], s1  }
0x303: {  	s1 =	ssub.s32 @!p0 $0x0, s1;
	[sflag:s0] =	ssyncset.done @!p0 $0x0  }
0x304: {  	[sflag:s0] =	ssyncadd.s32 @!p0 s1  }
0x305: {  	[bflag:$0x3] =	sbarrier.arrive $0xFFFF  }
0x306: {  	_ =	shalt  }

</sc_bundles>
